<compile_context>
chip_gen: v7x
topology: tpu7x:2x2x1
jax: 0.10.2.dev20260603
libtpu: 0.0.44.dev20260713+nightly
codegen_flags: <defaults>
</compile_context>

<pallas_src>
import functools

import jax
import jax.numpy as jnp
from jax import lax
from jax.experimental import pallas as pl
from jax.experimental.pallas import tpu as pltpu
from jax.experimental.pallas import tpu_sc as plsc

_N = 10000
_E = 320000
_D = 128
_H = 128
_OUT = 64
_B = 1024

_NC = 2
_NS = 16
_NW = _NC * _NS
_EPW = _E // _NW
_K = 80
_NCHUNK = _EPW // _K
_NPAD = 10112
_RPT = _NPAD // _NS

_KW = 80
_EPAD = _EPW + 176
_DUMPI = _EPW + 160
_WPAD = 1280
_WRPT = _WPAD // _NS

_ROWS_TC = 1000
_GRID_TC = _N // _ROWS_TC

_sc_mesh = plsc.VectorSubcoreMesh(core_axis_name="c", subcore_axis_name="s")


_RING = 5


@functools.partial(
    pl.kernel,
    out_type=(
        jax.ShapeDtypeStruct((_NC * _NPAD,), jnp.float32),
        jax.ShapeDtypeStruct((_NW * _EPAD,), jnp.int32),
        jax.ShapeDtypeStruct((_NW * _EPAD,), jnp.int32),
        jax.ShapeDtypeStruct((_NW * 16,), jnp.int32),
    ),
    mesh=_sc_mesh,
    compiler_params=pltpu.CompilerParams(needs_layout_passes=False),
    scratch_types=[
        pltpu.VMEM((_EPW,), jnp.int32),
        pltpu.VMEM((_EPW,), jnp.int32),
        pltpu.VMEM((16,), jnp.int32),
        pltpu.VMEM((_EPAD,), jnp.int32),
        pltpu.VMEM((_EPAD,), jnp.int32),
        pltpu.VMEM((16,), jnp.int32),
        pltpu.VMEM((_K,), jnp.float32),
        pltpu.VMEM((_RPT,), jnp.float32),
        pltpu.VMEM_SHARED((_NPAD,), jnp.float32),
        [pltpu.SemaphoreType.DMA] * _RING,
    ],
)
def _deg_kernel(src_hbm, dst_hbm, win_hbm,
                deg_hbm, fsrc_hbm, fdst_hbm, fcnt_hbm,
                src_v, dst_v, win_v, fsrc_v, fdst_v, cnt_v,
                ones_v, stage_v, acc_sh, sems):
    c = lax.axis_index("c")
    s = lax.axis_index("s")
    w = c * _NS + s
    base = w * _EPW
    rstart = s * _RPT
    one = jnp.ones((16,), jnp.float32)
    zero = jnp.zeros((16,), jnp.float32)
    for i in range(_K // 16):
        ones_v[pl.ds(i * 16, 16)] = one
    for i in range(_RPT // 16):
        stage_v[pl.ds(i * 16, 16)] = zero
    stage_v[pl.ds(_RPT - 16, 16)] = zero
    pltpu.sync_copy(src_hbm.at[pl.ds(base, _EPW)], src_v)
    pltpu.sync_copy(dst_hbm.at[pl.ds(base, _EPW)], dst_v)
    pltpu.sync_copy(win_hbm, win_v)
    pltpu.sync_copy(stage_v, acc_sh.at[pl.ds(rstart, _RPT)])
    plsc.subcore_barrier()

    def fire(j, b):
        pltpu.async_copy(ones_v, acc_sh.at[dst_v.at[pl.ds(j * _K, _K)]],
                         sems[b], add=True)

    def drain(b):
        pltpu.make_async_copy(ones_v,
                              acc_sh.at[dst_v.at[pl.ds(0, _K)]],
                              sems[b]).wait()

    for b in range(_RING):
        fire(b, b)

    def round_(i, carry):
        for b in range(_RING):
            drain(b)
            fire(_RING * (i + 1) + b, b)
        return carry

    lax.fori_loop(0, _NCHUNK // _RING - 1, round_, 0)

    wl = win_v[...]
    iota16 = lax.iota(jnp.int32, 16)
    dumpv = _DUMPI + iota16
    dump = jnp.full((16,), _B, jnp.int32)
    zi = jnp.zeros((16,), jnp.int32)

    def prefill(i, carry):
        fdst_v[pl.ds(i * 16, 16)] = dump
        fsrc_v[pl.ds(i * 16, 16)] = zi
        return carry

    lax.fori_loop(0, _EPAD // 16, prefill, 0)

    def filt(i, cntv):
        dv = dst_v[pl.ds(i * 16, 16)]
        sv = src_v[pl.ds(i * 16, 16)]
        dr = dv - wl
        m = (dr >= 0) & (dr < _B)
        csum = plsc.cumsum(jnp.where(m, jnp.int32(1), jnp.int32(0)))
        pos = jnp.where(m, cntv + csum - 1, dumpv)
        plsc.store_scatter(fdst_v, [pos], dr)
        plsc.store_scatter(fsrc_v, [pos], sv)
        return cntv + plsc.all_reduce_population_count(m)

    cntv = lax.fori_loop(0, _EPW // 16, filt, jnp.zeros((16,), jnp.int32))
    cnt_v[...] = cntv
    pltpu.sync_copy(fsrc_v, fsrc_hbm.at[pl.ds(w * _EPAD, _EPAD)])
    pltpu.sync_copy(fdst_v, fdst_hbm.at[pl.ds(w * _EPAD, _EPAD)])
    pltpu.sync_copy(cnt_v, fcnt_hbm.at[pl.ds(w * 16, 16)])

    for b in range(_RING):
        drain(b)
    plsc.subcore_barrier()
    pltpu.sync_copy(acc_sh.at[pl.ds(rstart, _RPT)], stage_v)
    pltpu.sync_copy(stage_v, deg_hbm.at[pl.ds(c * _NPAD + rstart, _RPT)])


@functools.partial(
    pl.kernel,
    out_type=jax.ShapeDtypeStruct((_NC, _NPAD, _H), jnp.float32),
    mesh=_sc_mesh,
    scratch_types=[
        pltpu.VMEM((_EPW,), jnp.int32),
        pltpu.VMEM((_EPW,), jnp.int32),
        pltpu.VMEM((_K, _H), jnp.float32),
        pltpu.VMEM((_K, _H), jnp.float32),
        pltpu.VMEM_SHARED((_NPAD, _H), jnp.float32),
        pltpu.SemaphoreType.DMA,
        pltpu.SemaphoreType.DMA,
        pltpu.SemaphoreType.DMA,
        pltpu.SemaphoreType.DMA,
    ],
)
def _agg_kernel(src_hbm, dst_hbm, table_hbm, zeros_hbm, out_hbm,
                src_v, dst_v, r0, r1, acc_sh, g0, g1, ss0, ss1):
    c = lax.axis_index("c")
    s = lax.axis_index("s")
    base = (c * _NS + s) * _EPW
    rstart = s * _RPT
    pltpu.sync_copy(src_hbm.at[pl.ds(base, _EPW)], src_v)
    pltpu.sync_copy(dst_hbm.at[pl.ds(base, _EPW)], dst_v)
    pltpu.sync_copy(zeros_hbm, acc_sh.at[pl.ds(rstart, _RPT)])
    plsc.subcore_barrier()

    def gather(j, r, sem):
        pltpu.async_copy(table_hbm.at[src_v.at[pl.ds(j * _K, _K)]], r, sem)

    def drain_gather(r, sem):
        pltpu.make_async_copy(table_hbm.at[src_v.at[pl.ds(0, _K)]], r,
                              sem).wait()

    def scatter(j, r, sem):
        pltpu.async_copy(r, acc_sh.at[dst_v.at[pl.ds(j * _K, _K)]],
                         sem, add=True)

    def drain_scatter(r, sem):
        pltpu.make_async_copy(r, acc_sh.at[dst_v.at[pl.ds(0, _K)]],
                              sem).wait()

    gather(0, r0, g0)

    def chunk(i, carry):
        def even(_):
            @pl.when(i > 0)
            def _():
                drain_scatter(r1, ss1)
            gather(i + 1, r1, g1)
            drain_gather(r0, g0)
            scatter(i, r0, ss0)
            return 0

        def odd(_):
            drain_scatter(r0, ss0)
            gather(i + 1, r0, g0)
            drain_gather(r1, g1)
            scatter(i, r1, ss1)
            return 0

        return lax.cond(i % 2 == 0, even, odd, 0)

    lax.fori_loop(0, _NCHUNK - 1, chunk, 0)
    drain_scatter(r1, ss1)
    drain_gather(r0, g0)
    scatter(_NCHUNK - 1, r0, ss0)
    drain_scatter(r0, ss0)
    plsc.subcore_barrier()
    pltpu.sync_copy(acc_sh.at[pl.ds(rstart, _RPT)],
                    out_hbm.at[c, pl.ds(rstart, _RPT)])


@functools.partial(
    pl.kernel,
    out_type=jax.ShapeDtypeStruct((_NC, _WPAD, _H), jnp.float32),
    mesh=_sc_mesh,
    compiler_params=pltpu.CompilerParams(needs_layout_passes=False),
    scratch_types=[
        pltpu.VMEM((_EPAD,), jnp.int32),
        pltpu.VMEM((_EPAD,), jnp.int32),
        pltpu.VMEM((16,), jnp.int32),
        pltpu.VMEM((_KW, _H), jnp.float32),
        pltpu.VMEM((_KW, _H), jnp.float32),
        pltpu.VMEM_SHARED((_WPAD, _H), jnp.float32),
        pltpu.SemaphoreType.DMA,
        pltpu.SemaphoreType.DMA,
        pltpu.SemaphoreType.DMA,
        pltpu.SemaphoreType.DMA,
    ],
)
def _wagg_kernel(fsrc_hbm, fdst_hbm, fcnt_hbm, table_hbm, zeros_hbm, out_hbm,
                 src_v, dst_v, cnt_v, r0, r1, acc_sh, g0, g1, ss0, ss1):
    c = lax.axis_index("c")
    s = lax.axis_index("s")
    w = c * _NS + s
    pltpu.sync_copy(fsrc_hbm.at[pl.ds(w * _EPAD, _EPAD)], src_v)
    pltpu.sync_copy(fdst_hbm.at[pl.ds(w * _EPAD, _EPAD)], dst_v)
    pltpu.sync_copy(fcnt_hbm.at[pl.ds(w * 16, 16)], cnt_v)
    pltpu.sync_copy(zeros_hbm.at[pl.ds(0, _WRPT)],
                    acc_sh.at[pl.ds(s * _WRPT, _WRPT)])
    plsc.subcore_barrier()

    cnt = jnp.max(cnt_v[...])
    last = jnp.maximum((cnt + (_KW - 1)) // _KW, 1) - 1

    def gather(j, r, sem):
        pltpu.async_copy(table_hbm.at[src_v.at[pl.ds(j * _KW, _KW)]], r, sem)

    def drain_gather(r, sem):
        pltpu.make_async_copy(table_hbm.at[src_v.at[pl.ds(0, _KW)]], r,
                              sem).wait()

    def scatter(j, r, sem):
        pltpu.async_copy(r, acc_sh.at[dst_v.at[pl.ds(j * _KW, _KW)]],
                         sem, add=True)

    def drain_scatter(r, sem):
        pltpu.make_async_copy(r, acc_sh.at[dst_v.at[pl.ds(0, _KW)]],
                              sem).wait()

    gather(0, r0, g0)

    def chunk(i, carry):
        def even(_):
            @pl.when(i > 0)
            def _():
                drain_scatter(r1, ss1)
            gather(i + 1, r1, g1)
            drain_gather(r0, g0)
            scatter(i, r0, ss0)
            return 0

        def odd(_):
            drain_scatter(r0, ss0)
            gather(i + 1, r0, g0)
            drain_gather(r1, g1)
            scatter(i, r1, ss1)
            return 0

        return lax.cond(i % 2 == 0, even, odd, 0)

    lax.fori_loop(0, last, chunk, 0)

    def ep_even(_):
        @pl.when(last > 0)
        def _():
            drain_scatter(r1, ss1)
        drain_gather(r0, g0)
        scatter(last, r0, ss0)
        drain_scatter(r0, ss0)
        return 0

    def ep_odd(_):
        drain_scatter(r0, ss0)
        drain_gather(r1, g1)
        scatter(last, r1, ss1)
        drain_scatter(r1, ss1)
        return 0

    lax.cond(last % 2 == 0, ep_even, ep_odd, 0)
    plsc.subcore_barrier()
    pltpu.sync_copy(acc_sh.at[pl.ds(s * _WRPT, _WRPT)],
                    out_hbm.at[c, pl.ds(s * _WRPT, _WRPT)])


def _mm_body(x_ref, w_ref, o_ref):
    o_ref[...] = jnp.dot(x_ref[...], w_ref[...],
                         preferred_element_type=jnp.float32)


_mm_call = pl.pallas_call(
    _mm_body,
    grid=(_GRID_TC,),
    in_specs=[
        pl.BlockSpec((_ROWS_TC, _D), lambda i: (i, 0)),
        pl.BlockSpec((_D, _H), lambda i: (0, 0)),
    ],
    out_specs=pl.BlockSpec((_ROWS_TC, _H), lambda i: (i, 0)),
    out_shape=jax.ShapeDtypeStruct((_N, _H), jnp.float32),
)


def _dinv_of(deg_ref):
    d = deg_ref[0] + deg_ref[1] + 1.0
    return lax.rsqrt(d)


def _scale_body(deg_ref, xw_ref, o_ref):
    o_ref[...] = xw_ref[...] * _dinv_of(deg_ref)


_scale_call = pl.pallas_call(
    _scale_body,
    grid=(_GRID_TC,),
    in_specs=[
        pl.BlockSpec((_NC, _ROWS_TC, 1), lambda i: (0, i, 0)),
        pl.BlockSpec((_ROWS_TC, _H), lambda i: (i, 0)),
    ],
    out_specs=pl.BlockSpec((_ROWS_TC, _H), lambda i: (i, 0)),
    out_shape=jax.ShapeDtypeStruct((_N, _H), jnp.float32),
)


def _mid_body(deg_ref, acc_ref, xws_ref, b1_ref, w2_ref, o_ref):
    dinv = _dinv_of(deg_ref)
    h1 = acc_ref[0] + acc_ref[1] + xws_ref[...]
    h1 = jnp.maximum(h1 * dinv + b1_ref[...], 0.0)
    o_ref[...] = jnp.dot(h1, w2_ref[...],
                         preferred_element_type=jnp.float32) * dinv


_mid_call = pl.pallas_call(
    _mid_body,
    grid=(_GRID_TC,),
    in_specs=[
        pl.BlockSpec((_NC, _ROWS_TC, 1), lambda i: (0, i, 0)),
        pl.BlockSpec((_NC, _ROWS_TC, _H), lambda i: (0, i, 0)),
        pl.BlockSpec((_ROWS_TC, _H), lambda i: (i, 0)),
        pl.BlockSpec((1, _H), lambda i: (0, 0)),
        pl.BlockSpec((_H, _H), lambda i: (0, 0)),
    ],
    out_specs=pl.BlockSpec((_ROWS_TC, _H), lambda i: (i, 0)),
    out_shape=jax.ShapeDtypeStruct((_N, _H), jnp.float32),
)


def _head_body(deg_ref, acc_ref, xws_ref, b2_ref, wm1_ref, bm1_ref,
               wm2_ref, bm2_ref, o_ref):
    dinv = _dinv_of(deg_ref)
    h2 = (acc_ref[0] + acc_ref[1] + xws_ref[...]) * dinv + b2_ref[...]
    t = jnp.maximum(jnp.dot(h2, wm1_ref[...],
                            preferred_element_type=jnp.float32)
                    + bm1_ref[...], 0.0)
    o = jnp.dot(t, wm2_ref[...],
                preferred_element_type=jnp.float32) + bm2_ref[...]
    o = o - jnp.max(o, axis=1, keepdims=True)
    e = jnp.exp(o)
    o_ref[...] = e / jnp.sum(e, axis=1, keepdims=True)


_head_call = pl.pallas_call(
    _head_body,
    in_specs=[
        pl.BlockSpec((_NC, _B, 1), lambda: (0, 0, 0)),
        pl.BlockSpec((_NC, _B, _H), lambda: (0, 0, 0)),
        pl.BlockSpec((_B, _H), lambda: (0, 0)),
        pl.BlockSpec((1, _H), lambda: (0, 0)),
        pl.BlockSpec((_H, _H), lambda: (0, 0)),
        pl.BlockSpec((1, _H), lambda: (0, 0)),
        pl.BlockSpec((_H, _OUT), lambda: (0, 0)),
        pl.BlockSpec((1, _OUT), lambda: (0, 0)),
    ],
    out_specs=pl.BlockSpec((_B, _OUT), lambda: (0, 0)),
    out_shape=jax.ShapeDtypeStruct((_B, _OUT), jnp.float32),
)


def kernel(x, edge_index, n2v, batch_size,
           W1, b1, W2, b2, Wm1, bm1, Wm2, bm2):
    del n2v
    e = edge_index.astype(jnp.int32)
    src, dst = e[0], e[1]
    zerosH = jnp.zeros((_RPT, _H), jnp.float32)

    wl = jnp.clip(batch_size - _B, 0, _N - _B).astype(jnp.int32)
    win16 = jnp.broadcast_to(wl, (16,))
    deg_flat, fsrc, fdst, fcnt = _deg_kernel(src, dst, win16)
    deg3 = deg_flat.reshape(_NC, _NPAD, 1)
    xw1 = _mm_call(x, W1)
    xws1 = _scale_call(deg3, xw1)
    acc1 = _agg_kernel(src, dst, xws1, zerosH)
    xws2 = _mid_call(deg3, acc1, xws1, b1.reshape(1, _H), W2)
    acc_w = _wagg_kernel(fsrc, fdst, fcnt, xws2, zerosH)

    deg_w = lax.dynamic_slice_in_dim(deg3, wl, _B, axis=1)
    xws_w = lax.dynamic_slice_in_dim(xws2, wl, _B, axis=0)
    return _head_call(deg_w, acc_w[:, :_B], xws_w, b2.reshape(1, _H),
                      Wm1, bm1.reshape(1, _H), Wm2, bm2.reshape(1, _OUT))

# --- scband reference (transcript-rebuilt; emitter-appended) ---
"""Pipeline reference for scband-gcnnetwork-37641093382622 (READ-ONLY COPY).

The authoritative reference and input builder live on the scoring server;
editing this copy changes nothing except your own understanding.
"""

import jax, jax.numpy as jnp
import numpy as np

N = 10000
E = 320000
D = 128
H = 128
OUT = 64
BATCH_SIZE = 1024


def setup_inputs(seed: int = 0) -> dict:
    key = jax.random.key(seed)
    ks = jax.random.split(key, 12)
    x = jax.random.normal(ks[0], (N, D), dtype=jnp.float32)
    edge_index = jax.random.randint(ks[1], (2, E), 0, N)
    n2v = jax.random.normal(ks[2], (N, 64), dtype=jnp.float32)
    # GCNConv layer 1: in=D, out=H
    W1 = jax.random.normal(ks[3], (D, H), dtype=jnp.float32) * (1.0 / np.sqrt(D))
    b1 = jnp.zeros((H,), dtype=jnp.float32)
    # GCNConv layer 2: in=H, out=H
    W2 = jax.random.normal(ks[4], (H, H), dtype=jnp.float32) * (1.0 / np.sqrt(H))
    b2 = jnp.zeros((H,), dtype=jnp.float32)
    # MLP: Linear(H,H) -> ReLU -> Linear(H,OUT)
    Wm1 = jax.random.normal(ks[5], (H, H), dtype=jnp.float32) * (1.0 / np.sqrt(H))
    bm1 = jnp.zeros((H,), dtype=jnp.float32)
    Wm2 = jax.random.normal(ks[6], (H, OUT), dtype=jnp.float32) * (1.0 / np.sqrt(H))
    bm2 = jnp.zeros((OUT,), dtype=jnp.float32)
    return {"x": x, "edge_index": edge_index, "n2v": n2v, "batch_size": BATCH_SIZE,
            "W1": W1, "b1": b1, "W2": W2, "b2": b2,
            "Wm1": Wm1, "bm1": bm1, "Wm2": Wm2, "bm2": bm2}


def gcn_conv(x, edge_index, W, b, n_nodes):
    # GCNConv with added self-loops and symmetric normalization (PyG semantics)
    self_loop = jnp.arange(n_nodes, dtype=edge_index.dtype)
    src = jnp.concatenate([edge_index[0], self_loop])
    dst = jnp.concatenate([edge_index[1], self_loop])
    deg = jnp.zeros((n_nodes,), dtype=x.dtype).at[dst].add(1.0)
    deg_inv_sqrt = jnp.where(deg > 0, deg ** -0.5, 0.0)
    norm = deg_inv_sqrt[src] * deg_inv_sqrt[dst]
    xw = x @ W
    msg = xw[src] * norm[:, None]
    out = jax.ops.segment_sum(msg, dst, num_segments=n_nodes)
    return out + b


def reference(x, edge_index, n2v, batch_size, W1, b1, W2, b2, Wm1, bm1, Wm2, bm2):
    # with_n2v=False -> n2v unused
    h = gcn_conv(x, edge_index, W1, b1, N)
    h = jax.nn.relu(h)
    h = gcn_conv(h, edge_index, W2, b2, N)  # last GNN layer: no activation
    # MLP: Linear -> ReLU -> Linear
    h = jax.nn.relu(h @ Wm1 + bm1)
    h = h @ Wm2 + bm2
    h = jax.lax.dynamic_slice_in_dim(h, batch_size - BATCH_SIZE, BATCH_SIZE, axis=0)
    return jax.nn.softmax(h, axis=1)

if __name__ == "__main__":
    import jax
    _d = setup_inputs()
    print(jax.jit(kernel)(*tuple(_d.values())))

</pallas_src>

<mosaic_0001>
#map = affine_map<(d0, d1) -> (0)>
module attributes {stable_mosaic.version = 14 : i64} {
  func.func @_deg_kernel(%arg0: i32, %arg1: i32, %arg2: memref<320000xi32, #tpu.memory_space<hbm>>, %arg3: memref<320000xi32, #tpu.memory_space<hbm>>, %arg4: memref<16xi32, #tpu.memory_space<hbm>>, %arg5: memref<20224xf32, #tpu.memory_space<hbm>>, %arg6: memref<325632xi32, #tpu.memory_space<hbm>>, %arg7: memref<325632xi32, #tpu.memory_space<hbm>>, %arg8: memref<512xi32, #tpu.memory_space<hbm>>, %arg9: memref<10000xi32, #tpu.memory_space<vmem>>, %arg10: memref<10000xi32, #tpu.memory_space<vmem>>, %arg11: memref<16xi32, #tpu.memory_space<vmem>>, %arg12: memref<10176xi32, #tpu.memory_space<vmem>>, %arg13: memref<10176xi32, #tpu.memory_space<vmem>>, %arg14: memref<16xi32, #tpu.memory_space<vmem>>, %arg15: memref<80xf32, #tpu.memory_space<vmem>>, %arg16: memref<632xf32, #tpu.memory_space<vmem>>, %arg17: memref<10112xf32, #tpu.memory_space<vmem_shared>>, %arg18: memref<!tpu.dma_semaphore, #tpu.memory_space<semaphore_mem>>, %arg19: memref<!tpu.dma_semaphore, #tpu.memory_space<semaphore_mem>>, %arg20: memref<!tpu.dma_semaphore, #tpu.memory_space<semaphore_mem>>, %arg21: memref<!tpu.dma_semaphore, #tpu.memory_space<semaphore_mem>>, %arg22: memref<!tpu.dma_semaphore, #tpu.memory_space<semaphore_mem>>) attributes {dimension_semantics = [#tpu.dimension_semantics<core_parallel>, #tpu.dimension_semantics<subcore_parallel>], iteration_bounds = array<i64: 2, 16>, scalar_prefetch = 0 : i64, scratch_operands = 14 : i64, tpu.core_type = #tpu.core_type<sc_vector_subcore>, window_params = [{transform_indices = #map}, {transform_indices = #map}, {transform_indices = #map}, {transform_indices = #map}, {transform_indices = #map}, {transform_indices = #map}, {transform_indices = #map}]} {
    %mul3A = arith.constant 16 : i32
    %mul3A_0 = arith.muli %arg0, %mul3A : i32
    %add3A = arith.addi %mul3A_0, %arg1 : i32
    %mul3A_1 = arith.constant 10000 : i32
    %mul3A_2 = arith.muli %add3A, %mul3A_1 : i32
    %mul3A_3 = arith.constant 632 : i32
    %mul3A_4 = arith.muli %arg1, %mul3A_3 : i32
    %broadcast_in_dim3A = arith.constant 1.000000e+00 : f32
    %broadcast_in_dim3A_5 = vector.broadcast %broadcast_in_dim3A : f32 to vector<16xf32>
    %broadcast_in_dim3A_6 = arith.constant 0.000000e+00 : f32
    %broadcast_in_dim3A_7 = vector.broadcast %broadcast_in_dim3A_6 : f32 to vector<16xf32>
    %swap3A = arith.constant 0 : index
    %swap3A_8 = tpu.vector_load %arg15[%swap3A] {strides = array<i32>} : memref<80xf32, #tpu.memory_space<vmem>>, vector<16xf32>,
    tpu.vector_store %arg15[%swap3A], %broadcast_in_dim3A_5 {strides = array<i32>} : memref<80xf32, #tpu.memory_space<vmem>>, vector<16xf32>,
    %swap3A_9 = arith.constant 16 : index
    %swap3A_10 = tpu.vector_load %arg15[%swap3A_9] {strides = array<i32>} : memref<80xf32, #tpu.memory_space<vmem>>, vector<16xf32>,
    tpu.vector_store %arg15[%swap3A_9], %broadcast_in_dim3A_5 {strides = array<i32>} : memref<80xf32, #tpu.memory_space<vmem>>, vector<16xf32>,
    %swap3A_11 = arith.constant 32 : index
    %swap3A_12 = tpu.vector_load %arg15[%swap3A_11] {strides = array<i32>} : memref<80xf32, #tpu.memory_space<vmem>>, vector<16xf32>,
    tpu.vector_store %arg15[%swap3A_11], %broadcast_in_dim3A_5 {strides = array<i32>} : memref<80xf32, #tpu.memory_space<vmem>>, vector<16xf32>,
    %swap3A_13 = arith.constant 48 : index
    %swap3A_14 = tpu.vector_load %arg15[%swap3A_13] {strides = array<i32>} : memref<80xf32, #tpu.memory_space<vmem>>, vector<16xf32>,
    tpu.vector_store %arg15[%swap3A_13], %broadcast_in_dim3A_5 {strides = array<i32>} : memref<80xf32, #tpu.memory_space<vmem>>, vector<16xf32>,
    %swap3A_15 = arith.constant 64 : index
    %swap3A_16 = tpu.vector_load %arg15[%swap3A_15] {strides = array<i32>} : memref<80xf32, #tpu.memory_space<vmem>>, vector<16xf32>,
    tpu.vector_store %arg15[%swap3A_15], %broadcast_in_dim3A_5 {strides = array<i32>} : memref<80xf32, #tpu.memory_space<vmem>>, vector<16xf32>,
    %swap3A_17 = arith.constant 0 : index
    %swap3A_18 = tpu.vector_load %arg16[%swap3A_17] {strides = array<i32>} : memref<632xf32, #tpu.memory_space<vmem>>, vector<16xf32>,
    tpu.vector_store %arg16[%swap3A_17], %broadcast_in_dim3A_7 {strides = array<i32>} : memref<632xf32, #tpu.memory_space<vmem>>, vector<16xf32>,
    %swap3A_19 = arith.constant 16 : index
    %swap3A_20 = tpu.vector_load %arg16[%swap3A_19] {strides = array<i32>} : memref<632xf32, #tpu.memory_space<vmem>>, vector<16xf32>,
    tpu.vector_store %arg16[%swap3A_19], %broadcast_in_dim3A_7 {strides = array<i32>} : memref<632xf32, #tpu.memory_space<vmem>>, vector<16xf32>,
    %swap3A_21 = arith.constant 32 : index
    %swap3A_22 = tpu.vector_load %arg16[%swap3A_21] {strides = array<i32>} : memref<632xf32, #tpu.memory_space<vmem>>, vector<16xf32>,
    tpu.vector_store %arg16[%swap3A_21], %broadcast_in_dim3A_7 {strides = array<i32>} : memref<632xf32, #tpu.memory_space<vmem>>, vector<16xf32>,
    %swap3A_23 = arith.constant 48 : index
    %swap3A_24 = tpu.vector_load %arg16[%swap3A_23] {strides = array<i32>} : memref<632xf32, #tpu.memory_space<vmem>>, vector<16xf32>,
    tpu.vector_store %arg16[%swap3A_23], %broadcast_in_dim3A_7 {strides = array<i32>} : memref<632xf32, #tpu.memory_space<vmem>>, vector<16xf32>,
    %swap3A_25 = arith.constant 64 : index
    %swap3A_26 = tpu.vector_load %arg16[%swap3A_25] {strides = array<i32>} : memref<632xf32, #tpu.memory_space<vmem>>, vector<16xf32>,
    tpu.vector_store %arg16[%swap3A_25], %broadcast_in_dim3A_7 {strides = array<i32>} : memref<632xf32, #tpu.memory_space<vmem>>, vector<16xf32>,
    %swap3A_27 = arith.constant 80 : index
    %swap3A_28 = tpu.vector_load %arg16[%swap3A_27] {strides = array<i32>} : memref<632xf32, #tpu.memory_space<vmem>>, vector<16xf32>,
    tpu.vector_store %arg16[%swap3A_27], %broadcast_in_dim3A_7 {strides = array<i32>} : memref<632xf32, #tpu.memory_space<vmem>>, vector<16xf32>,
    %swap3A_29 = arith.constant 96 : index
    %swap3A_30 = tpu.vector_load %arg16[%swap3A_29] {strides = array<i32>} : memref<632xf32, #tpu.memory_space<vmem>>, vector<16xf32>,
    tpu.vector_store %arg16[%swap3A_29], %broadcast_in_dim3A_7 {strides = array<i32>} : memref<632xf32, #tpu.memory_space<vmem>>, vector<16xf32>,
    %swap3A_31 = arith.constant 112 : index
    %swap3A_32 = tpu.vector_load %arg16[%swap3A_31] {strides = array<i32>} : memref<632xf32, #tpu.memory_space<vmem>>, vector<16xf32>,
    tpu.vector_store %arg16[%swap3A_31], %broadcast_in_dim3A_7 {strides = array<i32>} : memref<632xf32, #tpu.memory_space<vmem>>, vector<16xf32>,
    %swap3A_33 = arith.constant 128 : index
    %swap3A_34 = tpu.vector_load %arg16[%swap3A_33] {strides = array<i32>} : memref<632xf32, #tpu.memory_space<vmem>>, vector<16xf32>,
    tpu.vector_store %arg16[%swap3A_33], %broadcast_in_dim3A_7 {strides = array<i32>} : memref<632xf32, #tpu.memory_space<vmem>>, vector<16xf32>,
    %swap3A_35 = arith.constant 144 : index
    %swap3A_36 = tpu.vector_load %arg16[%swap3A_35] {strides = array<i32>} : memref<632xf32, #tpu.memory_space<vmem>>, vector<16xf32>,
    tpu.vector_store %arg16[%swap3A_35], %broadcast_in_dim3A_7 {strides = array<i32>} : memref<632xf32, #tpu.memory_space<vmem>>, vector<16xf32>,
    %swap3A_37 = arith.constant 160 : index
    %swap3A_38 = tpu.vector_load %arg16[%swap3A_37] {strides = array<i32>} : memref<632xf32, #tpu.memory_space<vmem>>, vector<16xf32>,
    tpu.vector_store %arg16[%swap3A_37], %broadcast_in_dim3A_7 {strides = array<i32>} : memref<632xf32, #tpu.memory_space<vmem>>, vector<16xf32>,
    %swap3A_39 = arith.constant 176 : index
    %swap3A_40 = tpu.vector_load %arg16[%swap3A_39] {strides = array<i32>} : memref<632xf32, #tpu.memory_space<vmem>>, vector<16xf32>,
    tpu.vector_store %arg16[%swap3A_39], %broadcast_in_dim3A_7 {strides = array<i32>} : memref<632xf32, #tpu.memory_space<vmem>>, vector<16xf32>,
    %swap3A_41 = arith.constant 192 : index
    %swap3A_42 = tpu.vector_load %arg16[%swap3A_41] {strides = array<i32>} : memref<632xf32, #tpu.memory_space<vmem>>, vector<16xf32>,
    tpu.vector_store %arg16[%swap3A_41], %broadcast_in_dim3A_7 {strides = array<i32>} : memref<632xf32, #tpu.memory_space<vmem>>, vector<16xf32>,
    %swap3A_43 = arith.constant 208 : index
    %swap3A_44 = tpu.vector_load %arg16[%swap3A_43] {strides = array<i32>} : memref<632xf32, #tpu.memory_space<vmem>>, vector<16xf32>,
    tpu.vector_store %arg16[%swap3A_43], %broadcast_in_dim3A_7 {strides = array<i32>} : memref<632xf32, #tpu.memory_space<vmem>>, vector<16xf32>,
    %swap3A_45 = arith.constant 224 : index
    %swap3A_46 = tpu.vector_load %arg16[%swap3A_45] {strides = array<i32>} : memref<632xf32, #tpu.memory_space<vmem>>, vector<16xf32>,
    tpu.vector_store %arg16[%swap3A_45], %broadcast_in_dim3A_7 {strides = array<i32>} : memref<632xf32, #tpu.memory_space<vmem>>, vector<16xf32>,
    %swap3A_47 = arith.constant 240 : index
    %swap3A_48 = tpu.vector_load %arg16[%swap3A_47] {strides = array<i32>} : memref<632xf32, #tpu.memory_space<vmem>>, vector<16xf32>,
    tpu.vector_store %arg16[%swap3A_47], %broadcast_in_dim3A_7 {strides = array<i32>} : memref<632xf32, #tpu.memory_space<vmem>>, vector<16xf32>,
    %swap3A_49 = arith.constant 256 : index
    %swap3A_50 = tpu.vector_load %arg16[%swap3A_49] {strides = array<i32>} : memref<632xf32, #tpu.memory_space<vmem>>, vector<16xf32>,
    tpu.vector_store %arg16[%swap3A_49], %broadcast_in_dim3A_7 {strides = array<i32>} : memref<632xf32, #tpu.memory_space<vmem>>, vector<16xf32>,
    %swap3A_51 = arith.constant 272 : index
    %swap3A_52 = tpu.vector_load %arg16[%swap3A_51] {strides = array<i32>} : memref<632xf32, #tpu.memory_space<vmem>>, vector<16xf32>,
    tpu.vector_store %arg16[%swap3A_51], %broadcast_in_dim3A_7 {strides = array<i32>} : memref<632xf32, #tpu.memory_space<vmem>>, vector<16xf32>,
    %swap3A_53 = arith.constant 288 : index
    %swap3A_54 = tpu.vector_load %arg16[%swap3A_53] {strides = array<i32>} : memref<632xf32, #tpu.memory_space<vmem>>, vector<16xf32>,
    tpu.vector_store %arg16[%swap3A_53], %broadcast_in_dim3A_7 {strides = array<i32>} : memref<632xf32, #tpu.memory_space<vmem>>, vector<16xf32>,
    %swap3A_55 = arith.constant 304 : index
    %swap3A_56 = tpu.vector_load %arg16[%swap3A_55] {strides = array<i32>} : memref<632xf32, #tpu.memory_space<vmem>>, vector<16xf32>,
    tpu.vector_store %arg16[%swap3A_55], %broadcast_in_dim3A_7 {strides = array<i32>} : memref<632xf32, #tpu.memory_space<vmem>>, vector<16xf32>,
    %swap3A_57 = arith.constant 320 : index
    %swap3A_58 = tpu.vector_load %arg16[%swap3A_57] {strides = array<i32>} : memref<632xf32, #tpu.memory_space<vmem>>, vector<16xf32>,
    tpu.vector_store %arg16[%swap3A_57], %broadcast_in_dim3A_7 {strides = array<i32>} : memref<632xf32, #tpu.memory_space<vmem>>, vector<16xf32>,
    %swap3A_59 = arith.constant 336 : index
    %swap3A_60 = tpu.vector_load %arg16[%swap3A_59] {strides = array<i32>} : memref<632xf32, #tpu.memory_space<vmem>>, vector<16xf32>,
    tpu.vector_store %arg16[%swap3A_59], %broadcast_in_dim3A_7 {strides = array<i32>} : memref<632xf32, #tpu.memory_space<vmem>>, vector<16xf32>,
    %swap3A_61 = arith.constant 352 : index
    %swap3A_62 = tpu.vector_load %arg16[%swap3A_61] {strides = array<i32>} : memref<632xf32, #tpu.memory_space<vmem>>, vector<16xf32>,
    tpu.vector_store %arg16[%swap3A_61], %broadcast_in_dim3A_7 {strides = array<i32>} : memref<632xf32, #tpu.memory_space<vmem>>, vector<16xf32>,
    %swap3A_63 = arith.constant 368 : index
    %swap3A_64 = tpu.vector_load %arg16[%swap3A_63] {strides = array<i32>} : memref<632xf32, #tpu.memory_space<vmem>>, vector<16xf32>,
    tpu.vector_store %arg16[%swap3A_63], %broadcast_in_dim3A_7 {strides = array<i32>} : memref<632xf32, #tpu.memory_space<vmem>>, vector<16xf32>,
    %swap3A_65 = arith.constant 384 : index
    %swap3A_66 = tpu.vector_load %arg16[%swap3A_65] {strides = array<i32>} : memref<632xf32, #tpu.memory_space<vmem>>, vector<16xf32>,
    tpu.vector_store %arg16[%swap3A_65], %broadcast_in_dim3A_7 {strides = array<i32>} : memref<632xf32, #tpu.memory_space<vmem>>, vector<16xf32>,
    %swap3A_67 = arith.constant 400 : index
    %swap3A_68 = tpu.vector_load %arg16[%swap3A_67] {strides = array<i32>} : memref<632xf32, #tpu.memory_space<vmem>>, vector<16xf32>,
    tpu.vector_store %arg16[%swap3A_67], %broadcast_in_dim3A_7 {strides = array<i32>} : memref<632xf32, #tpu.memory_space<vmem>>, vector<16xf32>,
    %swap3A_69 = arith.constant 416 : index
    %swap3A_70 = tpu.vector_load %arg16[%swap3A_69] {strides = array<i32>} : memref<632xf32, #tpu.memory_space<vmem>>, vector<16xf32>,
    tpu.vector_store %arg16[%swap3A_69], %broadcast_in_dim3A_7 {strides = array<i32>} : memref<632xf32, #tpu.memory_space<vmem>>, vector<16xf32>,
    %swap3A_71 = arith.constant 432 : index
    %swap3A_72 = tpu.vector_load %arg16[%swap3A_71] {strides = array<i32>} : memref<632xf32, #tpu.memory_space<vmem>>, vector<16xf32>,
    tpu.vector_store %arg16[%swap3A_71], %broadcast_in_dim3A_7 {strides = array<i32>} : memref<632xf32, #tpu.memory_space<vmem>>, vector<16xf32>,
    %swap3A_73 = arith.constant 448 : index
    %swap3A_74 = tpu.vector_load %arg16[%swap3A_73] {strides = array<i32>} : memref<632xf32, #tpu.memory_space<vmem>>, vector<16xf32>,
    tpu.vector_store %arg16[%swap3A_73], %broadcast_in_dim3A_7 {strides = array<i32>} : memref<632xf32, #tpu.memory_space<vmem>>, vector<16xf32>,
    %swap3A_75 = arith.constant 464 : index
    %swap3A_76 = tpu.vector_load %arg16[%swap3A_75] {strides = array<i32>} : memref<632xf32, #tpu.memory_space<vmem>>, vector<16xf32>,
    tpu.vector_store %arg16[%swap3A_75], %broadcast_in_dim3A_7 {strides = array<i32>} : memref<632xf32, #tpu.memory_space<vmem>>, vector<16xf32>,
    %swap3A_77 = arith.constant 480 : index
    %swap3A_78 = tpu.vector_load %arg16[%swap3A_77] {strides = array<i32>} : memref<632xf32, #tpu.memory_space<vmem>>, vector<16xf32>,
    tpu.vector_store %arg16[%swap3A_77], %broadcast_in_dim3A_7 {strides = array<i32>} : memref<632xf32, #tpu.memory_space<vmem>>, vector<16xf32>,
    %swap3A_79 = arith.constant 496 : index
    %swap3A_80 = tpu.vector_load %arg16[%swap3A_79] {strides = array<i32>} : memref<632xf32, #tpu.memory_space<vmem>>, vector<16xf32>,
    tpu.vector_store %arg16[%swap3A_79], %broadcast_in_dim3A_7 {strides = array<i32>} : memref<632xf32, #tpu.memory_space<vmem>>, vector<16xf32>,
    %swap3A_81 = arith.constant 512 : index
    %swap3A_82 = tpu.vector_load %arg16[%swap3A_81] {strides = array<i32>} : memref<632xf32, #tpu.memory_space<vmem>>, vector<16xf32>,
    tpu.vector_store %arg16[%swap3A_81], %broadcast_in_dim3A_7 {strides = array<i32>} : memref<632xf32, #tpu.memory_space<vmem>>, vector<16xf32>,
    %swap3A_83 = arith.constant 528 : index
    %swap3A_84 = tpu.vector_load %arg16[%swap3A_83] {strides = array<i32>} : memref<632xf32, #tpu.memory_space<vmem>>, vector<16xf32>,
    tpu.vector_store %arg16[%swap3A_83], %broadcast_in_dim3A_7 {strides = array<i32>} : memref<632xf32, #tpu.memory_space<vmem>>, vector<16xf32>,
    %swap3A_85 = arith.constant 544 : index
    %swap3A_86 = tpu.vector_load %arg16[%swap3A_85] {strides = array<i32>} : memref<632xf32, #tpu.memory_space<vmem>>, vector<16xf32>,
    tpu.vector_store %arg16[%swap3A_85], %broadcast_in_dim3A_7 {strides = array<i32>} : memref<632xf32, #tpu.memory_space<vmem>>, vector<16xf32>,
    %swap3A_87 = arith.constant 560 : index
    %swap3A_88 = tpu.vector_load %arg16[%swap3A_87] {strides = array<i32>} : memref<632xf32, #tpu.memory_space<vmem>>, vector<16xf32>,
    tpu.vector_store %arg16[%swap3A_87], %broadcast_in_dim3A_7 {strides = array<i32>} : memref<632xf32, #tpu.memory_space<vmem>>, vector<16xf32>,
    %swap3A_89 = arith.constant 576 : index
    %swap3A_90 = tpu.vector_load %arg16[%swap3A_89] {strides = array<i32>} : memref<632xf32, #tpu.memory_space<vmem>>, vector<16xf32>,
    tpu.vector_store %arg16[%swap3A_89], %broadcast_in_dim3A_7 {strides = array<i32>} : memref<632xf32, #tpu.memory_space<vmem>>, vector<16xf32>,
    %swap3A_91 = arith.constant 592 : index
    %swap3A_92 = tpu.vector_load %arg16[%swap3A_91] {strides = array<i32>} : memref<632xf32, #tpu.memory_space<vmem>>, vector<16xf32>,
    tpu.vector_store %arg16[%swap3A_91], %broadcast_in_dim3A_7 {strides = array<i32>} : memref<632xf32, #tpu.memory_space<vmem>>, vector<16xf32>,
    %swap3A_93 = arith.constant 608 : index
    %swap3A_94 = tpu.vector_load %arg16[%swap3A_93] {strides = array<i32>} : memref<632xf32, #tpu.memory_space<vmem>>, vector<16xf32>,
    tpu.vector_store %arg16[%swap3A_93], %broadcast_in_dim3A_7 {strides = array<i32>} : memref<632xf32, #tpu.memory_space<vmem>>, vector<16xf32>,
    %swap3A_95 = arith.constant 616 : index
    %swap3A_96 = tpu.vector_load %arg16[%swap3A_95] {strides = array<i32>} : memref<632xf32, #tpu.memory_space<vmem>>, vector<16xf32>,
    tpu.vector_store %arg16[%swap3A_95], %broadcast_in_dim3A_7 {strides = array<i32>} : memref<632xf32, #tpu.memory_space<vmem>>, vector<16xf32>,
    "tpu.region"() ({
      %run_scoped3A = tpu.sem_alloc : memref<!tpu.dma_semaphore, #tpu.memory_space<semaphore_mem>>
      %dma_start3A_174 = tpu.memref_slice %arg2[%mul3A_2] : memref<320000xi32, #tpu.memory_space<hbm>> -> memref<10000xi32, #tpu.memory_space<hbm>>
      %dma_start3A_175 = tpu.memref_slice %arg2[%mul3A_2] : memref<320000xi32, #tpu.memory_space<hbm>> -> memref<10000xi32, #tpu.memory_space<hbm>>
      tpu.enqueue_dma source(%dma_start3A_175 : memref<10000xi32, #tpu.memory_space<hbm>>) target(%arg9 : memref<10000xi32, #tpu.memory_space<vmem>>) target_semaphore(%run_scoped3A : memref<!tpu.dma_semaphore, #tpu.memory_space<semaphore_mem>>)
      %dma_wait3A_176 = tpu.memref_slice %arg2[%mul3A_2] : memref<320000xi32, #tpu.memory_space<hbm>> -> memref<10000xi32, #tpu.memory_space<hbm>>
      %dma_wait3A_177 = tpu.memref_slice %arg2[%mul3A_2] : memref<320000xi32, #tpu.memory_space<hbm>> -> memref<10000xi32, #tpu.memory_space<hbm>>
      tpu.wait_dma2 semaphore(%run_scoped3A : memref<!tpu.dma_semaphore, #tpu.memory_space<semaphore_mem>>) src(%dma_wait3A_177 : memref<10000xi32, #tpu.memory_space<hbm>>) dst(%arg9 : memref<10000xi32, #tpu.memory_space<vmem>>)
      tpu.yield
    }) : () -> ()
    "tpu.region"() ({
      %run_scoped3A = tpu.sem_alloc : memref<!tpu.dma_semaphore, #tpu.memory_space<semaphore_mem>>
      %dma_start3A_174 = tpu.memref_slice %arg3[%mul3A_2] : memref<320000xi32, #tpu.memory_space<hbm>> -> memref<10000xi32, #tpu.memory_space<hbm>>
      %dma_start3A_175 = tpu.memref_slice %arg3[%mul3A_2] : memref<320000xi32, #tpu.memory_space<hbm>> -> memref<10000xi32, #tpu.memory_space<hbm>>
      tpu.enqueue_dma source(%dma_start3A_175 : memref<10000xi32, #tpu.memory_space<hbm>>) target(%arg10 : memref<10000xi32, #tpu.memory_space<vmem>>) target_semaphore(%run_scoped3A : memref<!tpu.dma_semaphore, #tpu.memory_space<semaphore_mem>>)
      %dma_wait3A_176 = tpu.memref_slice %arg3[%mul3A_2] : memref<320000xi32, #tpu.memory_space<hbm>> -> memref<10000xi32, #tpu.memory_space<hbm>>
      %dma_wait3A_177 = tpu.memref_slice %arg3[%mul3A_2] : memref<320000xi32, #tpu.memory_space<hbm>> -> memref<10000xi32, #tpu.memory_space<hbm>>
      tpu.wait_dma2 semaphore(%run_scoped3A : memref<!tpu.dma_semaphore, #tpu.memory_space<semaphore_mem>>) src(%dma_wait3A_177 : memref<10000xi32, #tpu.memory_space<hbm>>) dst(%arg10 : memref<10000xi32, #tpu.memory_space<vmem>>)
      tpu.yield
    }) : () -> ()
    "tpu.region"() ({
      %run_scoped3A = tpu.sem_alloc : memref<!tpu.dma_semaphore, #tpu.memory_space<semaphore_mem>>
      tpu.enqueue_dma source(%arg4 : memref<16xi32, #tpu.memory_space<hbm>>) target(%arg11 : memref<16xi32, #tpu.memory_space<vmem>>) target_semaphore(%run_scoped3A : memref<!tpu.dma_semaphore, #tpu.memory_space<semaphore_mem>>)
      tpu.wait_dma2 semaphore(%run_scoped3A : memref<!tpu.dma_semaphore, #tpu.memory_space<semaphore_mem>>) src(%arg4 : memref<16xi32, #tpu.memory_space<hbm>>) dst(%arg11 : memref<16xi32, #tpu.memory_space<vmem>>)
      tpu.yield
    }) : () -> ()
    "tpu.region"() ({
      %run_scoped3A = tpu.sem_alloc : memref<!tpu.dma_semaphore, #tpu.memory_space<semaphore_mem>>
      %dma_start3A_174 = tpu.memref_slice %arg17[%mul3A_4] : memref<10112xf32, #tpu.memory_space<vmem_shared>> -> memref<632xf32, #tpu.memory_space<vmem_shared>>
      %dma_start3A_175 = tpu.memref_slice %arg17[%mul3A_4] : memref<10112xf32, #tpu.memory_space<vmem_shared>> -> memref<632xf32, #tpu.memory_space<vmem_shared>>
      tpu.enqueue_dma source(%arg16 : memref<632xf32, #tpu.memory_space<vmem>>) target(%dma_start3A_175 : memref<632xf32, #tpu.memory_space<vmem_shared>>) target_semaphore(%run_scoped3A : memref<!tpu.dma_semaphore, #tpu.memory_space<semaphore_mem>>)
      %dma_wait3A_176 = tpu.memref_slice %arg17[%mul3A_4] : memref<10112xf32, #tpu.memory_space<vmem_shared>> -> memref<632xf32, #tpu.memory_space<vmem_shared>>
      %dma_wait3A_177 = tpu.memref_slice %arg17[%mul3A_4] : memref<10112xf32, #tpu.memory_space<vmem_shared>> -> memref<632xf32, #tpu.memory_space<vmem_shared>>
      tpu.wait_dma2 semaphore(%run_scoped3A : memref<!tpu.dma_semaphore, #tpu.memory_space<semaphore_mem>>) src(%arg16 : memref<632xf32, #tpu.memory_space<vmem>>) dst(%dma_wait3A_177 : memref<632xf32, #tpu.memory_space<vmem_shared>>)
      tpu.yield
    }) : () -> ()
    %barrier3A = arith.constant 0 : index
    tpu.barrier barrier_id(%barrier3A)
    %dma_start3A = arith.constant 0 : i32
    %dma_start3A_97 = tpu.memref_slice %arg10[%dma_start3A] : memref<10000xi32, #tpu.memory_space<vmem>> -> memref<80xi32, #tpu.memory_space<vmem>>
    %dma_start3A_98 = arith.constant 0 : i32
    %dma_start3A_99 = tpu.memref_slice %arg17[%dma_start3A_98] : memref<10112xf32, #tpu.memory_space<vmem_shared>> -> memref<10112xf32, #tpu.memory_space<vmem_shared>>
    tpu.enqueue_indirect_dma source(%arg15 : memref<80xf32, #tpu.memory_space<vmem>>) target(%dma_start3A_99 : memref<10112xf32, #tpu.memory_space<vmem_shared>>) offsets(%dma_start3A_97 : memref<80xi32, #tpu.memory_space<vmem>>) semaphore(%arg18 : memref<!tpu.dma_semaphore, #tpu.memory_space<semaphore_mem>>) {add = true}
    %dma_start3A_100 = arith.constant 80 : i32
    %dma_start3A_101 = tpu.memref_slice %arg10[%dma_start3A_100] : memref<10000xi32, #tpu.memory_space<vmem>> -> memref<80xi32, #tpu.memory_space<vmem>>
    %dma_start3A_102 = arith.constant 0 : i32
    %dma_start3A_103 = tpu.memref_slice %arg17[%dma_start3A_102] : memref<10112xf32, #tpu.memory_space<vmem_shared>> -> memref<10112xf32, #tpu.memory_space<vmem_shared>>
    tpu.enqueue_indirect_dma source(%arg15 : memref<80xf32, #tpu.memory_space<vmem>>) target(%dma_start3A_103 : memref<10112xf32, #tpu.memory_space<vmem_shared>>) offsets(%dma_start3A_101 : memref<80xi32, #tpu.memory_space<vmem>>) semaphore(%arg19 : memref<!tpu.dma_semaphore, #tpu.memory_space<semaphore_mem>>) {add = true}
    %dma_start3A_104 = arith.constant 160 : i32
    %dma_start3A_105 = tpu.memref_slice %arg10[%dma_start3A_104] : memref<10000xi32, #tpu.memory_space<vmem>> -> memref<80xi32, #tpu.memory_space<vmem>>
    %dma_start3A_106 = arith.constant 0 : i32
    %dma_start3A_107 = tpu.memref_slice %arg17[%dma_start3A_106] : memref<10112xf32, #tpu.memory_space<vmem_shared>> -> memref<10112xf32, #tpu.memory_space<vmem_shared>>
    tpu.enqueue_indirect_dma source(%arg15 : memref<80xf32, #tpu.memory_space<vmem>>) target(%dma_start3A_107 : memref<10112xf32, #tpu.memory_space<vmem_shared>>) offsets(%dma_start3A_105 : memref<80xi32, #tpu.memory_space<vmem>>) semaphore(%arg20 : memref<!tpu.dma_semaphore, #tpu.memory_space<semaphore_mem>>) {add = true}
    %dma_start3A_108 = arith.constant 240 : i32
    %dma_start3A_109 = tpu.memref_slice %arg10[%dma_start3A_108] : memref<10000xi32, #tpu.memory_space<vmem>> -> memref<80xi32, #tpu.memory_space<vmem>>
    %dma_start3A_110 = arith.constant 0 : i32
    %dma_start3A_111 = tpu.memref_slice %arg17[%dma_start3A_110] : memref<10112xf32, #tpu.memory_space<vmem_shared>> -> memref<10112xf32, #tpu.memory_space<vmem_shared>>
    tpu.enqueue_indirect_dma source(%arg15 : memref<80xf32, #tpu.memory_space<vmem>>) target(%dma_start3A_111 : memref<10112xf32, #tpu.memory_space<vmem_shared>>) offsets(%dma_start3A_109 : memref<80xi32, #tpu.memory_space<vmem>>) semaphore(%arg21 : memref<!tpu.dma_semaphore, #tpu.memory_space<semaphore_mem>>) {add = true}
    %dma_start3A_112 = arith.constant 320 : i32
    %dma_start3A_113 = tpu.memref_slice %arg10[%dma_start3A_112] : memref<10000xi32, #tpu.memory_space<vmem>> -> memref<80xi32, #tpu.memory_space<vmem>>
    %dma_start3A_114 = arith.constant 0 : i32
    %dma_start3A_115 = tpu.memref_slice %arg17[%dma_start3A_114] : memref<10112xf32, #tpu.memory_space<vmem_shared>> -> memref<10112xf32, #tpu.memory_space<vmem_shared>>
    tpu.enqueue_indirect_dma source(%arg15 : memref<80xf32, #tpu.memory_space<vmem>>) target(%dma_start3A_115 : memref<10112xf32, #tpu.memory_space<vmem_shared>>) offsets(%dma_start3A_113 : memref<80xi32, #tpu.memory_space<vmem>>) semaphore(%arg22 : memref<!tpu.dma_semaphore, #tpu.memory_space<semaphore_mem>>) {add = true}
    %scan3A = arith.constant 0 : i32
    %scan3A_116 = arith.constant 0 : i32
    %scan3A_117 = arith.constant 24 : i32
    %scan3A_118 = arith.addi %scan3A_116, %scan3A_117 : i32
    %scan3A_119 = arith.constant 1 : i32
    scf.for %scan3A_174 = %scan3A_116 to %scan3A_118 step %scan3A_119  : i32 {
      %dma_wait3A_175 = arith.constant 0 : i32
      %dma_wait3A_176 = tpu.memref_slice %arg10[%dma_wait3A_175] : memref<10000xi32, #tpu.memory_space<vmem>> -> memref<80xi32, #tpu.memory_space<vmem>>
      %dma_wait3A_177 = arith.constant 0 : i32
      %dma_wait3A_178 = tpu.memref_slice %arg17[%dma_wait3A_177] : memref<10112xf32, #tpu.memory_space<vmem_shared>> -> memref<10112xf32, #tpu.memory_space<vmem_shared>>
      tpu.wait_indirect_dma semaphore(%arg18 : memref<!tpu.dma_semaphore, #tpu.memory_space<semaphore_mem>>) src(%arg15 : memref<80xf32, #tpu.memory_space<vmem>>) dst(%dma_wait3A_178 : memref<10112xf32, #tpu.memory_space<vmem_shared>>)
      %add3A_179 = arith.constant 1 : i32
      %add3A_180 = arith.addi %scan3A_174, %add3A_179 : i32
      %mul3A_181 = arith.constant 5 : i32
      %mul3A_182 = arith.muli %mul3A_181, %add3A_180 : i32
      %add3A_183 = arith.constant 0 : i32
      %add3A_184 = arith.addi %mul3A_182, %add3A_183 : i32
      %mul3A_185 = arith.constant 80 : i32
      %mul3A_186 = arith.muli %add3A_184, %mul3A_185 : i32
      %dma_start3A_187 = tpu.memref_slice %arg10[%mul3A_186] : memref<10000xi32, #tpu.memory_space<vmem>> -> memref<80xi32, #tpu.memory_space<vmem>>
      %dma_start3A_188 = arith.constant 0 : i32
      %dma_start3A_189 = tpu.memref_slice %arg17[%dma_start3A_188] : memref<10112xf32, #tpu.memory_space<vmem_shared>> -> memref<10112xf32, #tpu.memory_space<vmem_shared>>
      tpu.enqueue_indirect_dma source(%arg15 : memref<80xf32, #tpu.memory_space<vmem>>) target(%dma_start3A_189 : memref<10112xf32, #tpu.memory_space<vmem_shared>>) offsets(%dma_start3A_187 : memref<80xi32, #tpu.memory_space<vmem>>) semaphore(%arg18 : memref<!tpu.dma_semaphore, #tpu.memory_space<semaphore_mem>>) {add = true}
      %dma_wait3A_190 = arith.constant 0 : i32
      %dma_wait3A_191 = tpu.memref_slice %arg10[%dma_wait3A_190] : memref<10000xi32, #tpu.memory_space<vmem>> -> memref<80xi32, #tpu.memory_space<vmem>>
      %dma_wait3A_192 = arith.constant 0 : i32
      %dma_wait3A_193 = tpu.memref_slice %arg17[%dma_wait3A_192] : memref<10112xf32, #tpu.memory_space<vmem_shared>> -> memref<10112xf32, #tpu.memory_space<vmem_shared>>
      tpu.wait_indirect_dma semaphore(%arg19 : memref<!tpu.dma_semaphore, #tpu.memory_space<semaphore_mem>>) src(%arg15 : memref<80xf32, #tpu.memory_space<vmem>>) dst(%dma_wait3A_193 : memref<10112xf32, #tpu.memory_space<vmem_shared>>)
      %add3A_194 = arith.constant 1 : i32
      %add3A_195 = arith.addi %scan3A_174, %add3A_194 : i32
      %mul3A_196 = arith.constant 5 : i32
      %mul3A_197 = arith.muli %mul3A_196, %add3A_195 : i32
      %add3A_198 = arith.constant 1 : i32
      %add3A_199 = arith.addi %mul3A_197, %add3A_198 : i32
      %mul3A_200 = arith.constant 80 : i32
      %mul3A_201 = arith.muli %add3A_199, %mul3A_200 : i32
      %dma_start3A_202 = tpu.memref_slice %arg10[%mul3A_201] : memref<10000xi32, #tpu.memory_space<vmem>> -> memref<80xi32, #tpu.memory_space<vmem>>
      %dma_start3A_203 = arith.constant 0 : i32
      %dma_start3A_204 = tpu.memref_slice %arg17[%dma_start3A_203] : memref<10112xf32, #tpu.memory_space<vmem_shared>> -> memref<10112xf32, #tpu.memory_space<vmem_shared>>
      tpu.enqueue_indirect_dma source(%arg15 : memref<80xf32, #tpu.memory_space<vmem>>) target(%dma_start3A_204 : memref<10112xf32, #tpu.memory_space<vmem_shared>>) offsets(%dma_start3A_202 : memref<80xi32, #tpu.memory_space<vmem>>) semaphore(%arg19 : memref<!tpu.dma_semaphore, #tpu.memory_space<semaphore_mem>>) {add = true}
      %dma_wait3A_205 = arith.constant 0 : i32
      %dma_wait3A_206 = tpu.memref_slice %arg10[%dma_wait3A_205] : memref<10000xi32, #tpu.memory_space<vmem>> -> memref<80xi32, #tpu.memory_space<vmem>>
      %dma_wait3A_207 = arith.constant 0 : i32
      %dma_wait3A_208 = tpu.memref_slice %arg17[%dma_wait3A_207] : memref<10112xf32, #tpu.memory_space<vmem_shared>> -> memref<10112xf32, #tpu.memory_space<vmem_shared>>
      tpu.wait_indirect_dma semaphore(%arg20 : memref<!tpu.dma_semaphore, #tpu.memory_space<semaphore_mem>>) src(%arg15 : memref<80xf32, #tpu.memory_space<vmem>>) dst(%dma_wait3A_208 : memref<10112xf32, #tpu.memory_space<vmem_shared>>)
      %add3A_209 = arith.constant 1 : i32
      %add3A_210 = arith.addi %scan3A_174, %add3A_209 : i32
      %mul3A_211 = arith.constant 5 : i32
      %mul3A_212 = arith.muli %mul3A_211, %add3A_210 : i32
      %add3A_213 = arith.constant 2 : i32
      %add3A_214 = arith.addi %mul3A_212, %add3A_213 : i32
      %mul3A_215 = arith.constant 80 : i32
      %mul3A_216 = arith.muli %add3A_214, %mul3A_215 : i32
      %dma_start3A_217 = tpu.memref_slice %arg10[%mul3A_216] : memref<10000xi32, #tpu.memory_space<vmem>> -> memref<80xi32, #tpu.memory_space<vmem>>
      %dma_start3A_218 = arith.constant 0 : i32
      %dma_start3A_219 = tpu.memref_slice %arg17[%dma_start3A_218] : memref<10112xf32, #tpu.memory_space<vmem_shared>> -> memref<10112xf32, #tpu.memory_space<vmem_shared>>
      tpu.enqueue_indirect_dma source(%arg15 : memref<80xf32, #tpu.memory_space<vmem>>) target(%dma_start3A_219 : memref<10112xf32, #tpu.memory_space<vmem_shared>>) offsets(%dma_start3A_217 : memref<80xi32, #tpu.memory_space<vmem>>) semaphore(%arg20 : memref<!tpu.dma_semaphore, #tpu.memory_space<semaphore_mem>>) {add = true}
      %dma_wait3A_220 = arith.constant 0 : i32
      %dma_wait3A_221 = tpu.memref_slice %arg10[%dma_wait3A_220] : memref<10000xi32, #tpu.memory_space<vmem>> -> memref<80xi32, #tpu.memory_space<vmem>>
      %dma_wait3A_222 = arith.constant 0 : i32
      %dma_wait3A_223 = tpu.memref_slice %arg17[%dma_wait3A_222] : memref<10112xf32, #tpu.memory_space<vmem_shared>> -> memref<10112xf32, #tpu.memory_space<vmem_shared>>
      tpu.wait_indirect_dma semaphore(%arg21 : memref<!tpu.dma_semaphore, #tpu.memory_space<semaphore_mem>>) src(%arg15 : memref<80xf32, #tpu.memory_space<vmem>>) dst(%dma_wait3A_223 : memref<10112xf32, #tpu.memory_space<vmem_shared>>)
      %add3A_224 = arith.constant 1 : i32
      %add3A_225 = arith.addi %scan3A_174, %add3A_224 : i32
      %mul3A_226 = arith.constant 5 : i32
      %mul3A_227 = arith.muli %mul3A_226, %add3A_225 : i32
      %add3A_228 = arith.constant 3 : i32
      %add3A_229 = arith.addi %mul3A_227, %add3A_228 : i32
      %mul3A_230 = arith.constant 80 : i32
      %mul3A_231 = arith.muli %add3A_229, %mul3A_230 : i32
      %dma_start3A_232 = tpu.memref_slice %arg10[%mul3A_231] : memref<10000xi32, #tpu.memory_space<vmem>> -> memref<80xi32, #tpu.memory_space<vmem>>
      %dma_start3A_233 = arith.constant 0 : i32
      %dma_start3A_234 = tpu.memref_slice %arg17[%dma_start3A_233] : memref<10112xf32, #tpu.memory_space<vmem_shared>> -> memref<10112xf32, #tpu.memory_space<vmem_shared>>
      tpu.enqueue_indirect_dma source(%arg15 : memref<80xf32, #tpu.memory_space<vmem>>) target(%dma_start3A_234 : memref<10112xf32, #tpu.memory_space<vmem_shared>>) offsets(%dma_start3A_232 : memref<80xi32, #tpu.memory_space<vmem>>) semaphore(%arg21 : memref<!tpu.dma_semaphore, #tpu.memory_space<semaphore_mem>>) {add = true}
      %dma_wait3A_235 = arith.constant 0 : i32
      %dma_wait3A_236 = tpu.memref_slice %arg10[%dma_wait3A_235] : memref<10000xi32, #tpu.memory_space<vmem>> -> memref<80xi32, #tpu.memory_space<vmem>>
      %dma_wait3A_237 = arith.constant 0 : i32
      %dma_wait3A_238 = tpu.memref_slice %arg17[%dma_wait3A_237] : memref<10112xf32, #tpu.memory_space<vmem_shared>> -> memref<10112xf32, #tpu.memory_space<vmem_shared>>
      tpu.wait_indirect_dma semaphore(%arg22 : memref<!tpu.dma_semaphore, #tpu.memory_space<semaphore_mem>>) src(%arg15 : memref<80xf32, #tpu.memory_space<vmem>>) dst(%dma_wait3A_238 : memref<10112xf32, #tpu.memory_space<vmem_shared>>)
      %add3A_239 = arith.constant 1 : i32
      %add3A_240 = arith.addi %scan3A_174, %add3A_239 : i32
      %mul3A_241 = arith.constant 5 : i32
      %mul3A_242 = arith.muli %mul3A_241, %add3A_240 : i32
      %add3A_243 = arith.constant 4 : i32
      %add3A_244 = arith.addi %mul3A_242, %add3A_243 : i32
      %mul3A_245 = arith.constant 80 : i32
      %mul3A_246 = arith.muli %add3A_244, %mul3A_245 : i32
      %dma_start3A_247 = tpu.memref_slice %arg10[%mul3A_246] : memref<10000xi32, #tpu.memory_space<vmem>> -> memref<80xi32, #tpu.memory_space<vmem>>
      %dma_start3A_248 = arith.constant 0 : i32
      %dma_start3A_249 = tpu.memref_slice %arg17[%dma_start3A_248] : memref<10112xf32, #tpu.memory_space<vmem_shared>> -> memref<10112xf32, #tpu.memory_space<vmem_shared>>
      tpu.enqueue_indirect_dma source(%arg15 : memref<80xf32, #tpu.memory_space<vmem>>) target(%dma_start3A_249 : memref<10112xf32, #tpu.memory_space<vmem_shared>>) offsets(%dma_start3A_247 : memref<80xi32, #tpu.memory_space<vmem>>) semaphore(%arg22 : memref<!tpu.dma_semaphore, #tpu.memory_space<semaphore_mem>>) {add = true}
    }
    %scan3A_120 = arith.constant 24 : i32
    %get3A = arith.constant 0 : index
    %get3A_121 = tpu.vector_load %arg11[%get3A] {strides = array<i32>} : memref<16xi32, #tpu.memory_space<vmem>>, vector<16xi32>,
    %iota3A = tpu.iota {dimensions = array<i32: 0>} : vector<16xi32>
    %add3A_122 = arith.constant 10160 : i32
    %add3A_123 = vector.broadcast %add3A_122 : i32 to vector<16xi32>
    %add3A_124 = arith.addi %add3A_123, %iota3A : vector<16xi32>
    %broadcast_in_dim3A_125 = arith.constant 1024 : i32
    %broadcast_in_dim3A_126 = vector.broadcast %broadcast_in_dim3A_125 : i32 to vector<16xi32>
    %broadcast_in_dim3A_127 = arith.constant 0 : i32
    %broadcast_in_dim3A_128 = vector.broadcast %broadcast_in_dim3A_127 : i32 to vector<16xi32>
    %scan3A_129 = arith.constant 0 : i32
    %scan3A_130 = arith.constant 0 : i32
    %scan3A_131 = arith.constant 636 : i32
    %scan3A_132 = arith.addi %scan3A_130, %scan3A_131 : i32
    %scan3A_133 = arith.constant 1 : i32
    scf.for %scan3A_174 = %scan3A_130 to %scan3A_132 step %scan3A_133  : i32 {
      %mul3A_175 = arith.constant 16 : i32
      %mul3A_176 = arith.muli %scan3A_174, %mul3A_175 : i32
      %swap3A_177 = arith.index_cast %mul3A_176 : i32 to index
      %swap3A_178 = tpu.vector_load %arg13[%swap3A_177] {strides = array<i32>} : memref<10176xi32, #tpu.memory_space<vmem>>, vector<16xi32>,
      tpu.vector_store %arg13[%swap3A_177], %broadcast_in_dim3A_126 {strides = array<i32>} : memref<10176xi32, #tpu.memory_space<vmem>>, vector<16xi32>,
      %mul3A_179 = arith.constant 16 : i32
      %mul3A_180 = arith.muli %scan3A_174, %mul3A_179 : i32
      %swap3A_181 = arith.index_cast %mul3A_180 : i32 to index
      %swap3A_182 = tpu.vector_load %arg12[%swap3A_181] {strides = array<i32>} : memref<10176xi32, #tpu.memory_space<vmem>>, vector<16xi32>,
      tpu.vector_store %arg12[%swap3A_181], %broadcast_in_dim3A_128 {strides = array<i32>} : memref<10176xi32, #tpu.memory_space<vmem>>, vector<16xi32>,
    }
    %scan3A_134 = arith.constant 636 : i32
    %broadcast_in_dim3A_135 = arith.constant 0 : i32
    %broadcast_in_dim3A_136 = vector.broadcast %broadcast_in_dim3A_135 : i32 to vector<16xi32>
    %scan3A_137 = arith.constant 0 : i32
    %scan3A_138 = arith.constant 625 : i32
    %scan3A_139 = arith.addi %scan3A_137, %scan3A_138 : i32
    %scan3A_140 = arith.constant 1 : i32
    %scan3A_141 = scf.for %scan3A_174 = %scan3A_137 to %scan3A_139 step %scan3A_140 iter_args(%scan3A_175 = %broadcast_in_dim3A_136) -> (vector<16xi32>)  : i32 {
      %mul3A_176 = arith.constant 16 : i32
      %mul3A_177 = arith.muli %scan3A_174, %mul3A_176 : i32
      %get3A_178 = arith.index_cast %mul3A_177 : i32 to index
      %get3A_179 = tpu.vector_load %arg10[%get3A_178] {strides = array<i32>} : memref<10000xi32, #tpu.memory_space<vmem>>, vector<16xi32>,
      %mul3A_180 = arith.constant 16 : i32
      %mul3A_181 = arith.muli %scan3A_174, %mul3A_180 : i32
      %get3A_182 = arith.index_cast %mul3A_181 : i32 to index
      %get3A_183 = tpu.vector_load %arg9[%get3A_182] {strides = array<i32>} : memref<10000xi32, #tpu.memory_space<vmem>>, vector<16xi32>,
      %sub3A = arith.subi %get3A_179, %get3A_121 : vector<16xi32>
      %ge3A = arith.constant 0 : i32
      %ge3A_184 = vector.broadcast %ge3A : i32 to vector<16xi32>
      %ge3A_185 = arith.cmpi sge, %sub3A, %ge3A_184 : vector<16xi32>
      %lt3A = arith.constant 1024 : i32
      %lt3A_186 = vector.broadcast %lt3A : i32 to vector<16xi32>
      %lt3A_187 = arith.cmpi slt, %sub3A, %lt3A_186 : vector<16xi32>
      %and3A = arith.andi %ge3A_185, %lt3A_187 : vector<16xi1>
      %jit3A = arith.constant 1 : i32
      %jit3A_188 = arith.constant 0 : i32
      %broadcast_in_dim3A_189 = vector.broadcast %jit3A : i32 to vector<16xi32>
      %broadcast_in_dim3A_190 = vector.broadcast %jit3A_188 : i32 to vector<16xi32>
      %select_n3A = arith.select %and3A, %broadcast_in_dim3A_189, %broadcast_in_dim3A_190 : vector<16xi1>, vector<16xi32>
      %broadcast_in_dim3A_191 = arith.constant true
      %broadcast_in_dim3A_192 = vector.broadcast %broadcast_in_dim3A_191 : i1 to vector<16xi1>
      %masked_cumsum3A = tpu.scan <sum>, %select_n3A masked %broadcast_in_dim3A_192 : vector<16xi32>, vector<16xi1> -> vector<16xi32>
      %add3A_193 = arith.addi %scan3A_175, %masked_cumsum3A : vector<16xi32>
      %sub3A_194 = arith.constant 1 : i32
      %sub3A_195 = vector.broadcast %sub3A_194 : i32 to vector<16xi32>
      %sub3A_196 = arith.subi %add3A_193, %sub3A_195 : vector<16xi32>
      %select_n3A_197 = arith.select %and3A, %sub3A_196, %add3A_124 : vector<16xi1>, vector<16xi32>
      tpu.vector_store_idx %arg13[%select_n3A_197], %sub3A : memref<10176xi32, #tpu.memory_space<vmem>>[vector<16xi32>], vector<16xi32>,
      tpu.vector_store_idx %arg12[%select_n3A_197], %get3A_183 : memref<10176xi32, #tpu.memory_space<vmem>>[vector<16xi32>], vector<16xi32>,
      %all_reduce_population_count3A = tpu.all_reduce %and3A {dim = 0 : i64, kind = #tpu.reduction_kind<sum>} : vector<16xi1> -> vector<16xi32>
      %add3A_198 = arith.addi %scan3A_175, %all_reduce_population_count3A : vector<16xi32>
      scf.yield %add3A_198 : vector<16xi32>
    }
    %scan3A_142 = arith.constant 625 : i32
    %swap3A_143 = arith.constant 0 : index
    %swap3A_144 = tpu.vector_load %arg14[%swap3A_143] {strides = array<i32>} : memref<16xi32, #tpu.memory_space<vmem>>, vector<16xi32>,
    tpu.vector_store %arg14[%swap3A_143], %scan3A_141 {strides = array<i32>} : memref<16xi32, #tpu.memory_space<vmem>>, vector<16xi32>,
    %mul3A_145 = arith.constant 10176 : i32
    %mul3A_146 = arith.muli %add3A, %mul3A_145 : i32
    "tpu.region"() ({
      %run_scoped3A = tpu.sem_alloc : memref<!tpu.dma_semaphore, #tpu.memory_space<semaphore_mem>>
      %dma_start3A_174 = tpu.memref_slice %arg6[%mul3A_146] : memref<325632xi32, #tpu.memory_space<hbm>> -> memref<10176xi32, #tpu.memory_space<hbm>>
      %dma_start3A_175 = tpu.memref_slice %arg6[%mul3A_146] : memref<325632xi32, #tpu.memory_space<hbm>> -> memref<10176xi32, #tpu.memory_space<hbm>>
      tpu.enqueue_dma source(%arg12 : memref<10176xi32, #tpu.memory_space<vmem>>) target(%dma_start3A_175 : memref<10176xi32, #tpu.memory_space<hbm>>) target_semaphore(%run_scoped3A : memref<!tpu.dma_semaphore, #tpu.memory_space<semaphore_mem>>)
      %dma_wait3A_176 = tpu.memref_slice %arg6[%mul3A_146] : memref<325632xi32, #tpu.memory_space<hbm>> -> memref<10176xi32, #tpu.memory_space<hbm>>
      %dma_wait3A_177 = tpu.memref_slice %arg6[%mul3A_146] : memref<325632xi32, #tpu.memory_space<hbm>> -> memref<10176xi32, #tpu.memory_space<hbm>>
      tpu.wait_dma2 semaphore(%run_scoped3A : memref<!tpu.dma_semaphore, #tpu.memory_space<semaphore_mem>>) src(%arg12 : memref<10176xi32, #tpu.memory_space<vmem>>) dst(%dma_wait3A_177 : memref<10176xi32, #tpu.memory_space<hbm>>)
      tpu.yield
    }) : () -> ()
    %mul3A_147 = arith.constant 10176 : i32
    %mul3A_148 = arith.muli %add3A, %mul3A_147 : i32
    "tpu.region"() ({
      %run_scoped3A = tpu.sem_alloc : memref<!tpu.dma_semaphore, #tpu.memory_space<semaphore_mem>>
      %dma_start3A_174 = tpu.memref_slice %arg7[%mul3A_148] : memref<325632xi32, #tpu.memory_space<hbm>> -> memref<10176xi32, #tpu.memory_space<hbm>>
      %dma_start3A_175 = tpu.memref_slice %arg7[%mul3A_148] : memref<325632xi32, #tpu.memory_space<hbm>> -> memref<10176xi32, #tpu.memory_space<hbm>>
      tpu.enqueue_dma source(%arg13 : memref<10176xi32, #tpu.memory_space<vmem>>) target(%dma_start3A_175 : memref<10176xi32, #tpu.memory_space<hbm>>) target_semaphore(%run_scoped3A : memref<!tpu.dma_semaphore, #tpu.memory_space<semaphore_mem>>)
      %dma_wait3A_176 = tpu.memref_slice %arg7[%mul3A_148] : memref<325632xi32, #tpu.memory_space<hbm>> -> memref<10176xi32, #tpu.memory_space<hbm>>
      %dma_wait3A_177 = tpu.memref_slice %arg7[%mul3A_148] : memref<325632xi32, #tpu.memory_space<hbm>> -> memref<10176xi32, #tpu.memory_space<hbm>>
      tpu.wait_dma2 semaphore(%run_scoped3A : memref<!tpu.dma_semaphore, #tpu.memory_space<semaphore_mem>>) src(%arg13 : memref<10176xi32, #tpu.memory_space<vmem>>) dst(%dma_wait3A_177 : memref<10176xi32, #tpu.memory_space<hbm>>)
      tpu.yield
    }) : () -> ()
    %mul3A_149 = arith.constant 16 : i32
    %mul3A_150 = arith.muli %add3A, %mul3A_149 : i32
    "tpu.region"() ({
      %run_scoped3A = tpu.sem_alloc : memref<!tpu.dma_semaphore, #tpu.memory_space<semaphore_mem>>
      %dma_start3A_174 = tpu.memref_slice %arg8[%mul3A_150] : memref<512xi32, #tpu.memory_space<hbm>> -> memref<16xi32, #tpu.memory_space<hbm>>
      %dma_start3A_175 = tpu.memref_slice %arg8[%mul3A_150] : memref<512xi32, #tpu.memory_space<hbm>> -> memref<16xi32, #tpu.memory_space<hbm>>
      tpu.enqueue_dma source(%arg14 : memref<16xi32, #tpu.memory_space<vmem>>) target(%dma_start3A_175 : memref<16xi32, #tpu.memory_space<hbm>>) target_semaphore(%run_scoped3A : memref<!tpu.dma_semaphore, #tpu.memory_space<semaphore_mem>>)
      %dma_wait3A_176 = tpu.memref_slice %arg8[%mul3A_150] : memref<512xi32, #tpu.memory_space<hbm>> -> memref<16xi32, #tpu.memory_space<hbm>>
      %dma_wait3A_177 = tpu.memref_slice %arg8[%mul3A_150] : memref<512xi32, #tpu.memory_space<hbm>> -> memref<16xi32, #tpu.memory_space<hbm>>
      tpu.wait_dma2 semaphore(%run_scoped3A : memref<!tpu.dma_semaphore, #tpu.memory_space<semaphore_mem>>) src(%arg14 : memref<16xi32, #tpu.memory_space<vmem>>) dst(%dma_wait3A_177 : memref<16xi32, #tpu.memory_space<hbm>>)
      tpu.yield
    }) : () -> ()
    %dma_wait3A = arith.constant 0 : i32
    %dma_wait3A_151 = tpu.memref_slice %arg10[%dma_wait3A] : memref<10000xi32, #tpu.memory_space<vmem>> -> memref<80xi32, #tpu.memory_space<vmem>>
    %dma_wait3A_152 = arith.constant 0 : i32
    %dma_wait3A_153 = tpu.memref_slice %arg17[%dma_wait3A_152] : memref<10112xf32, #tpu.memory_space<vmem_shared>> -> memref<10112xf32, #tpu.memory_space<vmem_shared>>
    tpu.wait_indirect_dma semaphore(%arg18 : memref<!tpu.dma_semaphore, #tpu.memory_space<semaphore_mem>>) src(%arg15 : memref<80xf32, #tpu.memory_space<vmem>>) dst(%dma_wait3A_153 : memref<10112xf32, #tpu.memory_space<vmem_shared>>)
    %dma_wait3A_154 = arith.constant 0 : i32
    %dma_wait3A_155 = tpu.memref_slice %arg10[%dma_wait3A_154] : memref<10000xi32, #tpu.memory_space<vmem>> -> memref<80xi32, #tpu.memory_space<vmem>>
    %dma_wait3A_156 = arith.constant 0 : i32
    %dma_wait3A_157 = tpu.memref_slice %arg17[%dma_wait3A_156] : memref<10112xf32, #tpu.memory_space<vmem_shared>> -> memref<10112xf32, #tpu.memory_space<vmem_shared>>
    tpu.wait_indirect_dma semaphore(%arg19 : memref<!tpu.dma_semaphore, #tpu.memory_space<semaphore_mem>>) src(%arg15 : memref<80xf32, #tpu.memory_space<vmem>>) dst(%dma_wait3A_157 : memref<10112xf32, #tpu.memory_space<vmem_shared>>)
    %dma_wait3A_158 = arith.constant 0 : i32
    %dma_wait3A_159 = tpu.memref_slice %arg10[%dma_wait3A_158] : memref<10000xi32, #tpu.memory_space<vmem>> -> memref<80xi32, #tpu.memory_space<vmem>>
    %dma_wait3A_160 = arith.constant 0 : i32
    %dma_wait3A_161 = tpu.memref_slice %arg17[%dma_wait3A_160] : memref<10112xf32, #tpu.memory_space<vmem_shared>> -> memref<10112xf32, #tpu.memory_space<vmem_shared>>
    tpu.wait_indirect_dma semaphore(%arg20 : memref<!tpu.dma_semaphore, #tpu.memory_space<semaphore_mem>>) src(%arg15 : memref<80xf32, #tpu.memory_space<vmem>>) dst(%dma_wait3A_161 : memref<10112xf32, #tpu.memory_space<vmem_shared>>)
    %dma_wait3A_162 = arith.constant 0 : i32
    %dma_wait3A_163 = tpu.memref_slice %arg10[%dma_wait3A_162] : memref<10000xi32, #tpu.memory_space<vmem>> -> memref<80xi32, #tpu.memory_space<vmem>>
    %dma_wait3A_164 = arith.constant 0 : i32
    %dma_wait3A_165 = tpu.memref_slice %arg17[%dma_wait3A_164] : memref<10112xf32, #tpu.memory_space<vmem_shared>> -> memref<10112xf32, #tpu.memory_space<vmem_shared>>
    tpu.wait_indirect_dma semaphore(%arg21 : memref<!tpu.dma_semaphore, #tpu.memory_space<semaphore_mem>>) src(%arg15 : memref<80xf32, #tpu.memory_space<vmem>>) dst(%dma_wait3A_165 : memref<10112xf32, #tpu.memory_space<vmem_shared>>)
    %dma_wait3A_166 = arith.constant 0 : i32
    %dma_wait3A_167 = tpu.memref_slice %arg10[%dma_wait3A_166] : memref<10000xi32, #tpu.memory_space<vmem>> -> memref<80xi32, #tpu.memory_space<vmem>>
    %dma_wait3A_168 = arith.constant 0 : i32
    %dma_wait3A_169 = tpu.memref_slice %arg17[%dma_wait3A_168] : memref<10112xf32, #tpu.memory_space<vmem_shared>> -> memref<10112xf32, #tpu.memory_space<vmem_shared>>
    tpu.wait_indirect_dma semaphore(%arg22 : memref<!tpu.dma_semaphore, #tpu.memory_space<semaphore_mem>>) src(%arg15 : memref<80xf32, #tpu.memory_space<vmem>>) dst(%dma_wait3A_169 : memref<10112xf32, #tpu.memory_space<vmem_shared>>)
    %barrier3A_170 = arith.constant 0 : index
    tpu.barrier barrier_id(%barrier3A_170)
    "tpu.region"() ({
      %run_scoped3A = tpu.sem_alloc : memref<!tpu.dma_semaphore, #tpu.memory_space<semaphore_mem>>
      %dma_start3A_174 = tpu.memref_slice %arg17[%mul3A_4] : memref<10112xf32, #tpu.memory_space<vmem_shared>> -> memref<632xf32, #tpu.memory_space<vmem_shared>>
      %dma_start3A_175 = tpu.memref_slice %arg17[%mul3A_4] : memref<10112xf32, #tpu.memory_space<vmem_shared>> -> memref<632xf32, #tpu.memory_space<vmem_shared>>
      tpu.enqueue_dma source(%dma_start3A_175 : memref<632xf32, #tpu.memory_space<vmem_shared>>) target(%arg16 : memref<632xf32, #tpu.memory_space<vmem>>) target_semaphore(%run_scoped3A : memref<!tpu.dma_semaphore, #tpu.memory_space<semaphore_mem>>)
      %dma_wait3A_176 = tpu.memref_slice %arg17[%mul3A_4] : memref<10112xf32, #tpu.memory_space<vmem_shared>> -> memref<632xf32, #tpu.memory_space<vmem_shared>>
      %dma_wait3A_177 = tpu.memref_slice %arg17[%mul3A_4] : memref<10112xf32, #tpu.memory_space<vmem_shared>> -> memref<632xf32, #tpu.memory_space<vmem_shared>>
      tpu.wait_dma2 semaphore(%run_scoped3A : memref<!tpu.dma_semaphore, #tpu.memory_space<semaphore_mem>>) src(%dma_wait3A_177 : memref<632xf32, #tpu.memory_space<vmem_shared>>) dst(%arg16 : memref<632xf32, #tpu.memory_space<vmem>>)
      tpu.yield
    }) : () -> ()
    %mul3A_171 = arith.constant 10112 : i32
    %mul3A_172 = arith.muli %arg0, %mul3A_171 : i32
    %add3A_173 = arith.addi %mul3A_172, %mul3A_4 : i32
    "tpu.region"() ({
      %run_scoped3A = tpu.sem_alloc : memref<!tpu.dma_semaphore, #tpu.memory_space<semaphore_mem>>
      %dma_start3A_174 = tpu.memref_slice %arg5[%add3A_173] : memref<20224xf32, #tpu.memory_space<hbm>> -> memref<632xf32, #tpu.memory_space<hbm>>
      %dma_start3A_175 = tpu.memref_slice %arg5[%add3A_173] : memref<20224xf32, #tpu.memory_space<hbm>> -> memref<632xf32, #tpu.memory_space<hbm>>
      tpu.enqueue_dma source(%arg16 : memref<632xf32, #tpu.memory_space<vmem>>) target(%dma_start3A_175 : memref<632xf32, #tpu.memory_space<hbm>>) target_semaphore(%run_scoped3A : memref<!tpu.dma_semaphore, #tpu.memory_space<semaphore_mem>>)
      %dma_wait3A_176 = tpu.memref_slice %arg5[%add3A_173] : memref<20224xf32, #tpu.memory_space<hbm>> -> memref<632xf32, #tpu.memory_space<hbm>>
      %dma_wait3A_177 = tpu.memref_slice %arg5[%add3A_173] : memref<20224xf32, #tpu.memory_space<hbm>> -> memref<632xf32, #tpu.memory_space<hbm>>
      tpu.wait_dma2 semaphore(%run_scoped3A : memref<!tpu.dma_semaphore, #tpu.memory_space<semaphore_mem>>) src(%arg16 : memref<632xf32, #tpu.memory_space<vmem>>) dst(%dma_wait3A_177 : memref<632xf32, #tpu.memory_space<hbm>>)
      tpu.yield
    }) : () -> ()
    return
  }
}

#map = affine_map<(d0, d1) -> (0)>
#map1 = affine_map<(d0, d1) -> (0, 0)>
#map2 = affine_map<(d0, d1) -> (0, 0, 0)>
module attributes {stable_mosaic.version = 14 : i64} {
  func.func @_wagg_kernel(%arg0: i32, %arg1: i32, %arg2: memref<325632xi32, #tpu.memory_space<hbm>>, %arg3: memref<325632xi32, #tpu.memory_space<hbm>>, %arg4: memref<512xi32, #tpu.memory_space<hbm>>, %arg5: memref<10000x128xf32, #tpu.memory_space<hbm>>, %arg6: memref<632x128xf32, #tpu.memory_space<hbm>>, %arg7: memref<2x1280x128xf32, #tpu.memory_space<hbm>>, %arg8: memref<10176xi32, #tpu.memory_space<vmem>>, %arg9: memref<10176xi32, #tpu.memory_space<vmem>>, %arg10: memref<16xi32, #tpu.memory_space<vmem>>, %arg11: memref<80x128xf32, #tpu.memory_space<vmem>>, %arg12: memref<80x128xf32, #tpu.memory_space<vmem>>, %arg13: memref<1280x128xf32, #tpu.memory_space<vmem_shared>>, %arg14: memref<!tpu.dma_semaphore, #tpu.memory_space<semaphore_mem>>, %arg15: memref<!tpu.dma_semaphore, #tpu.memory_space<semaphore_mem>>, %arg16: memref<!tpu.dma_semaphore, #tpu.memory_space<semaphore_mem>>, %arg17: memref<!tpu.dma_semaphore, #tpu.memory_space<semaphore_mem>>) attributes {dimension_semantics = [#tpu.dimension_semantics<core_parallel>, #tpu.dimension_semantics<subcore_parallel>], iteration_bounds = array<i64: 2, 16>, scalar_prefetch = 0 : i64, scratch_operands = 10 : i64, tpu.core_type = #tpu.core_type<sc_vector_subcore>, window_params = [{transform_indices = #map}, {transform_indices = #map}, {transform_indices = #map}, {transform_indices = #map1}, {transform_indices = #map1}, {transform_indices = #map2}]} {
    %mul3A = arith.constant 16 : i32
    %mul3A_0 = arith.muli %arg0, %mul3A : i32
    %add3A = arith.addi %mul3A_0, %arg1 : i32
    %mul3A_1 = arith.constant 10176 : i32
    %mul3A_2 = arith.muli %add3A, %mul3A_1 : i32
    "tpu.region"() ({
      %run_scoped3A = tpu.sem_alloc : memref<!tpu.dma_semaphore, #tpu.memory_space<semaphore_mem>>
      %dma_start3A_77 = tpu.memref_slice %arg2[%mul3A_2] : memref<325632xi32, #tpu.memory_space<hbm>> -> memref<10176xi32, #tpu.memory_space<hbm>>
      %dma_start3A_78 = tpu.memref_slice %arg2[%mul3A_2] : memref<325632xi32, #tpu.memory_space<hbm>> -> memref<10176xi32, #tpu.memory_space<hbm>>
      tpu.enqueue_dma source(%dma_start3A_78 : memref<10176xi32, #tpu.memory_space<hbm>>) target(%arg8 : memref<10176xi32, #tpu.memory_space<vmem>>) target_semaphore(%run_scoped3A : memref<!tpu.dma_semaphore, #tpu.memory_space<semaphore_mem>>)
      %dma_wait3A = tpu.memref_slice %arg2[%mul3A_2] : memref<325632xi32, #tpu.memory_space<hbm>> -> memref<10176xi32, #tpu.memory_space<hbm>>
      %dma_wait3A_79 = tpu.memref_slice %arg2[%mul3A_2] : memref<325632xi32, #tpu.memory_space<hbm>> -> memref<10176xi32, #tpu.memory_space<hbm>>
      tpu.wait_dma2 semaphore(%run_scoped3A : memref<!tpu.dma_semaphore, #tpu.memory_space<semaphore_mem>>) src(%dma_wait3A_79 : memref<10176xi32, #tpu.memory_space<hbm>>) dst(%arg8 : memref<10176xi32, #tpu.memory_space<vmem>>)
      tpu.yield
    }) : () -> ()
    %mul3A_3 = arith.constant 10176 : i32
    %mul3A_4 = arith.muli %add3A, %mul3A_3 : i32
    "tpu.region"() ({
      %run_scoped3A = tpu.sem_alloc : memref<!tpu.dma_semaphore, #tpu.memory_space<semaphore_mem>>
      %dma_start3A_77 = tpu.memref_slice %arg3[%mul3A_4] : memref<325632xi32, #tpu.memory_space<hbm>> -> memref<10176xi32, #tpu.memory_space<hbm>>
      %dma_start3A_78 = tpu.memref_slice %arg3[%mul3A_4] : memref<325632xi32, #tpu.memory_space<hbm>> -> memref<10176xi32, #tpu.memory_space<hbm>>
      tpu.enqueue_dma source(%dma_start3A_78 : memref<10176xi32, #tpu.memory_space<hbm>>) target(%arg9 : memref<10176xi32, #tpu.memory_space<vmem>>) target_semaphore(%run_scoped3A : memref<!tpu.dma_semaphore, #tpu.memory_space<semaphore_mem>>)
      %dma_wait3A = tpu.memref_slice %arg3[%mul3A_4] : memref<325632xi32, #tpu.memory_space<hbm>> -> memref<10176xi32, #tpu.memory_space<hbm>>
      %dma_wait3A_79 = tpu.memref_slice %arg3[%mul3A_4] : memref<325632xi32, #tpu.memory_space<hbm>> -> memref<10176xi32, #tpu.memory_space<hbm>>
      tpu.wait_dma2 semaphore(%run_scoped3A : memref<!tpu.dma_semaphore, #tpu.memory_space<semaphore_mem>>) src(%dma_wait3A_79 : memref<10176xi32, #tpu.memory_space<hbm>>) dst(%arg9 : memref<10176xi32, #tpu.memory_space<vmem>>)
      tpu.yield
    }) : () -> ()
    %mul3A_5 = arith.constant 16 : i32
    %mul3A_6 = arith.muli %add3A, %mul3A_5 : i32
    "tpu.region"() ({
      %run_scoped3A = tpu.sem_alloc : memref<!tpu.dma_semaphore, #tpu.memory_space<semaphore_mem>>
      %dma_start3A_77 = tpu.memref_slice %arg4[%mul3A_6] : memref<512xi32, #tpu.memory_space<hbm>> -> memref<16xi32, #tpu.memory_space<hbm>>
      %dma_start3A_78 = tpu.memref_slice %arg4[%mul3A_6] : memref<512xi32, #tpu.memory_space<hbm>> -> memref<16xi32, #tpu.memory_space<hbm>>
      tpu.enqueue_dma source(%dma_start3A_78 : memref<16xi32, #tpu.memory_space<hbm>>) target(%arg10 : memref<16xi32, #tpu.memory_space<vmem>>) target_semaphore(%run_scoped3A : memref<!tpu.dma_semaphore, #tpu.memory_space<semaphore_mem>>)
      %dma_wait3A = tpu.memref_slice %arg4[%mul3A_6] : memref<512xi32, #tpu.memory_space<hbm>> -> memref<16xi32, #tpu.memory_space<hbm>>
      %dma_wait3A_79 = tpu.memref_slice %arg4[%mul3A_6] : memref<512xi32, #tpu.memory_space<hbm>> -> memref<16xi32, #tpu.memory_space<hbm>>
      tpu.wait_dma2 semaphore(%run_scoped3A : memref<!tpu.dma_semaphore, #tpu.memory_space<semaphore_mem>>) src(%dma_wait3A_79 : memref<16xi32, #tpu.memory_space<hbm>>) dst(%arg10 : memref<16xi32, #tpu.memory_space<vmem>>)
      tpu.yield
    }) : () -> ()
    %mul3A_7 = arith.constant 80 : i32
    %mul3A_8 = arith.muli %arg1, %mul3A_7 : i32
    "tpu.region"() ({
      %run_scoped3A = tpu.sem_alloc : memref<!tpu.dma_semaphore, #tpu.memory_space<semaphore_mem>>
      %dma_start3A_77 = arith.constant 0 : i32
      %dma_start3A_78 = tpu.memref_slice %arg13[%mul3A_8, %dma_start3A_77] : memref<1280x128xf32, #tpu.memory_space<vmem_shared>> -> memref<80x128xf32, #tpu.memory_space<vmem_shared>>
      %dma_start3A_79 = arith.constant 0 : i32
      %dma_start3A_80 = arith.constant 0 : i32
      %dma_start3A_81 = tpu.memref_slice %arg6[%dma_start3A_79, %dma_start3A_80] : memref<632x128xf32, #tpu.memory_space<hbm>> -> memref<80x128xf32, #tpu.memory_space<hbm>>
      tpu.enqueue_dma source(%dma_start3A_81 : memref<80x128xf32, #tpu.memory_space<hbm>>) target(%dma_start3A_78 : memref<80x128xf32, #tpu.memory_space<vmem_shared>>) target_semaphore(%run_scoped3A : memref<!tpu.dma_semaphore, #tpu.memory_space<semaphore_mem>>)
      %dma_wait3A = arith.constant 0 : i32
      %dma_wait3A_82 = tpu.memref_slice %arg13[%mul3A_8, %dma_wait3A] : memref<1280x128xf32, #tpu.memory_space<vmem_shared>> -> memref<80x128xf32, #tpu.memory_space<vmem_shared>>
      %dma_wait3A_83 = arith.constant 0 : i32
      %dma_wait3A_84 = arith.constant 0 : i32
      %dma_wait3A_85 = tpu.memref_slice %arg6[%dma_wait3A_83, %dma_wait3A_84] : memref<632x128xf32, #tpu.memory_space<hbm>> -> memref<80x128xf32, #tpu.memory_space<hbm>>
      tpu.wait_dma2 semaphore(%run_scoped3A : memref<!tpu.dma_semaphore, #tpu.memory_space<semaphore_mem>>) src(%dma_wait3A_85 : memref<80x128xf32, #tpu.memory_space<hbm>>) dst(%dma_wait3A_82 : memref<80x128xf32, #tpu.memory_space<vmem_shared>>)
      tpu.yield
    }) : () -> ()
    %barrier3A = arith.constant 0 : index
    tpu.barrier barrier_id(%barrier3A)
    %get3A = arith.constant 0 : index
    %get3A_9 = tpu.vector_load %arg10[%get3A] {strides = array<i32>} : memref<16xi32, #tpu.memory_space<vmem>>, vector<16xi32>,
    %reduce_max3A = arith.constant true
    %reduce_max3A_10 = vector.broadcast %reduce_max3A : i1 to vector<16xi1>
    %reduce_max3A_11 = arith.constant -2147483648 : i32
    %reduce_max3A_12 = vector.broadcast %reduce_max3A_11 : i32 to vector<16xi32>
    %reduce_max3A_13 = arith.xori %get3A_9, %reduce_max3A_12 : vector<16xi32>
    %reduce_max3A_14 = tpu.scan <max>, %reduce_max3A_13 masked %reduce_max3A_10 : vector<16xi32>, vector<16xi1> -> vector<16xi32>
    %reduce_max3A_15 = arith.xori %reduce_max3A_14, %reduce_max3A_12 : vector<16xi32>
    %reduce_max3A_16 = vector.extract %reduce_max3A_15[15] : i32 from vector<16xi32>
    %add3A_17 = arith.constant 79 : i32
    %add3A_18 = arith.addi %reduce_max3A_16, %add3A_17 : i32
    %jit3A = arith.constant 80 : i32
    %div3A = arith.divsi %add3A_18, %jit3A : i32
    %sign3A = arith.constant 0 : i32
    %sign3A_19 = arith.cmpi sgt, %add3A_18, %sign3A : i32
    %sign3A_20 = arith.extui %sign3A_19 : i1 to i32
    %sign3A_21 = arith.constant 0 : i32
    %sign3A_22 = arith.cmpi slt, %add3A_18, %sign3A_21 : i32
    %sign3A_23 = arith.extui %sign3A_22 : i1 to i32
    %sign3A_24 = arith.subi %sign3A_20, %sign3A_23 : i32
    %sign3A_25 = arith.constant 0 : i32
    %sign3A_26 = arith.cmpi sgt, %jit3A, %sign3A_25 : i32
    %sign3A_27 = arith.extui %sign3A_26 : i1 to i32
    %sign3A_28 = arith.constant 0 : i32
    %sign3A_29 = arith.cmpi slt, %jit3A, %sign3A_28 : i32
    %sign3A_30 = arith.extui %sign3A_29 : i1 to i32
    %sign3A_31 = arith.subi %sign3A_27, %sign3A_30 : i32
    %ne3A = arith.cmpi ne, %sign3A_24, %sign3A_31 : i32
    %rem3A = arith.remsi %add3A_18, %jit3A : i32
    %ne3A_32 = arith.constant 0 : i32
    %ne3A_33 = arith.cmpi ne, %rem3A, %ne3A_32 : i32
    %and3A = arith.andi %ne3A, %ne3A_33 : i1
    %sub3A = arith.constant 1 : i32
    %sub3A_34 = arith.subi %div3A, %sub3A : i32
    %select_n3A = arith.select %and3A, %sub3A_34, %div3A : i32
    %max3A = arith.constant 1 : i32
    %max3A_35 = arith.maxsi %select_n3A, %max3A : i32
    %sub3A_36 = arith.constant 1 : i32
    %sub3A_37 = arith.subi %max3A_35, %sub3A_36 : i32
    %dma_start3A = arith.constant 0 : i32
    %dma_start3A_38 = tpu.memref_slice %arg8[%dma_start3A] : memref<10176xi32, #tpu.memory_space<vmem>> -> memref<80xi32, #tpu.memory_space<vmem>>
    %dma_start3A_39 = arith.constant 0 : i32
    %dma_start3A_40 = arith.constant 0 : i32
    %dma_start3A_41 = tpu.memref_slice %arg5[%dma_start3A_39, %dma_start3A_40] : memref<10000x128xf32, #tpu.memory_space<hbm>> -> memref<10000x128xf32, #tpu.memory_space<hbm>>
    tpu.enqueue_indirect_dma source(%dma_start3A_41 : memref<10000x128xf32, #tpu.memory_space<hbm>>) target(%arg11 : memref<80x128xf32, #tpu.memory_space<vmem>>) offsets(%dma_start3A_38 : memref<80xi32, #tpu.memory_space<vmem>>) semaphore(%arg14 : memref<!tpu.dma_semaphore, #tpu.memory_space<semaphore_mem>>)
    %while3A = arith.constant 0 : i32
    %while3A_42 = arith.constant 0 : i32
    %while3A_43 = arith.subi %sub3A_37, %while3A : i32
    %while3A_44 = arith.addi %while3A, %while3A_43 : i32
    %while3A_45 = arith.constant 1 : i32
    %while3A_46 = arith.divsi %while3A_43, %while3A_45 : i32
    %while3A_47 = arith.muli %while3A_46, %while3A_45 : i32
    %while3A_48 = arith.addi %while3A, %while3A_47 : i32
    %while3A_49 = arith.constant 1 : i32
    %while3A_50 = scf.for %while3A_77 = %while3A to %while3A_48 step %while3A_49 iter_args(%while3A_78 = %while3A_42) -> (i32)  : i32 {
      %jit3A_79 = arith.constant 2 : i32
      %eq3A_80 = arith.constant 0 : i32
      %eq3A_81 = arith.cmpi eq, %jit3A_79, %eq3A_80 : i32
      %jit3A_82 = arith.constant 1 : i32
      %select_n3A_83 = arith.select %eq3A_81, %jit3A_82, %jit3A_79 : i32
      %rem3A_84 = arith.remsi %while3A_77, %select_n3A_83 : i32
      %ne3A_85 = arith.constant 0 : i32
      %ne3A_86 = arith.cmpi ne, %rem3A_84, %ne3A_85 : i32
      %lt3A_87 = arith.constant 0 : i32
      %lt3A_88 = arith.cmpi slt, %rem3A_84, %lt3A_87 : i32
      %lt3A_89 = arith.constant 0 : i32
      %lt3A_90 = arith.cmpi slt, %select_n3A_83, %lt3A_89 : i32
      %ne3A_91 = arith.xori %lt3A_88, %lt3A_90 : i1
      %and3A_92 = arith.andi %ne3A_91, %ne3A_86 : i1
      %add3A_93 = arith.addi %rem3A_84, %select_n3A_83 : i32
      %select_n3A_94 = arith.select %and3A_92, %add3A_93, %rem3A_84 : i32
      %eq3A_95 = arith.constant 0 : i32
      %eq3A_96 = arith.cmpi eq, %select_n3A_94, %eq3A_95 : i32
      %convert_element_type3A_97 = arith.extui %eq3A_96 : i1 to i32
      %cond3A_98 = arith.constant 0 : i32
      %cond3A_99 = arith.constant 0 : i32
      %cond3A_100 = arith.cmpi ne, %convert_element_type3A_97, %cond3A_99 : i32
      %cond3A_101 = scf.if %cond3A_100 -> (i32) {
        %gt3A = arith.constant 0 : i32
        %gt3A_102 = arith.cmpi sgt, %while3A_77, %gt3A : i32
        %convert_element_type3A_103 = arith.extui %gt3A_102 : i1 to i32
        %cond3A_104 = arith.constant 0 : i32
        %cond3A_105 = arith.cmpi ne, %convert_element_type3A_103, %cond3A_104 : i32
        scf.if %cond3A_105 {
          %dma_wait3A_125 = arith.constant 0 : i32
          %dma_wait3A_126 = tpu.memref_slice %arg9[%dma_wait3A_125] : memref<10176xi32, #tpu.memory_space<vmem>> -> memref<80xi32, #tpu.memory_space<vmem>>
          %dma_wait3A_127 = arith.constant 0 : i32
          %dma_wait3A_128 = arith.constant 0 : i32
          %dma_wait3A_129 = tpu.memref_slice %arg13[%dma_wait3A_127, %dma_wait3A_128] : memref<1280x128xf32, #tpu.memory_space<vmem_shared>> -> memref<1280x128xf32, #tpu.memory_space<vmem_shared>>
          tpu.wait_indirect_dma semaphore(%arg17 : memref<!tpu.dma_semaphore, #tpu.memory_space<semaphore_mem>>) src(%arg12 : memref<80x128xf32, #tpu.memory_space<vmem>>) dst(%dma_wait3A_129 : memref<1280x128xf32, #tpu.memory_space<vmem_shared>>)
        } else {
        }
        %add3A_106 = arith.constant 1 : i32
        %add3A_107 = arith.addi %while3A_77, %add3A_106 : i32
        %mul3A_108 = arith.constant 80 : i32
        %mul3A_109 = arith.muli %add3A_107, %mul3A_108 : i32
        %dma_start3A_110 = tpu.memref_slice %arg8[%mul3A_109] : memref<10176xi32, #tpu.memory_space<vmem>> -> memref<80xi32, #tpu.memory_space<vmem>>
        %dma_start3A_111 = arith.constant 0 : i32
        %dma_start3A_112 = arith.constant 0 : i32
        %dma_start3A_113 = tpu.memref_slice %arg5[%dma_start3A_111, %dma_start3A_112] : memref<10000x128xf32, #tpu.memory_space<hbm>> -> memref<10000x128xf32, #tpu.memory_space<hbm>>
        tpu.enqueue_indirect_dma source(%dma_start3A_113 : memref<10000x128xf32, #tpu.memory_space<hbm>>) target(%arg12 : memref<80x128xf32, #tpu.memory_space<vmem>>) offsets(%dma_start3A_110 : memref<80xi32, #tpu.memory_space<vmem>>) semaphore(%arg15 : memref<!tpu.dma_semaphore, #tpu.memory_space<semaphore_mem>>)
        %dma_wait3A = arith.constant 0 : i32
        %dma_wait3A_114 = tpu.memref_slice %arg8[%dma_wait3A] : memref<10176xi32, #tpu.memory_space<vmem>> -> memref<80xi32, #tpu.memory_space<vmem>>
        %dma_wait3A_115 = arith.constant 0 : i32
        %dma_wait3A_116 = arith.constant 0 : i32
        %dma_wait3A_117 = tpu.memref_slice %arg5[%dma_wait3A_115, %dma_wait3A_116] : memref<10000x128xf32, #tpu.memory_space<hbm>> -> memref<10000x128xf32, #tpu.memory_space<hbm>>
        tpu.wait_indirect_dma semaphore(%arg14 : memref<!tpu.dma_semaphore, #tpu.memory_space<semaphore_mem>>) src(%dma_wait3A_117 : memref<10000x128xf32, #tpu.memory_space<hbm>>) dst(%arg11 : memref<80x128xf32, #tpu.memory_space<vmem>>)
        %mul3A_118 = arith.constant 80 : i32
        %mul3A_119 = arith.muli %while3A_77, %mul3A_118 : i32
        %dma_start3A_120 = tpu.memref_slice %arg9[%mul3A_119] : memref<10176xi32, #tpu.memory_space<vmem>> -> memref<80xi32, #tpu.memory_space<vmem>>
        %dma_start3A_121 = arith.constant 0 : i32
        %dma_start3A_122 = arith.constant 0 : i32
        %dma_start3A_123 = tpu.memref_slice %arg13[%dma_start3A_121, %dma_start3A_122] : memref<1280x128xf32, #tpu.memory_space<vmem_shared>> -> memref<1280x128xf32, #tpu.memory_space<vmem_shared>>
        tpu.enqueue_indirect_dma source(%arg11 : memref<80x128xf32, #tpu.memory_space<vmem>>) target(%dma_start3A_123 : memref<1280x128xf32, #tpu.memory_space<vmem_shared>>) offsets(%dma_start3A_120 : memref<80xi32, #tpu.memory_space<vmem>>) semaphore(%arg16 : memref<!tpu.dma_semaphore, #tpu.memory_space<semaphore_mem>>) {add = true}
        %cond3A_124 = arith.constant 0 : i32
        scf.yield %cond3A_124 : i32
      } else {
        %dma_wait3A = arith.constant 0 : i32
        %dma_wait3A_102 = tpu.memref_slice %arg9[%dma_wait3A] : memref<10176xi32, #tpu.memory_space<vmem>> -> memref<80xi32, #tpu.memory_space<vmem>>
        %dma_wait3A_103 = arith.constant 0 : i32
        %dma_wait3A_104 = arith.constant 0 : i32
        %dma_wait3A_105 = tpu.memref_slice %arg13[%dma_wait3A_103, %dma_wait3A_104] : memref<1280x128xf32, #tpu.memory_space<vmem_shared>> -> memref<1280x128xf32, #tpu.memory_space<vmem_shared>>
        tpu.wait_indirect_dma semaphore(%arg16 : memref<!tpu.dma_semaphore, #tpu.memory_space<semaphore_mem>>) src(%arg11 : memref<80x128xf32, #tpu.memory_space<vmem>>) dst(%dma_wait3A_105 : memref<1280x128xf32, #tpu.memory_space<vmem_shared>>)
        %add3A_106 = arith.constant 1 : i32
        %add3A_107 = arith.addi %while3A_77, %add3A_106 : i32
        %mul3A_108 = arith.constant 80 : i32
        %mul3A_109 = arith.muli %add3A_107, %mul3A_108 : i32
        %dma_start3A_110 = tpu.memref_slice %arg8[%mul3A_109] : memref<10176xi32, #tpu.memory_space<vmem>> -> memref<80xi32, #tpu.memory_space<vmem>>
        %dma_start3A_111 = arith.constant 0 : i32
        %dma_start3A_112 = arith.constant 0 : i32
        %dma_start3A_113 = tpu.memref_slice %arg5[%dma_start3A_111, %dma_start3A_112] : memref<10000x128xf32, #tpu.memory_space<hbm>> -> memref<10000x128xf32, #tpu.memory_space<hbm>>
        tpu.enqueue_indirect_dma source(%dma_start3A_113 : memref<10000x128xf32, #tpu.memory_space<hbm>>) target(%arg11 : memref<80x128xf32, #tpu.memory_space<vmem>>) offsets(%dma_start3A_110 : memref<80xi32, #tpu.memory_space<vmem>>) semaphore(%arg14 : memref<!tpu.dma_semaphore, #tpu.memory_space<semaphore_mem>>)
        %dma_wait3A_114 = arith.constant 0 : i32
        %dma_wait3A_115 = tpu.memref_slice %arg8[%dma_wait3A_114] : memref<10176xi32, #tpu.memory_space<vmem>> -> memref<80xi32, #tpu.memory_space<vmem>>
        %dma_wait3A_116 = arith.constant 0 : i32
        %dma_wait3A_117 = arith.constant 0 : i32
        %dma_wait3A_118 = tpu.memref_slice %arg5[%dma_wait3A_116, %dma_wait3A_117] : memref<10000x128xf32, #tpu.memory_space<hbm>> -> memref<10000x128xf32, #tpu.memory_space<hbm>>
        tpu.wait_indirect_dma semaphore(%arg15 : memref<!tpu.dma_semaphore, #tpu.memory_space<semaphore_mem>>) src(%dma_wait3A_118 : memref<10000x128xf32, #tpu.memory_space<hbm>>) dst(%arg12 : memref<80x128xf32, #tpu.memory_space<vmem>>)
        %mul3A_119 = arith.constant 80 : i32
        %mul3A_120 = arith.muli %while3A_77, %mul3A_119 : i32
        %dma_start3A_121 = tpu.memref_slice %arg9[%mul3A_120] : memref<10176xi32, #tpu.memory_space<vmem>> -> memref<80xi32, #tpu.memory_space<vmem>>
        %dma_start3A_122 = arith.constant 0 : i32
        %dma_start3A_123 = arith.constant 0 : i32
        %dma_start3A_124 = tpu.memref_slice %arg13[%dma_start3A_122, %dma_start3A_123] : memref<1280x128xf32, #tpu.memory_space<vmem_shared>> -> memref<1280x128xf32, #tpu.memory_space<vmem_shared>>
        tpu.enqueue_indirect_dma source(%arg12 : memref<80x128xf32, #tpu.memory_space<vmem>>) target(%dma_start3A_124 : memref<1280x128xf32, #tpu.memory_space<vmem_shared>>) offsets(%dma_start3A_121 : memref<80xi32, #tpu.memory_space<vmem>>) semaphore(%arg17 : memref<!tpu.dma_semaphore, #tpu.memory_space<semaphore_mem>>) {add = true}
        %cond3A_125 = arith.constant 0 : i32
        scf.yield %cond3A_125 : i32
      }
      scf.yield %cond3A_101 : i32
    }
    %while3A_51 = arith.constant 1 : i32
    %while3A_52 = scf.for %while3A_77 = %while3A_48 to %while3A_44 step %while3A_51 iter_args(%while3A_78 = %while3A_50) -> (i32)  : i32 {
      %jit3A_79 = arith.constant 2 : i32
      %eq3A_80 = arith.constant 0 : i32
      %eq3A_81 = arith.cmpi eq, %jit3A_79, %eq3A_80 : i32
      %jit3A_82 = arith.constant 1 : i32
      %select_n3A_83 = arith.select %eq3A_81, %jit3A_82, %jit3A_79 : i32
      %rem3A_84 = arith.remsi %while3A_77, %select_n3A_83 : i32
      %ne3A_85 = arith.constant 0 : i32
      %ne3A_86 = arith.cmpi ne, %rem3A_84, %ne3A_85 : i32
      %lt3A_87 = arith.constant 0 : i32
      %lt3A_88 = arith.cmpi slt, %rem3A_84, %lt3A_87 : i32
      %lt3A_89 = arith.constant 0 : i32
      %lt3A_90 = arith.cmpi slt, %select_n3A_83, %lt3A_89 : i32
      %ne3A_91 = arith.xori %lt3A_88, %lt3A_90 : i1
      %and3A_92 = arith.andi %ne3A_91, %ne3A_86 : i1
      %add3A_93 = arith.addi %rem3A_84, %select_n3A_83 : i32
      %select_n3A_94 = arith.select %and3A_92, %add3A_93, %rem3A_84 : i32
      %eq3A_95 = arith.constant 0 : i32
      %eq3A_96 = arith.cmpi eq, %select_n3A_94, %eq3A_95 : i32
      %convert_element_type3A_97 = arith.extui %eq3A_96 : i1 to i32
      %cond3A_98 = arith.constant 0 : i32
      %cond3A_99 = arith.constant 0 : i32
      %cond3A_100 = arith.cmpi ne, %convert_element_type3A_97, %cond3A_99 : i32
      %cond3A_101 = scf.if %cond3A_100 -> (i32) {
        %gt3A = arith.constant 0 : i32
        %gt3A_102 = arith.cmpi sgt, %while3A_77, %gt3A : i32
        %convert_element_type3A_103 = arith.extui %gt3A_102 : i1 to i32
        %cond3A_104 = arith.constant 0 : i32
        %cond3A_105 = arith.cmpi ne, %convert_element_type3A_103, %cond3A_104 : i32
        scf.if %cond3A_105 {
          %dma_wait3A_125 = arith.constant 0 : i32
          %dma_wait3A_126 = tpu.memref_slice %arg9[%dma_wait3A_125] : memref<10176xi32, #tpu.memory_space<vmem>> -> memref<80xi32, #tpu.memory_space<vmem>>
          %dma_wait3A_127 = arith.constant 0 : i32
          %dma_wait3A_128 = arith.constant 0 : i32
          %dma_wait3A_129 = tpu.memref_slice %arg13[%dma_wait3A_127, %dma_wait3A_128] : memref<1280x128xf32, #tpu.memory_space<vmem_shared>> -> memref<1280x128xf32, #tpu.memory_space<vmem_shared>>
          tpu.wait_indirect_dma semaphore(%arg17 : memref<!tpu.dma_semaphore, #tpu.memory_space<semaphore_mem>>) src(%arg12 : memref<80x128xf32, #tpu.memory_space<vmem>>) dst(%dma_wait3A_129 : memref<1280x128xf32, #tpu.memory_space<vmem_shared>>)
        } else {
        }
        %add3A_106 = arith.constant 1 : i32
        %add3A_107 = arith.addi %while3A_77, %add3A_106 : i32
        %mul3A_108 = arith.constant 80 : i32
        %mul3A_109 = arith.muli %add3A_107, %mul3A_108 : i32
        %dma_start3A_110 = tpu.memref_slice %arg8[%mul3A_109] : memref<10176xi32, #tpu.memory_space<vmem>> -> memref<80xi32, #tpu.memory_space<vmem>>
        %dma_start3A_111 = arith.constant 0 : i32
        %dma_start3A_112 = arith.constant 0 : i32
        %dma_start3A_113 = tpu.memref_slice %arg5[%dma_start3A_111, %dma_start3A_112] : memref<10000x128xf32, #tpu.memory_space<hbm>> -> memref<10000x128xf32, #tpu.memory_space<hbm>>
        tpu.enqueue_indirect_dma source(%dma_start3A_113 : memref<10000x128xf32, #tpu.memory_space<hbm>>) target(%arg12 : memref<80x128xf32, #tpu.memory_space<vmem>>) offsets(%dma_start3A_110 : memref<80xi32, #tpu.memory_space<vmem>>) semaphore(%arg15 : memref<!tpu.dma_semaphore, #tpu.memory_space<semaphore_mem>>)
        %dma_wait3A = arith.constant 0 : i32
        %dma_wait3A_114 = tpu.memref_slice %arg8[%dma_wait3A] : memref<10176xi32, #tpu.memory_space<vmem>> -> memref<80xi32, #tpu.memory_space<vmem>>
        %dma_wait3A_115 = arith.constant 0 : i32
        %dma_wait3A_116 = arith.constant 0 : i32
        %dma_wait3A_117 = tpu.memref_slice %arg5[%dma_wait3A_115, %dma_wait3A_116] : memref<10000x128xf32, #tpu.memory_space<hbm>> -> memref<10000x128xf32, #tpu.memory_space<hbm>>
        tpu.wait_indirect_dma semaphore(%arg14 : memref<!tpu.dma_semaphore, #tpu.memory_space<semaphore_mem>>) src(%dma_wait3A_117 : memref<10000x128xf32, #tpu.memory_space<hbm>>) dst(%arg11 : memref<80x128xf32, #tpu.memory_space<vmem>>)
        %mul3A_118 = arith.constant 80 : i32
        %mul3A_119 = arith.muli %while3A_77, %mul3A_118 : i32
        %dma_start3A_120 = tpu.memref_slice %arg9[%mul3A_119] : memref<10176xi32, #tpu.memory_space<vmem>> -> memref<80xi32, #tpu.memory_space<vmem>>
        %dma_start3A_121 = arith.constant 0 : i32
        %dma_start3A_122 = arith.constant 0 : i32
        %dma_start3A_123 = tpu.memref_slice %arg13[%dma_start3A_121, %dma_start3A_122] : memref<1280x128xf32, #tpu.memory_space<vmem_shared>> -> memref<1280x128xf32, #tpu.memory_space<vmem_shared>>
        tpu.enqueue_indirect_dma source(%arg11 : memref<80x128xf32, #tpu.memory_space<vmem>>) target(%dma_start3A_123 : memref<1280x128xf32, #tpu.memory_space<vmem_shared>>) offsets(%dma_start3A_120 : memref<80xi32, #tpu.memory_space<vmem>>) semaphore(%arg16 : memref<!tpu.dma_semaphore, #tpu.memory_space<semaphore_mem>>) {add = true}
        %cond3A_124 = arith.constant 0 : i32
        scf.yield %cond3A_124 : i32
      } else {
        %dma_wait3A = arith.constant 0 : i32
        %dma_wait3A_102 = tpu.memref_slice %arg9[%dma_wait3A] : memref<10176xi32, #tpu.memory_space<vmem>> -> memref<80xi32, #tpu.memory_space<vmem>>
        %dma_wait3A_103 = arith.constant 0 : i32
        %dma_wait3A_104 = arith.constant 0 : i32
        %dma_wait3A_105 = tpu.memref_slice %arg13[%dma_wait3A_103, %dma_wait3A_104] : memref<1280x128xf32, #tpu.memory_space<vmem_shared>> -> memref<1280x128xf32, #tpu.memory_space<vmem_shared>>
        tpu.wait_indirect_dma semaphore(%arg16 : memref<!tpu.dma_semaphore, #tpu.memory_space<semaphore_mem>>) src(%arg11 : memref<80x128xf32, #tpu.memory_space<vmem>>) dst(%dma_wait3A_105 : memref<1280x128xf32, #tpu.memory_space<vmem_shared>>)
        %add3A_106 = arith.constant 1 : i32
        %add3A_107 = arith.addi %while3A_77, %add3A_106 : i32
        %mul3A_108 = arith.constant 80 : i32
        %mul3A_109 = arith.muli %add3A_107, %mul3A_108 : i32
        %dma_start3A_110 = tpu.memref_slice %arg8[%mul3A_109] : memref<10176xi32, #tpu.memory_space<vmem>> -> memref<80xi32, #tpu.memory_space<vmem>>
        %dma_start3A_111 = arith.constant 0 : i32
        %dma_start3A_112 = arith.constant 0 : i32
        %dma_start3A_113 = tpu.memref_slice %arg5[%dma_start3A_111, %dma_start3A_112] : memref<10000x128xf32, #tpu.memory_space<hbm>> -> memref<10000x128xf32, #tpu.memory_space<hbm>>
        tpu.enqueue_indirect_dma source(%dma_start3A_113 : memref<10000x128xf32, #tpu.memory_space<hbm>>) target(%arg11 : memref<80x128xf32, #tpu.memory_space<vmem>>) offsets(%dma_start3A_110 : memref<80xi32, #tpu.memory_space<vmem>>) semaphore(%arg14 : memref<!tpu.dma_semaphore, #tpu.memory_space<semaphore_mem>>)
        %dma_wait3A_114 = arith.constant 0 : i32
        %dma_wait3A_115 = tpu.memref_slice %arg8[%dma_wait3A_114] : memref<10176xi32, #tpu.memory_space<vmem>> -> memref<80xi32, #tpu.memory_space<vmem>>
        %dma_wait3A_116 = arith.constant 0 : i32
        %dma_wait3A_117 = arith.constant 0 : i32
        %dma_wait3A_118 = tpu.memref_slice %arg5[%dma_wait3A_116, %dma_wait3A_117] : memref<10000x128xf32, #tpu.memory_space<hbm>> -> memref<10000x128xf32, #tpu.memory_space<hbm>>
        tpu.wait_indirect_dma semaphore(%arg15 : memref<!tpu.dma_semaphore, #tpu.memory_space<semaphore_mem>>) src(%dma_wait3A_118 : memref<10000x128xf32, #tpu.memory_space<hbm>>) dst(%arg12 : memref<80x128xf32, #tpu.memory_space<vmem>>)
        %mul3A_119 = arith.constant 80 : i32
        %mul3A_120 = arith.muli %while3A_77, %mul3A_119 : i32
        %dma_start3A_121 = tpu.memref_slice %arg9[%mul3A_120] : memref<10176xi32, #tpu.memory_space<vmem>> -> memref<80xi32, #tpu.memory_space<vmem>>
        %dma_start3A_122 = arith.constant 0 : i32
        %dma_start3A_123 = arith.constant 0 : i32
        %dma_start3A_124 = tpu.memref_slice %arg13[%dma_start3A_122, %dma_start3A_123] : memref<1280x128xf32, #tpu.memory_space<vmem_shared>> -> memref<1280x128xf32, #tpu.memory_space<vmem_shared>>
        tpu.enqueue_indirect_dma source(%arg12 : memref<80x128xf32, #tpu.memory_space<vmem>>) target(%dma_start3A_124 : memref<1280x128xf32, #tpu.memory_space<vmem_shared>>) offsets(%dma_start3A_121 : memref<80xi32, #tpu.memory_space<vmem>>) semaphore(%arg17 : memref<!tpu.dma_semaphore, #tpu.memory_space<semaphore_mem>>) {add = true}
        %cond3A_125 = arith.constant 0 : i32
        scf.yield %cond3A_125 : i32
      }
      scf.yield %cond3A_101 : i32
    }
    %jit3A_53 = arith.constant 2 : i32
    %eq3A = arith.constant 0 : i32
    %eq3A_54 = arith.cmpi eq, %jit3A_53, %eq3A : i32
    %jit3A_55 = arith.constant 1 : i32
    %select_n3A_56 = arith.select %eq3A_54, %jit3A_55, %jit3A_53 : i32
    %rem3A_57 = arith.remsi %sub3A_37, %select_n3A_56 : i32
    %ne3A_58 = arith.constant 0 : i32
    %ne3A_59 = arith.cmpi ne, %rem3A_57, %ne3A_58 : i32
    %lt3A = arith.constant 0 : i32
    %lt3A_60 = arith.cmpi slt, %rem3A_57, %lt3A : i32
    %lt3A_61 = arith.constant 0 : i32
    %lt3A_62 = arith.cmpi slt, %select_n3A_56, %lt3A_61 : i32
    %ne3A_63 = arith.xori %lt3A_60, %lt3A_62 : i1
    %and3A_64 = arith.andi %ne3A_63, %ne3A_59 : i1
    %add3A_65 = arith.addi %rem3A_57, %select_n3A_56 : i32
    %select_n3A_66 = arith.select %and3A_64, %add3A_65, %rem3A_57 : i32
    %eq3A_67 = arith.constant 0 : i32
    %eq3A_68 = arith.cmpi eq, %select_n3A_66, %eq3A_67 : i32
    %convert_element_type3A = arith.extui %eq3A_68 : i1 to i32
    %cond3A = arith.constant 0 : i32
    %cond3A_69 = arith.constant 0 : i32
    %cond3A_70 = arith.cmpi ne, %convert_element_type3A, %cond3A_69 : i32
    %cond3A_71 = scf.if %cond3A_70 -> (i32) {
      %gt3A = arith.constant 0 : i32
      %gt3A_77 = arith.cmpi sgt, %sub3A_37, %gt3A : i32
      %convert_element_type3A_78 = arith.extui %gt3A_77 : i1 to i32
      %cond3A_79 = arith.constant 0 : i32
      %cond3A_80 = arith.cmpi ne, %convert_element_type3A_78, %cond3A_79 : i32
      scf.if %cond3A_80 {
        %dma_wait3A_97 = arith.constant 0 : i32
        %dma_wait3A_98 = tpu.memref_slice %arg9[%dma_wait3A_97] : memref<10176xi32, #tpu.memory_space<vmem>> -> memref<80xi32, #tpu.memory_space<vmem>>
        %dma_wait3A_99 = arith.constant 0 : i32
        %dma_wait3A_100 = arith.constant 0 : i32
        %dma_wait3A_101 = tpu.memref_slice %arg13[%dma_wait3A_99, %dma_wait3A_100] : memref<1280x128xf32, #tpu.memory_space<vmem_shared>> -> memref<1280x128xf32, #tpu.memory_space<vmem_shared>>
        tpu.wait_indirect_dma semaphore(%arg17 : memref<!tpu.dma_semaphore, #tpu.memory_space<semaphore_mem>>) src(%arg12 : memref<80x128xf32, #tpu.memory_space<vmem>>) dst(%dma_wait3A_101 : memref<1280x128xf32, #tpu.memory_space<vmem_shared>>)
      } else {
      }
      %dma_wait3A = arith.constant 0 : i32
      %dma_wait3A_81 = tpu.memref_slice %arg8[%dma_wait3A] : memref<10176xi32, #tpu.memory_space<vmem>> -> memref<80xi32, #tpu.memory_space<vmem>>
      %dma_wait3A_82 = arith.constant 0 : i32
      %dma_wait3A_83 = arith.constant 0 : i32
      %dma_wait3A_84 = tpu.memref_slice %arg5[%dma_wait3A_82, %dma_wait3A_83] : memref<10000x128xf32, #tpu.memory_space<hbm>> -> memref<10000x128xf32, #tpu.memory_space<hbm>>
      tpu.wait_indirect_dma semaphore(%arg14 : memref<!tpu.dma_semaphore, #tpu.memory_space<semaphore_mem>>) src(%dma_wait3A_84 : memref<10000x128xf32, #tpu.memory_space<hbm>>) dst(%arg11 : memref<80x128xf32, #tpu.memory_space<vmem>>)
      %mul3A_85 = arith.constant 80 : i32
      %mul3A_86 = arith.muli %sub3A_37, %mul3A_85 : i32
      %dma_start3A_87 = tpu.memref_slice %arg9[%mul3A_86] : memref<10176xi32, #tpu.memory_space<vmem>> -> memref<80xi32, #tpu.memory_space<vmem>>
      %dma_start3A_88 = arith.constant 0 : i32
      %dma_start3A_89 = arith.constant 0 : i32
      %dma_start3A_90 = tpu.memref_slice %arg13[%dma_start3A_88, %dma_start3A_89] : memref<1280x128xf32, #tpu.memory_space<vmem_shared>> -> memref<1280x128xf32, #tpu.memory_space<vmem_shared>>
      tpu.enqueue_indirect_dma source(%arg11 : memref<80x128xf32, #tpu.memory_space<vmem>>) target(%dma_start3A_90 : memref<1280x128xf32, #tpu.memory_space<vmem_shared>>) offsets(%dma_start3A_87 : memref<80xi32, #tpu.memory_space<vmem>>) semaphore(%arg16 : memref<!tpu.dma_semaphore, #tpu.memory_space<semaphore_mem>>) {add = true}
      %dma_wait3A_91 = arith.constant 0 : i32
      %dma_wait3A_92 = tpu.memref_slice %arg9[%dma_wait3A_91] : memref<10176xi32, #tpu.memory_space<vmem>> -> memref<80xi32, #tpu.memory_space<vmem>>
      %dma_wait3A_93 = arith.constant 0 : i32
      %dma_wait3A_94 = arith.constant 0 : i32
      %dma_wait3A_95 = tpu.memref_slice %arg13[%dma_wait3A_93, %dma_wait3A_94] : memref<1280x128xf32, #tpu.memory_space<vmem_shared>> -> memref<1280x128xf32, #tpu.memory_space<vmem_shared>>
      tpu.wait_indirect_dma semaphore(%arg16 : memref<!tpu.dma_semaphore, #tpu.memory_space<semaphore_mem>>) src(%arg11 : memref<80x128xf32, #tpu.memory_space<vmem>>) dst(%dma_wait3A_95 : memref<1280x128xf32, #tpu.memory_space<vmem_shared>>)
      %cond3A_96 = arith.constant 0 : i32
      scf.yield %cond3A_96 : i32
    } else {
      %dma_wait3A = arith.constant 0 : i32
      %dma_wait3A_77 = tpu.memref_slice %arg9[%dma_wait3A] : memref<10176xi32, #tpu.memory_space<vmem>> -> memref<80xi32, #tpu.memory_space<vmem>>
      %dma_wait3A_78 = arith.constant 0 : i32
      %dma_wait3A_79 = arith.constant 0 : i32
      %dma_wait3A_80 = tpu.memref_slice %arg13[%dma_wait3A_78, %dma_wait3A_79] : memref<1280x128xf32, #tpu.memory_space<vmem_shared>> -> memref<1280x128xf32, #tpu.memory_space<vmem_shared>>
      tpu.wait_indirect_dma semaphore(%arg16 : memref<!tpu.dma_semaphore, #tpu.memory_space<semaphore_mem>>) src(%arg11 : memref<80x128xf32, #tpu.memory_space<vmem>>) dst(%dma_wait3A_80 : memref<1280x128xf32, #tpu.memory_space<vmem_shared>>)
      %dma_wait3A_81 = arith.constant 0 : i32
      %dma_wait3A_82 = tpu.memref_slice %arg8[%dma_wait3A_81] : memref<10176xi32, #tpu.memory_space<vmem>> -> memref<80xi32, #tpu.memory_space<vmem>>
      %dma_wait3A_83 = arith.constant 0 : i32
      %dma_wait3A_84 = arith.constant 0 : i32
      %dma_wait3A_85 = tpu.memref_slice %arg5[%dma_wait3A_83, %dma_wait3A_84] : memref<10000x128xf32, #tpu.memory_space<hbm>> -> memref<10000x128xf32, #tpu.memory_space<hbm>>
      tpu.wait_indirect_dma semaphore(%arg15 : memref<!tpu.dma_semaphore, #tpu.memory_space<semaphore_mem>>) src(%dma_wait3A_85 : memref<10000x128xf32, #tpu.memory_space<hbm>>) dst(%arg12 : memref<80x128xf32, #tpu.memory_space<vmem>>)
      %mul3A_86 = arith.constant 80 : i32
      %mul3A_87 = arith.muli %sub3A_37, %mul3A_86 : i32
      %dma_start3A_88 = tpu.memref_slice %arg9[%mul3A_87] : memref<10176xi32, #tpu.memory_space<vmem>> -> memref<80xi32, #tpu.memory_space<vmem>>
      %dma_start3A_89 = arith.constant 0 : i32
      %dma_start3A_90 = arith.constant 0 : i32
      %dma_start3A_91 = tpu.memref_slice %arg13[%dma_start3A_89, %dma_start3A_90] : memref<1280x128xf32, #tpu.memory_space<vmem_shared>> -> memref<1280x128xf32, #tpu.memory_space<vmem_shared>>
      tpu.enqueue_indirect_dma source(%arg12 : memref<80x128xf32, #tpu.memory_space<vmem>>) target(%dma_start3A_91 : memref<1280x128xf32, #tpu.memory_space<vmem_shared>>) offsets(%dma_start3A_88 : memref<80xi32, #tpu.memory_space<vmem>>) semaphore(%arg17 : memref<!tpu.dma_semaphore, #tpu.memory_space<semaphore_mem>>) {add = true}
      %dma_wait3A_92 = arith.constant 0 : i32
      %dma_wait3A_93 = tpu.memref_slice %arg9[%dma_wait3A_92] : memref<10176xi32, #tpu.memory_space<vmem>> -> memref<80xi32, #tpu.memory_space<vmem>>
      %dma_wait3A_94 = arith.constant 0 : i32
      %dma_wait3A_95 = arith.constant 0 : i32
      %dma_wait3A_96 = tpu.memref_slice %arg13[%dma_wait3A_94, %dma_wait3A_95] : memref<1280x128xf32, #tpu.memory_space<vmem_shared>> -> memref<1280x128xf32, #tpu.memory_space<vmem_shared>>
      tpu.wait_indirect_dma semaphore(%arg17 : memref<!tpu.dma_semaphore, #tpu.memory_space<semaphore_mem>>) src(%arg12 : memref<80x128xf32, #tpu.memory_space<vmem>>) dst(%dma_wait3A_96 : memref<1280x128xf32, #tpu.memory_space<vmem_shared>>)
      %cond3A_97 = arith.constant 0 : i32
      scf.yield %cond3A_97 : i32
    }
    %barrier3A_72 = arith.constant 0 : index
    tpu.barrier barrier_id(%barrier3A_72)
    %mul3A_73 = arith.constant 80 : i32
    %mul3A_74 = arith.muli %arg1, %mul3A_73 : i32
    %mul3A_75 = arith.constant 80 : i32
    %mul3A_76 = arith.muli %arg1, %mul3A_75 : i32
    "tpu.region"() ({
      %run_scoped3A = tpu.sem_alloc : memref<!tpu.dma_semaphore, #tpu.memory_space<semaphore_mem>>
      %dma_start3A_77 = arith.constant 0 : i32
      %dma_start3A_78 = tpu.memref_slice %arg7[%arg0, %mul3A_76, %dma_start3A_77] : memref<2x1280x128xf32, #tpu.memory_space<hbm>> -> memref<1x80x128xf32, #tpu.memory_space<hbm>>
      %dma_start3A_79 = tpu.memref_squeeze %dma_start3A_78 : memref<1x80x128xf32, #tpu.memory_space<hbm>> -> memref<80x128xf32, #tpu.memory_space<hbm>>
      %dma_start3A_80 = arith.constant 0 : i32
      %dma_start3A_81 = tpu.memref_slice %arg13[%mul3A_74, %dma_start3A_80] : memref<1280x128xf32, #tpu.memory_space<vmem_shared>> -> memref<80x128xf32, #tpu.memory_space<vmem_shared>>
      tpu.enqueue_dma source(%dma_start3A_81 : memref<80x128xf32, #tpu.memory_space<vmem_shared>>) target(%dma_start3A_79 : memref<80x128xf32, #tpu.memory_space<hbm>>) target_semaphore(%run_scoped3A : memref<!tpu.dma_semaphore, #tpu.memory_space<semaphore_mem>>)
      %dma_wait3A = arith.constant 0 : i32
      %dma_wait3A_82 = tpu.memref_slice %arg7[%arg0, %mul3A_76, %dma_wait3A] : memref<2x1280x128xf32, #tpu.memory_space<hbm>> -> memref<1x80x128xf32, #tpu.memory_space<hbm>>
      %dma_wait3A_83 = tpu.memref_squeeze %dma_wait3A_82 : memref<1x80x128xf32, #tpu.memory_space<hbm>> -> memref<80x128xf32, #tpu.memory_space<hbm>>
      %dma_wait3A_84 = arith.constant 0 : i32
      %dma_wait3A_85 = tpu.memref_slice %arg13[%mul3A_74, %dma_wait3A_84] : memref<1280x128xf32, #tpu.memory_space<vmem_shared>> -> memref<80x128xf32, #tpu.memory_space<vmem_shared>>
      tpu.wait_dma2 semaphore(%run_scoped3A : memref<!tpu.dma_semaphore, #tpu.memory_space<semaphore_mem>>) src(%dma_wait3A_85 : memref<80x128xf32, #tpu.memory_space<vmem_shared>>) dst(%dma_wait3A_83 : memref<80x128xf32, #tpu.memory_space<hbm>>)
      tpu.yield
    }) : () -> ()
    return
  }
}

#map = affine_map<(d0, d1) -> (0)>
#map1 = affine_map<(d0, d1) -> (0, 0)>
#map2 = affine_map<(d0, d1) -> (0, 0, 0)>
module attributes {stable_mosaic.version = 14 : i64} {
  func.func @_agg_kernel(%arg0: i32, %arg1: i32, %arg2: memref<320000xi32, #tpu.memory_space<hbm>>, %arg3: memref<320000xi32, #tpu.memory_space<hbm>>, %arg4: memref<10000x128xf32, #tpu.memory_space<hbm>>, %arg5: memref<632x128xf32, #tpu.memory_space<hbm>>, %arg6: memref<2x10112x128xf32, #tpu.memory_space<hbm>>, %arg7: memref<10000xi32, #tpu.memory_space<vmem>>, %arg8: memref<10000xi32, #tpu.memory_space<vmem>>, %arg9: memref<80x128xf32, #tpu.memory_space<vmem>>, %arg10: memref<80x128xf32, #tpu.memory_space<vmem>>, %arg11: memref<10112x128xf32, #tpu.memory_space<vmem_shared>>, %arg12: memref<!tpu.dma_semaphore, #tpu.memory_space<semaphore_mem>>, %arg13: memref<!tpu.dma_semaphore, #tpu.memory_space<semaphore_mem>>, %arg14: memref<!tpu.dma_semaphore, #tpu.memory_space<semaphore_mem>>, %arg15: memref<!tpu.dma_semaphore, #tpu.memory_space<semaphore_mem>>) attributes {dimension_semantics = [#tpu.dimension_semantics<core_parallel>, #tpu.dimension_semantics<subcore_parallel>], iteration_bounds = array<i64: 2, 16>, scalar_prefetch = 0 : i64, scratch_operands = 9 : i64, tpu.core_type = #tpu.core_type<sc_vector_subcore>, window_params = [{transform_indices = #map}, {transform_indices = #map}, {transform_indices = #map1}, {transform_indices = #map1}, {transform_indices = #map2}]} {
    %mul3A = arith.constant 16 : i32
    %mul3A_0 = arith.muli %arg0, %mul3A : i32
    %add3A = arith.addi %mul3A_0, %arg1 : i32
    %mul3A_1 = arith.constant 10000 : i32
    %mul3A_2 = arith.muli %add3A, %mul3A_1 : i32
    %mul3A_3 = arith.constant 632 : i32
    %mul3A_4 = arith.muli %arg1, %mul3A_3 : i32
    "tpu.region"() ({
      %run_scoped3A = tpu.sem_alloc : memref<!tpu.dma_semaphore, #tpu.memory_space<semaphore_mem>>
      %dma_start3A_35 = tpu.memref_slice %arg2[%mul3A_2] : memref<320000xi32, #tpu.memory_space<hbm>> -> memref<10000xi32, #tpu.memory_space<hbm>>
      %dma_start3A_36 = tpu.memref_slice %arg2[%mul3A_2] : memref<320000xi32, #tpu.memory_space<hbm>> -> memref<10000xi32, #tpu.memory_space<hbm>>
      tpu.enqueue_dma source(%dma_start3A_36 : memref<10000xi32, #tpu.memory_space<hbm>>) target(%arg7 : memref<10000xi32, #tpu.memory_space<vmem>>) target_semaphore(%run_scoped3A : memref<!tpu.dma_semaphore, #tpu.memory_space<semaphore_mem>>)
      %dma_wait3A_37 = tpu.memref_slice %arg2[%mul3A_2] : memref<320000xi32, #tpu.memory_space<hbm>> -> memref<10000xi32, #tpu.memory_space<hbm>>
      %dma_wait3A_38 = tpu.memref_slice %arg2[%mul3A_2] : memref<320000xi32, #tpu.memory_space<hbm>> -> memref<10000xi32, #tpu.memory_space<hbm>>
      tpu.wait_dma2 semaphore(%run_scoped3A : memref<!tpu.dma_semaphore, #tpu.memory_space<semaphore_mem>>) src(%dma_wait3A_38 : memref<10000xi32, #tpu.memory_space<hbm>>) dst(%arg7 : memref<10000xi32, #tpu.memory_space<vmem>>)
      tpu.yield
    }) : () -> ()
    "tpu.region"() ({
      %run_scoped3A = tpu.sem_alloc : memref<!tpu.dma_semaphore, #tpu.memory_space<semaphore_mem>>
      %dma_start3A_35 = tpu.memref_slice %arg3[%mul3A_2] : memref<320000xi32, #tpu.memory_space<hbm>> -> memref<10000xi32, #tpu.memory_space<hbm>>
      %dma_start3A_36 = tpu.memref_slice %arg3[%mul3A_2] : memref<320000xi32, #tpu.memory_space<hbm>> -> memref<10000xi32, #tpu.memory_space<hbm>>
      tpu.enqueue_dma source(%dma_start3A_36 : memref<10000xi32, #tpu.memory_space<hbm>>) target(%arg8 : memref<10000xi32, #tpu.memory_space<vmem>>) target_semaphore(%run_scoped3A : memref<!tpu.dma_semaphore, #tpu.memory_space<semaphore_mem>>)
      %dma_wait3A_37 = tpu.memref_slice %arg3[%mul3A_2] : memref<320000xi32, #tpu.memory_space<hbm>> -> memref<10000xi32, #tpu.memory_space<hbm>>
      %dma_wait3A_38 = tpu.memref_slice %arg3[%mul3A_2] : memref<320000xi32, #tpu.memory_space<hbm>> -> memref<10000xi32, #tpu.memory_space<hbm>>
      tpu.wait_dma2 semaphore(%run_scoped3A : memref<!tpu.dma_semaphore, #tpu.memory_space<semaphore_mem>>) src(%dma_wait3A_38 : memref<10000xi32, #tpu.memory_space<hbm>>) dst(%arg8 : memref<10000xi32, #tpu.memory_space<vmem>>)
      tpu.yield
    }) : () -> ()
    "tpu.region"() ({
      %run_scoped3A = tpu.sem_alloc : memref<!tpu.dma_semaphore, #tpu.memory_space<semaphore_mem>>
      %dma_start3A_35 = arith.constant 0 : i32
      %dma_start3A_36 = tpu.memref_slice %arg11[%mul3A_4, %dma_start3A_35] : memref<10112x128xf32, #tpu.memory_space<vmem_shared>> -> memref<632x128xf32, #tpu.memory_space<vmem_shared>>
      tpu.enqueue_dma source(%arg5 : memref<632x128xf32, #tpu.memory_space<hbm>>) target(%dma_start3A_36 : memref<632x128xf32, #tpu.memory_space<vmem_shared>>) target_semaphore(%run_scoped3A : memref<!tpu.dma_semaphore, #tpu.memory_space<semaphore_mem>>)
      %dma_wait3A_37 = arith.constant 0 : i32
      %dma_wait3A_38 = tpu.memref_slice %arg11[%mul3A_4, %dma_wait3A_37] : memref<10112x128xf32, #tpu.memory_space<vmem_shared>> -> memref<632x128xf32, #tpu.memory_space<vmem_shared>>
      tpu.wait_dma2 semaphore(%run_scoped3A : memref<!tpu.dma_semaphore, #tpu.memory_space<semaphore_mem>>) src(%arg5 : memref<632x128xf32, #tpu.memory_space<hbm>>) dst(%dma_wait3A_38 : memref<632x128xf32, #tpu.memory_space<vmem_shared>>)
      tpu.yield
    }) : () -> ()
    %barrier3A = arith.constant 0 : index
    tpu.barrier barrier_id(%barrier3A)
    %dma_start3A = arith.constant 0 : i32
    %dma_start3A_5 = tpu.memref_slice %arg7[%dma_start3A] : memref<10000xi32, #tpu.memory_space<vmem>> -> memref<80xi32, #tpu.memory_space<vmem>>
    %dma_start3A_6 = arith.constant 0 : i32
    %dma_start3A_7 = arith.constant 0 : i32
    %dma_start3A_8 = tpu.memref_slice %arg4[%dma_start3A_6, %dma_start3A_7] : memref<10000x128xf32, #tpu.memory_space<hbm>> -> memref<10000x128xf32, #tpu.memory_space<hbm>>
    tpu.enqueue_indirect_dma source(%dma_start3A_8 : memref<10000x128xf32, #tpu.memory_space<hbm>>) target(%arg9 : memref<80x128xf32, #tpu.memory_space<vmem>>) offsets(%dma_start3A_5 : memref<80xi32, #tpu.memory_space<vmem>>) semaphore(%arg12 : memref<!tpu.dma_semaphore, #tpu.memory_space<semaphore_mem>>)
    %scan3A = arith.constant 0 : i32
    %scan3A_9 = arith.constant 0 : i32
    %scan3A_10 = arith.constant 124 : i32
    %scan3A_11 = arith.addi %scan3A_9, %scan3A_10 : i32
    %scan3A_12 = arith.constant 1 : i32
    %scan3A_13 = scf.for %scan3A_35 = %scan3A_9 to %scan3A_11 step %scan3A_12 iter_args(%scan3A_36 = %scan3A) -> (i32)  : i32 {
      %jit3A = arith.constant 2 : i32
      %eq3A = arith.constant 0 : i32
      %eq3A_37 = arith.cmpi eq, %jit3A, %eq3A : i32
      %jit3A_38 = arith.constant 1 : i32
      %select_n3A = arith.select %eq3A_37, %jit3A_38, %jit3A : i32
      %rem3A = arith.remsi %scan3A_35, %select_n3A : i32
      %ne3A = arith.constant 0 : i32
      %ne3A_39 = arith.cmpi ne, %rem3A, %ne3A : i32
      %lt3A = arith.constant 0 : i32
      %lt3A_40 = arith.cmpi slt, %rem3A, %lt3A : i32
      %lt3A_41 = arith.constant 0 : i32
      %lt3A_42 = arith.cmpi slt, %select_n3A, %lt3A_41 : i32
      %ne3A_43 = arith.xori %lt3A_40, %lt3A_42 : i1
      %and3A = arith.andi %ne3A_43, %ne3A_39 : i1
      %add3A_44 = arith.addi %rem3A, %select_n3A : i32
      %select_n3A_45 = arith.select %and3A, %add3A_44, %rem3A : i32
      %eq3A_46 = arith.constant 0 : i32
      %eq3A_47 = arith.cmpi eq, %select_n3A_45, %eq3A_46 : i32
      %convert_element_type3A = arith.extui %eq3A_47 : i1 to i32
      %cond3A = arith.constant 0 : i32
      %cond3A_48 = arith.constant 0 : i32
      %cond3A_49 = arith.cmpi ne, %convert_element_type3A, %cond3A_48 : i32
      %cond3A_50 = scf.if %cond3A_49 -> (i32) {
        %gt3A = arith.constant 0 : i32
        %gt3A_51 = arith.cmpi sgt, %scan3A_35, %gt3A : i32
        %convert_element_type3A_52 = arith.extui %gt3A_51 : i1 to i32
        %cond3A_53 = arith.constant 0 : i32
        %cond3A_54 = arith.cmpi ne, %convert_element_type3A_52, %cond3A_53 : i32
        scf.if %cond3A_54 {
          %dma_wait3A_75 = arith.constant 0 : i32
          %dma_wait3A_76 = tpu.memref_slice %arg8[%dma_wait3A_75] : memref<10000xi32, #tpu.memory_space<vmem>> -> memref<80xi32, #tpu.memory_space<vmem>>
          %dma_wait3A_77 = arith.constant 0 : i32
          %dma_wait3A_78 = arith.constant 0 : i32
          %dma_wait3A_79 = tpu.memref_slice %arg11[%dma_wait3A_77, %dma_wait3A_78] : memref<10112x128xf32, #tpu.memory_space<vmem_shared>> -> memref<10112x128xf32, #tpu.memory_space<vmem_shared>>
          tpu.wait_indirect_dma semaphore(%arg15 : memref<!tpu.dma_semaphore, #tpu.memory_space<semaphore_mem>>) src(%arg10 : memref<80x128xf32, #tpu.memory_space<vmem>>) dst(%dma_wait3A_79 : memref<10112x128xf32, #tpu.memory_space<vmem_shared>>)
        } else {
        }
        %add3A_55 = arith.constant 1 : i32
        %add3A_56 = arith.addi %scan3A_35, %add3A_55 : i32
        %mul3A_57 = arith.constant 80 : i32
        %mul3A_58 = arith.muli %add3A_56, %mul3A_57 : i32
        %dma_start3A_59 = tpu.memref_slice %arg7[%mul3A_58] : memref<10000xi32, #tpu.memory_space<vmem>> -> memref<80xi32, #tpu.memory_space<vmem>>
        %dma_start3A_60 = arith.constant 0 : i32
        %dma_start3A_61 = arith.constant 0 : i32
        %dma_start3A_62 = tpu.memref_slice %arg4[%dma_start3A_60, %dma_start3A_61] : memref<10000x128xf32, #tpu.memory_space<hbm>> -> memref<10000x128xf32, #tpu.memory_space<hbm>>
        tpu.enqueue_indirect_dma source(%dma_start3A_62 : memref<10000x128xf32, #tpu.memory_space<hbm>>) target(%arg10 : memref<80x128xf32, #tpu.memory_space<vmem>>) offsets(%dma_start3A_59 : memref<80xi32, #tpu.memory_space<vmem>>) semaphore(%arg13 : memref<!tpu.dma_semaphore, #tpu.memory_space<semaphore_mem>>)
        %dma_wait3A_63 = arith.constant 0 : i32
        %dma_wait3A_64 = tpu.memref_slice %arg7[%dma_wait3A_63] : memref<10000xi32, #tpu.memory_space<vmem>> -> memref<80xi32, #tpu.memory_space<vmem>>
        %dma_wait3A_65 = arith.constant 0 : i32
        %dma_wait3A_66 = arith.constant 0 : i32
        %dma_wait3A_67 = tpu.memref_slice %arg4[%dma_wait3A_65, %dma_wait3A_66] : memref<10000x128xf32, #tpu.memory_space<hbm>> -> memref<10000x128xf32, #tpu.memory_space<hbm>>
        tpu.wait_indirect_dma semaphore(%arg12 : memref<!tpu.dma_semaphore, #tpu.memory_space<semaphore_mem>>) src(%dma_wait3A_67 : memref<10000x128xf32, #tpu.memory_space<hbm>>) dst(%arg9 : memref<80x128xf32, #tpu.memory_space<vmem>>)
        %mul3A_68 = arith.constant 80 : i32
        %mul3A_69 = arith.muli %scan3A_35, %mul3A_68 : i32
        %dma_start3A_70 = tpu.memref_slice %arg8[%mul3A_69] : memref<10000xi32, #tpu.memory_space<vmem>> -> memref<80xi32, #tpu.memory_space<vmem>>
        %dma_start3A_71 = arith.constant 0 : i32
        %dma_start3A_72 = arith.constant 0 : i32
        %dma_start3A_73 = tpu.memref_slice %arg11[%dma_start3A_71, %dma_start3A_72] : memref<10112x128xf32, #tpu.memory_space<vmem_shared>> -> memref<10112x128xf32, #tpu.memory_space<vmem_shared>>
        tpu.enqueue_indirect_dma source(%arg9 : memref<80x128xf32, #tpu.memory_space<vmem>>) target(%dma_start3A_73 : memref<10112x128xf32, #tpu.memory_space<vmem_shared>>) offsets(%dma_start3A_70 : memref<80xi32, #tpu.memory_space<vmem>>) semaphore(%arg14 : memref<!tpu.dma_semaphore, #tpu.memory_space<semaphore_mem>>) {add = true}
        %cond3A_74 = arith.constant 0 : i32
        scf.yield %cond3A_74 : i32
      } else {
        %dma_wait3A_51 = arith.constant 0 : i32
        %dma_wait3A_52 = tpu.memref_slice %arg8[%dma_wait3A_51] : memref<10000xi32, #tpu.memory_space<vmem>> -> memref<80xi32, #tpu.memory_space<vmem>>
        %dma_wait3A_53 = arith.constant 0 : i32
        %dma_wait3A_54 = arith.constant 0 : i32
        %dma_wait3A_55 = tpu.memref_slice %arg11[%dma_wait3A_53, %dma_wait3A_54] : memref<10112x128xf32, #tpu.memory_space<vmem_shared>> -> memref<10112x128xf32, #tpu.memory_space<vmem_shared>>
        tpu.wait_indirect_dma semaphore(%arg14 : memref<!tpu.dma_semaphore, #tpu.memory_space<semaphore_mem>>) src(%arg9 : memref<80x128xf32, #tpu.memory_space<vmem>>) dst(%dma_wait3A_55 : memref<10112x128xf32, #tpu.memory_space<vmem_shared>>)
        %add3A_56 = arith.constant 1 : i32
        %add3A_57 = arith.addi %scan3A_35, %add3A_56 : i32
        %mul3A_58 = arith.constant 80 : i32
        %mul3A_59 = arith.muli %add3A_57, %mul3A_58 : i32
        %dma_start3A_60 = tpu.memref_slice %arg7[%mul3A_59] : memref<10000xi32, #tpu.memory_space<vmem>> -> memref<80xi32, #tpu.memory_space<vmem>>
        %dma_start3A_61 = arith.constant 0 : i32
        %dma_start3A_62 = arith.constant 0 : i32
        %dma_start3A_63 = tpu.memref_slice %arg4[%dma_start3A_61, %dma_start3A_62] : memref<10000x128xf32, #tpu.memory_space<hbm>> -> memref<10000x128xf32, #tpu.memory_space<hbm>>
        tpu.enqueue_indirect_dma source(%dma_start3A_63 : memref<10000x128xf32, #tpu.memory_space<hbm>>) target(%arg9 : memref<80x128xf32, #tpu.memory_space<vmem>>) offsets(%dma_start3A_60 : memref<80xi32, #tpu.memory_space<vmem>>) semaphore(%arg12 : memref<!tpu.dma_semaphore, #tpu.memory_space<semaphore_mem>>)
        %dma_wait3A_64 = arith.constant 0 : i32
        %dma_wait3A_65 = tpu.memref_slice %arg7[%dma_wait3A_64] : memref<10000xi32, #tpu.memory_space<vmem>> -> memref<80xi32, #tpu.memory_space<vmem>>
        %dma_wait3A_66 = arith.constant 0 : i32
        %dma_wait3A_67 = arith.constant 0 : i32
        %dma_wait3A_68 = tpu.memref_slice %arg4[%dma_wait3A_66, %dma_wait3A_67] : memref<10000x128xf32, #tpu.memory_space<hbm>> -> memref<10000x128xf32, #tpu.memory_space<hbm>>
        tpu.wait_indirect_dma semaphore(%arg13 : memref<!tpu.dma_semaphore, #tpu.memory_space<semaphore_mem>>) src(%dma_wait3A_68 : memref<10000x128xf32, #tpu.memory_space<hbm>>) dst(%arg10 : memref<80x128xf32, #tpu.memory_space<vmem>>)
        %mul3A_69 = arith.constant 80 : i32
        %mul3A_70 = arith.muli %scan3A_35, %mul3A_69 : i32
        %dma_start3A_71 = tpu.memref_slice %arg8[%mul3A_70] : memref<10000xi32, #tpu.memory_space<vmem>> -> memref<80xi32, #tpu.memory_space<vmem>>
        %dma_start3A_72 = arith.constant 0 : i32
        %dma_start3A_73 = arith.constant 0 : i32
        %dma_start3A_74 = tpu.memref_slice %arg11[%dma_start3A_72, %dma_start3A_73] : memref<10112x128xf32, #tpu.memory_space<vmem_shared>> -> memref<10112x128xf32, #tpu.memory_space<vmem_shared>>
        tpu.enqueue_indirect_dma source(%arg10 : memref<80x128xf32, #tpu.memory_space<vmem>>) target(%dma_start3A_74 : memref<10112x128xf32, #tpu.memory_space<vmem_shared>>) offsets(%dma_start3A_71 : memref<80xi32, #tpu.memory_space<vmem>>) semaphore(%arg15 : memref<!tpu.dma_semaphore, #tpu.memory_space<semaphore_mem>>) {add = true}
        %cond3A_75 = arith.constant 0 : i32
        scf.yield %cond3A_75 : i32
      }
      scf.yield %cond3A_50 : i32
    }
    %scan3A_14 = arith.constant 124 : i32
    %dma_wait3A = arith.constant 0 : i32
    %dma_wait3A_15 = tpu.memref_slice %arg8[%dma_wait3A] : memref<10000xi32, #tpu.memory_space<vmem>> -> memref<80xi32, #tpu.memory_space<vmem>>
    %dma_wait3A_16 = arith.constant 0 : i32
    %dma_wait3A_17 = arith.constant 0 : i32
    %dma_wait3A_18 = tpu.memref_slice %arg11[%dma_wait3A_16, %dma_wait3A_17] : memref<10112x128xf32, #tpu.memory_space<vmem_shared>> -> memref<10112x128xf32, #tpu.memory_space<vmem_shared>>
    tpu.wait_indirect_dma semaphore(%arg15 : memref<!tpu.dma_semaphore, #tpu.memory_space<semaphore_mem>>) src(%arg10 : memref<80x128xf32, #tpu.memory_space<vmem>>) dst(%dma_wait3A_18 : memref<10112x128xf32, #tpu.memory_space<vmem_shared>>)
    %dma_wait3A_19 = arith.constant 0 : i32
    %dma_wait3A_20 = tpu.memref_slice %arg7[%dma_wait3A_19] : memref<10000xi32, #tpu.memory_space<vmem>> -> memref<80xi32, #tpu.memory_space<vmem>>
    %dma_wait3A_21 = arith.constant 0 : i32
    %dma_wait3A_22 = arith.constant 0 : i32
    %dma_wait3A_23 = tpu.memref_slice %arg4[%dma_wait3A_21, %dma_wait3A_22] : memref<10000x128xf32, #tpu.memory_space<hbm>> -> memref<10000x128xf32, #tpu.memory_space<hbm>>
    tpu.wait_indirect_dma semaphore(%arg12 : memref<!tpu.dma_semaphore, #tpu.memory_space<semaphore_mem>>) src(%dma_wait3A_23 : memref<10000x128xf32, #tpu.memory_space<hbm>>) dst(%arg9 : memref<80x128xf32, #tpu.memory_space<vmem>>)
    %dma_start3A_24 = arith.constant 9920 : i32
    %dma_start3A_25 = tpu.memref_slice %arg8[%dma_start3A_24] : memref<10000xi32, #tpu.memory_space<vmem>> -> memref<80xi32, #tpu.memory_space<vmem>>
    %dma_start3A_26 = arith.constant 0 : i32
    %dma_start3A_27 = arith.constant 0 : i32
    %dma_start3A_28 = tpu.memref_slice %arg11[%dma_start3A_26, %dma_start3A_27] : memref<10112x128xf32, #tpu.memory_space<vmem_shared>> -> memref<10112x128xf32, #tpu.memory_space<vmem_shared>>
    tpu.enqueue_indirect_dma source(%arg9 : memref<80x128xf32, #tpu.memory_space<vmem>>) target(%dma_start3A_28 : memref<10112x128xf32, #tpu.memory_space<vmem_shared>>) offsets(%dma_start3A_25 : memref<80xi32, #tpu.memory_space<vmem>>) semaphore(%arg14 : memref<!tpu.dma_semaphore, #tpu.memory_space<semaphore_mem>>) {add = true}
    %dma_wait3A_29 = arith.constant 0 : i32
    %dma_wait3A_30 = tpu.memref_slice %arg8[%dma_wait3A_29] : memref<10000xi32, #tpu.memory_space<vmem>> -> memref<80xi32, #tpu.memory_space<vmem>>
    %dma_wait3A_31 = arith.constant 0 : i32
    %dma_wait3A_32 = arith.constant 0 : i32
    %dma_wait3A_33 = tpu.memref_slice %arg11[%dma_wait3A_31, %dma_wait3A_32] : memref<10112x128xf32, #tpu.memory_space<vmem_shared>> -> memref<10112x128xf32, #tpu.memory_space<vmem_shared>>
    tpu.wait_indirect_dma semaphore(%arg14 : memref<!tpu.dma_semaphore, #tpu.memory_space<semaphore_mem>>) src(%arg9 : memref<80x128xf32, #tpu.memory_space<vmem>>) dst(%dma_wait3A_33 : memref<10112x128xf32, #tpu.memory_space<vmem_shared>>)
    %barrier3A_34 = arith.constant 0 : index
    tpu.barrier barrier_id(%barrier3A_34)
    "tpu.region"() ({
      %run_scoped3A = tpu.sem_alloc : memref<!tpu.dma_semaphore, #tpu.memory_space<semaphore_mem>>
      %dma_start3A_35 = arith.constant 0 : i32
      %dma_start3A_36 = tpu.memref_slice %arg6[%arg0, %mul3A_4, %dma_start3A_35] : memref<2x10112x128xf32, #tpu.memory_space<hbm>> -> memref<1x632x128xf32, #tpu.memory_space<hbm>>
      %dma_start3A_37 = tpu.memref_squeeze %dma_start3A_36 : memref<1x632x128xf32, #tpu.memory_space<hbm>> -> memref<632x128xf32, #tpu.memory_space<hbm>>
      %dma_start3A_38 = arith.constant 0 : i32
      %dma_start3A_39 = tpu.memref_slice %arg11[%mul3A_4, %dma_start3A_38] : memref<10112x128xf32, #tpu.memory_space<vmem_shared>> -> memref<632x128xf32, #tpu.memory_space<vmem_shared>>
      tpu.enqueue_dma source(%dma_start3A_39 : memref<632x128xf32, #tpu.memory_space<vmem_shared>>) target(%dma_start3A_37 : memref<632x128xf32, #tpu.memory_space<hbm>>) target_semaphore(%run_scoped3A : memref<!tpu.dma_semaphore, #tpu.memory_space<semaphore_mem>>)
      %dma_wait3A_40 = arith.constant 0 : i32
      %dma_wait3A_41 = tpu.memref_slice %arg6[%arg0, %mul3A_4, %dma_wait3A_40] : memref<2x10112x128xf32, #tpu.memory_space<hbm>> -> memref<1x632x128xf32, #tpu.memory_space<hbm>>
      %dma_wait3A_42 = tpu.memref_squeeze %dma_wait3A_41 : memref<1x632x128xf32, #tpu.memory_space<hbm>> -> memref<632x128xf32, #tpu.memory_space<hbm>>
      %dma_wait3A_43 = arith.constant 0 : i32
      %dma_wait3A_44 = tpu.memref_slice %arg11[%mul3A_4, %dma_wait3A_43] : memref<10112x128xf32, #tpu.memory_space<vmem_shared>> -> memref<632x128xf32, #tpu.memory_space<vmem_shared>>
      tpu.wait_dma2 semaphore(%run_scoped3A : memref<!tpu.dma_semaphore, #tpu.memory_space<semaphore_mem>>) src(%dma_wait3A_44 : memref<632x128xf32, #tpu.memory_space<vmem_shared>>) dst(%dma_wait3A_42 : memref<632x128xf32, #tpu.memory_space<hbm>>)
      tpu.yield
    }) : () -> ()
    return
  }
}

module attributes {stable_mosaic.version = 14 : i64} {
  func.func @_mm_body(%arg0: i32, %arg1: memref<1000x128xf32, #tpu.memory_space<vmem>>, %arg2: memref<128x128xf32, #tpu.memory_space<vmem>>, %arg3: memref<1000x128xf32, #tpu.memory_space<vmem>>) attributes {dimension_semantics = [#tpu.dimension_semantics<arbitrary>], iteration_bounds = array<i64: 10>, scalar_prefetch = 0 : i64, scratch_operands = 0 : i64, tpu.core_type = #tpu.core_type<tc>, window_params = [{transform_indices = @transform_0, window_bounds = array<i64: 1000, 128>}, {pipeline_mode = #tpu.pipeline_mode<synchronous>, transform_indices = @transform_1, window_bounds = array<i64: 128, 128>}, {transform_indices = @transform_2, window_bounds = array<i64: 1000, 128>}]} {
    %get3A = arith.constant 0 : index
    %get3A_0 = arith.constant 0 : index
    %get3A_1 = vector.load %arg1[%get3A, %get3A_0] : memref<1000x128xf32, #tpu.memory_space<vmem>>, vector<1000x128xf32>
    %get3A_2 = arith.constant 0 : index
    %get3A_3 = arith.constant 0 : index
    %get3A_4 = vector.load %arg2[%get3A_2, %get3A_3] : memref<128x128xf32, #tpu.memory_space<vmem>>, vector<128x128xf32>
    %dot_general3A = arith.constant dense<0.000000e+00> : vector<1000x128xf32>
    %dot_general3A_5 = tpu.matmul %get3A_1, %get3A_4, %dot_general3A {dimension_numbers = #tpu.dot_dimension_numbers<[1], [0], [0], [1], [0, 0, 1, 1], [], []>, transpose_lhs_hint = false} : vector<1000x128xf32>, vector<128x128xf32>, vector<1000x128xf32> -> vector<1000x128xf32>
    %swap3A = arith.constant 0 : index
    %swap3A_6 = arith.constant 0 : index
    %swap3A_7 = vector.load %arg3[%swap3A, %swap3A_6] : memref<1000x128xf32, #tpu.memory_space<vmem>>, vector<1000x128xf32>
    tpu.vector_store %arg3[%swap3A, %swap3A_6], %dot_general3A_5 {strides = array<i32>} : memref<1000x128xf32, #tpu.memory_space<vmem>>, vector<1000x128xf32>,
    return
  }
  func.func @transform_0(%arg0: i32) -> (i32, i32) {
    %c0_i32 = arith.constant 0 : i32
    %c0_i32_0 = arith.constant 0 : i32
    return %arg0, %c0_i32 : i32, i32
  }
  func.func @transform_1(%arg0: i32) -> (i32, i32) {
    %c0_i32 = arith.constant 0 : i32
    %c0_i32_0 = arith.constant 0 : i32
    %c0_i32_1 = arith.constant 0 : i32
    return %c0_i32, %c0_i32_0 : i32, i32
  }
  func.func @transform_2(%arg0: i32) -> (i32, i32) {
    %c0_i32 = arith.constant 0 : i32
    %c0_i32_0 = arith.constant 0 : i32
    return %arg0, %c0_i32 : i32, i32
  }
}

module attributes {stable_mosaic.version = 14 : i64} {
  func.func @_scale_body(%arg0: i32, %arg1: memref<2x1000x1xf32, #tpu.memory_space<vmem>>, %arg2: memref<1000x128xf32, #tpu.memory_space<vmem>>, %arg3: memref<1000x128xf32, #tpu.memory_space<vmem>>) attributes {dimension_semantics = [#tpu.dimension_semantics<arbitrary>], iteration_bounds = array<i64: 10>, scalar_prefetch = 0 : i64, scratch_operands = 0 : i64, tpu.core_type = #tpu.core_type<tc>, window_params = [{transform_indices = @transform_0, window_bounds = array<i64: 2, 1000, 1>}, {transform_indices = @transform_1, window_bounds = array<i64: 1000, 128>}, {transform_indices = @transform_2, window_bounds = array<i64: 1000, 128>}]} {
    %get3A = arith.constant 0 : index
    %get3A_0 = arith.constant 0 : index
    %get3A_1 = vector.load %arg2[%get3A, %get3A_0] : memref<1000x128xf32, #tpu.memory_space<vmem>>, vector<1000x128xf32>
    %get3A_2 = arith.constant 0 : index
    %get3A_3 = arith.constant 0 : index
    %get3A_4 = arith.constant 0 : index
    %get3A_5 = vector.load %arg1[%get3A_2, %get3A_3, %get3A_4] : memref<2x1000x1xf32, #tpu.memory_space<vmem>>, vector<1x1000x1xf32>
    %get3A_6 = vector.shape_cast %get3A_5 : vector<1x1000x1xf32> to vector<1000x1xf32>
    %get3A_7 = arith.constant 1 : index
    %get3A_8 = arith.constant 0 : index
    %get3A_9 = arith.constant 0 : index
    %get3A_10 = vector.load %arg1[%get3A_7, %get3A_8, %get3A_9] : memref<2x1000x1xf32, #tpu.memory_space<vmem>>, vector<1x1000x1xf32>
    %get3A_11 = vector.shape_cast %get3A_10 : vector<1x1000x1xf32> to vector<1000x1xf32>
    %add3A = arith.addf %get3A_6, %get3A_11 : vector<1000x1xf32>
    %add3A_12 = arith.constant 1.000000e+00 : f32
    %add3A_13 = vector.broadcast %add3A_12 : f32 to vector<1000x1xf32>
    %add3A_14 = arith.addf %add3A, %add3A_13 : vector<1000x1xf32>
    %rsqrt3A = math.rsqrt %add3A_14 : vector<1000x1xf32>
    %mul3A = vector.broadcast %rsqrt3A : vector<1000x1xf32> to vector<1000x128xf32>
    %mul3A_15 = arith.mulf %get3A_1, %mul3A : vector<1000x128xf32>
    %swap3A = arith.constant 0 : index
    %swap3A_16 = arith.constant 0 : index
    %swap3A_17 = vector.load %arg3[%swap3A, %swap3A_16] : memref<1000x128xf32, #tpu.memory_space<vmem>>, vector<1000x128xf32>
    tpu.vector_store %arg3[%swap3A, %swap3A_16], %mul3A_15 {strides = array<i32>} : memref<1000x128xf32, #tpu.memory_space<vmem>>, vector<1000x128xf32>,
    return
  }
  func.func @transform_0(%arg0: i32) -> (i32, i32, i32) {
    %c0_i32 = arith.constant 0 : i32
    %c0_i32_0 = arith.constant 0 : i32
    %c0_i32_1 = arith.constant 0 : i32
    return %c0_i32, %arg0, %c0_i32_0 : i32, i32, i32
  }
  func.func @transform_1(%arg0: i32) -> (i32, i32) {
    %c0_i32 = arith.constant 0 : i32
    %c0_i32_0 = arith.constant 0 : i32
    return %arg0, %c0_i32 : i32, i32
  }
  func.func @transform_2(%arg0: i32) -> (i32, i32) {
    %c0_i32 = arith.constant 0 : i32
    %c0_i32_0 = arith.constant 0 : i32
    return %arg0, %c0_i32 : i32, i32
  }
}

module attributes {stable_mosaic.version = 14 : i64} {
  func.func @_mid_body(%arg0: i32, %arg1: memref<2x1000x1xf32, #tpu.memory_space<vmem>>, %arg2: memref<2x1000x128xf32, #tpu.memory_space<vmem>>, %arg3: memref<1000x128xf32, #tpu.memory_space<vmem>>, %arg4: memref<1x128xf32, #tpu.memory_space<vmem>>, %arg5: memref<128x128xf32, #tpu.memory_space<vmem>>, %arg6: memref<1000x128xf32, #tpu.memory_space<vmem>>) attributes {dimension_semantics = [#tpu.dimension_semantics<arbitrary>], iteration_bounds = array<i64: 10>, scalar_prefetch = 0 : i64, scratch_operands = 0 : i64, tpu.core_type = #tpu.core_type<tc>, window_params = [{transform_indices = @transform_0, window_bounds = array<i64: 2, 1000, 1>}, {transform_indices = @transform_1, window_bounds = array<i64: 2, 1000, 128>}, {transform_indices = @transform_2, window_bounds = array<i64: 1000, 128>}, {pipeline_mode = #tpu.pipeline_mode<synchronous>, transform_indices = @transform_3, window_bounds = array<i64: 1, 128>}, {pipeline_mode = #tpu.pipeline_mode<synchronous>, transform_indices = @transform_4, window_bounds = array<i64: 128, 128>}, {transform_indices = @transform_5, window_bounds = array<i64: 1000, 128>}]} {
    %get3A = arith.constant 0 : index
    %get3A_0 = arith.constant 0 : index
    %get3A_1 = arith.constant 0 : index
    %get3A_2 = vector.load %arg1[%get3A, %get3A_0, %get3A_1] : memref<2x1000x1xf32, #tpu.memory_space<vmem>>, vector<1x1000x1xf32>
    %get3A_3 = vector.shape_cast %get3A_2 : vector<1x1000x1xf32> to vector<1000x1xf32>
    %get3A_4 = arith.constant 1 : index
    %get3A_5 = arith.constant 0 : index
    %get3A_6 = arith.constant 0 : index
    %get3A_7 = vector.load %arg1[%get3A_4, %get3A_5, %get3A_6] : memref<2x1000x1xf32, #tpu.memory_space<vmem>>, vector<1x1000x1xf32>
    %get3A_8 = vector.shape_cast %get3A_7 : vector<1x1000x1xf32> to vector<1000x1xf32>
    %add3A = arith.addf %get3A_3, %get3A_8 : vector<1000x1xf32>
    %add3A_9 = arith.constant 1.000000e+00 : f32
    %add3A_10 = vector.broadcast %add3A_9 : f32 to vector<1000x1xf32>
    %add3A_11 = arith.addf %add3A, %add3A_10 : vector<1000x1xf32>
    %rsqrt3A = math.rsqrt %add3A_11 : vector<1000x1xf32>
    %get3A_12 = arith.constant 0 : index
    %get3A_13 = arith.constant 0 : index
    %get3A_14 = arith.constant 0 : index
    %get3A_15 = vector.load %arg2[%get3A_12, %get3A_13, %get3A_14] : memref<2x1000x128xf32, #tpu.memory_space<vmem>>, vector<1x1000x128xf32>
    %get3A_16 = vector.shape_cast %get3A_15 : vector<1x1000x128xf32> to vector<1000x128xf32>
    %get3A_17 = arith.constant 1 : index
    %get3A_18 = arith.constant 0 : index
    %get3A_19 = arith.constant 0 : index
    %get3A_20 = vector.load %arg2[%get3A_17, %get3A_18, %get3A_19] : memref<2x1000x128xf32, #tpu.memory_space<vmem>>, vector<1x1000x128xf32>
    %get3A_21 = vector.shape_cast %get3A_20 : vector<1x1000x128xf32> to vector<1000x128xf32>
    %add3A_22 = arith.addf %get3A_16, %get3A_21 : vector<1000x128xf32>
    %get3A_23 = arith.constant 0 : index
    %get3A_24 = arith.constant 0 : index
    %get3A_25 = vector.load %arg3[%get3A_23, %get3A_24] : memref<1000x128xf32, #tpu.memory_space<vmem>>, vector<1000x128xf32>
    %add3A_26 = arith.addf %add3A_22, %get3A_25 : vector<1000x128xf32>
    %mul3A = vector.broadcast %rsqrt3A : vector<1000x1xf32> to vector<1000x128xf32>
    %mul3A_27 = arith.mulf %add3A_26, %mul3A : vector<1000x128xf32>
    %get3A_28 = arith.constant 0 : index
    %get3A_29 = arith.constant 0 : index
    %get3A_30 = vector.load %arg4[%get3A_28, %get3A_29] : memref<1x128xf32, #tpu.memory_space<vmem>>, vector<1x128xf32>
    %add3A_31 = vector.broadcast %get3A_30 : vector<1x128xf32> to vector<1000x128xf32>
    %add3A_32 = arith.addf %mul3A_27, %add3A_31 : vector<1000x128xf32>
    %max3A = arith.constant 0.000000e+00 : f32
    %max3A_33 = vector.broadcast %max3A : f32 to vector<1000x128xf32>
    %max3A_34 = arith.maximumf %add3A_32, %max3A_33 : vector<1000x128xf32>
    %get3A_35 = arith.constant 0 : index
    %get3A_36 = arith.constant 0 : index
    %get3A_37 = vector.load %arg5[%get3A_35, %get3A_36] : memref<128x128xf32, #tpu.memory_space<vmem>>, vector<128x128xf32>
    %dot_general3A = arith.constant dense<0.000000e+00> : vector<1000x128xf32>
    %dot_general3A_38 = tpu.matmul %max3A_34, %get3A_37, %dot_general3A {dimension_numbers = #tpu.dot_dimension_numbers<[1], [0], [0], [1], [0, 0, 1, 1], [], []>, transpose_lhs_hint = false} : vector<1000x128xf32>, vector<128x128xf32>, vector<1000x128xf32> -> vector<1000x128xf32>
    %mul3A_39 = vector.broadcast %rsqrt3A : vector<1000x1xf32> to vector<1000x128xf32>
    %mul3A_40 = arith.mulf %dot_general3A_38, %mul3A_39 : vector<1000x128xf32>
    %swap3A = arith.constant 0 : index
    %swap3A_41 = arith.constant 0 : index
    %swap3A_42 = vector.load %arg6[%swap3A, %swap3A_41] : memref<1000x128xf32, #tpu.memory_space<vmem>>, vector<1000x128xf32>
    tpu.vector_store %arg6[%swap3A, %swap3A_41], %mul3A_40 {strides = array<i32>} : memref<1000x128xf32, #tpu.memory_space<vmem>>, vector<1000x128xf32>,
    return
  }
  func.func @transform_0(%arg0: i32) -> (i32, i32, i32) {
    %c0_i32 = arith.constant 0 : i32
    %c0_i32_0 = arith.constant 0 : i32
    %c0_i32_1 = arith.constant 0 : i32
    return %c0_i32, %arg0, %c0_i32_0 : i32, i32, i32
  }
  func.func @transform_1(%arg0: i32) -> (i32, i32, i32) {
    %c0_i32 = arith.constant 0 : i32
    %c0_i32_0 = arith.constant 0 : i32
    %c0_i32_1 = arith.constant 0 : i32
    return %c0_i32, %arg0, %c0_i32_0 : i32, i32, i32
  }
  func.func @transform_2(%arg0: i32) -> (i32, i32) {
    %c0_i32 = arith.constant 0 : i32
    %c0_i32_0 = arith.constant 0 : i32
    return %arg0, %c0_i32 : i32, i32
  }
  func.func @transform_3(%arg0: i32) -> (i32, i32) {
    %c0_i32 = arith.constant 0 : i32
    %c0_i32_0 = arith.constant 0 : i32
    %c0_i32_1 = arith.constant 0 : i32
    return %c0_i32, %c0_i32_0 : i32, i32
  }
  func.func @transform_4(%arg0: i32) -> (i32, i32) {
    %c0_i32 = arith.constant 0 : i32
    %c0_i32_0 = arith.constant 0 : i32
    %c0_i32_1 = arith.constant 0 : i32
    return %c0_i32, %c0_i32_0 : i32, i32
  }
  func.func @transform_5(%arg0: i32) -> (i32, i32) {
    %c0_i32 = arith.constant 0 : i32
    %c0_i32_0 = arith.constant 0 : i32
    return %arg0, %c0_i32 : i32, i32
  }
}

module attributes {stable_mosaic.version = 14 : i64} {
  func.func @_head_body(%arg0: memref<2x1024x1xf32, #tpu.memory_space<vmem>>, %arg1: memref<2x1024x128xf32, #tpu.memory_space<vmem>>, %arg2: memref<1024x128xf32, #tpu.memory_space<vmem>>, %arg3: memref<1x128xf32, #tpu.memory_space<vmem>>, %arg4: memref<128x128xf32, #tpu.memory_space<vmem>>, %arg5: memref<1x128xf32, #tpu.memory_space<vmem>>, %arg6: memref<128x64xf32, #tpu.memory_space<vmem>>, %arg7: memref<1x64xf32, #tpu.memory_space<vmem>>, %arg8: memref<1024x64xf32, #tpu.memory_space<vmem>>) attributes {dimension_semantics = [], scalar_prefetch = 0 : i64, scratch_operands = 0 : i64, tpu.core_type = #tpu.core_type<tc>} {
    %get3A = arith.constant 0 : index
    %get3A_0 = arith.constant 0 : index
    %get3A_1 = arith.constant 0 : index
    %get3A_2 = vector.load %arg0[%get3A, %get3A_0, %get3A_1] : memref<2x1024x1xf32, #tpu.memory_space<vmem>>, vector<1x1024x1xf32>
    %get3A_3 = vector.shape_cast %get3A_2 : vector<1x1024x1xf32> to vector<1024x1xf32>
    %get3A_4 = arith.constant 1 : index
    %get3A_5 = arith.constant 0 : index
    %get3A_6 = arith.constant 0 : index
    %get3A_7 = vector.load %arg0[%get3A_4, %get3A_5, %get3A_6] : memref<2x1024x1xf32, #tpu.memory_space<vmem>>, vector<1x1024x1xf32>
    %get3A_8 = vector.shape_cast %get3A_7 : vector<1x1024x1xf32> to vector<1024x1xf32>
    %add3A = arith.addf %get3A_3, %get3A_8 : vector<1024x1xf32>
    %add3A_9 = arith.constant 1.000000e+00 : f32
    %add3A_10 = vector.broadcast %add3A_9 : f32 to vector<1024x1xf32>
    %add3A_11 = arith.addf %add3A, %add3A_10 : vector<1024x1xf32>
    %rsqrt3A = math.rsqrt %add3A_11 : vector<1024x1xf32>
    %get3A_12 = arith.constant 0 : index
    %get3A_13 = arith.constant 0 : index
    %get3A_14 = arith.constant 0 : index
    %get3A_15 = vector.load %arg1[%get3A_12, %get3A_13, %get3A_14] : memref<2x1024x128xf32, #tpu.memory_space<vmem>>, vector<1x1024x128xf32>
    %get3A_16 = vector.shape_cast %get3A_15 : vector<1x1024x128xf32> to vector<1024x128xf32>
    %get3A_17 = arith.constant 1 : index
    %get3A_18 = arith.constant 0 : index
    %get3A_19 = arith.constant 0 : index
    %get3A_20 = vector.load %arg1[%get3A_17, %get3A_18, %get3A_19] : memref<2x1024x128xf32, #tpu.memory_space<vmem>>, vector<1x1024x128xf32>
    %get3A_21 = vector.shape_cast %get3A_20 : vector<1x1024x128xf32> to vector<1024x128xf32>
    %add3A_22 = arith.addf %get3A_16, %get3A_21 : vector<1024x128xf32>
    %get3A_23 = arith.constant 0 : index
    %get3A_24 = arith.constant 0 : index
    %get3A_25 = vector.load %arg2[%get3A_23, %get3A_24] : memref<1024x128xf32, #tpu.memory_space<vmem>>, vector<1024x128xf32>
    %add3A_26 = arith.addf %add3A_22, %get3A_25 : vector<1024x128xf32>
    %mul3A = vector.broadcast %rsqrt3A : vector<1024x1xf32> to vector<1024x128xf32>
    %mul3A_27 = arith.mulf %add3A_26, %mul3A : vector<1024x128xf32>
    %get3A_28 = arith.constant 0 : index
    %get3A_29 = arith.constant 0 : index
    %get3A_30 = vector.load %arg3[%get3A_28, %get3A_29] : memref<1x128xf32, #tpu.memory_space<vmem>>, vector<1x128xf32>
    %add3A_31 = vector.broadcast %get3A_30 : vector<1x128xf32> to vector<1024x128xf32>
    %add3A_32 = arith.addf %mul3A_27, %add3A_31 : vector<1024x128xf32>
    %get3A_33 = arith.constant 0 : index
    %get3A_34 = arith.constant 0 : index
    %get3A_35 = vector.load %arg4[%get3A_33, %get3A_34] : memref<128x128xf32, #tpu.memory_space<vmem>>, vector<128x128xf32>
    %dot_general3A = arith.constant dense<0.000000e+00> : vector<1024x128xf32>
    %dot_general3A_36 = tpu.matmul %add3A_32, %get3A_35, %dot_general3A {dimension_numbers = #tpu.dot_dimension_numbers<[1], [0], [0], [1], [0, 0, 1, 1], [], []>, transpose_lhs_hint = false} : vector<1024x128xf32>, vector<128x128xf32>, vector<1024x128xf32> -> vector<1024x128xf32>
    %get3A_37 = arith.constant 0 : index
    %get3A_38 = arith.constant 0 : index
    %get3A_39 = vector.load %arg5[%get3A_37, %get3A_38] : memref<1x128xf32, #tpu.memory_space<vmem>>, vector<1x128xf32>
    %add3A_40 = vector.broadcast %get3A_39 : vector<1x128xf32> to vector<1024x128xf32>
    %add3A_41 = arith.addf %dot_general3A_36, %add3A_40 : vector<1024x128xf32>
    %max3A = arith.constant 0.000000e+00 : f32
    %max3A_42 = vector.broadcast %max3A : f32 to vector<1024x128xf32>
    %max3A_43 = arith.maximumf %add3A_41, %max3A_42 : vector<1024x128xf32>
    %get3A_44 = arith.constant 0 : index
    %get3A_45 = arith.constant 0 : index
    %get3A_46 = vector.load %arg6[%get3A_44, %get3A_45] : memref<128x64xf32, #tpu.memory_space<vmem>>, vector<128x64xf32>
    %dot_general3A_47 = arith.constant dense<0.000000e+00> : vector<1024x64xf32>
    %dot_general3A_48 = tpu.matmul %max3A_43, %get3A_46, %dot_general3A_47 {dimension_numbers = #tpu.dot_dimension_numbers<[1], [0], [0], [1], [0, 0, 1, 1], [], []>, transpose_lhs_hint = false} : vector<1024x128xf32>, vector<128x64xf32>, vector<1024x64xf32> -> vector<1024x64xf32>
    %get3A_49 = arith.constant 0 : index
    %get3A_50 = arith.constant 0 : index
    %get3A_51 = vector.load %arg7[%get3A_49, %get3A_50] : memref<1x64xf32, #tpu.memory_space<vmem>>, vector<1x64xf32>
    %add3A_52 = vector.broadcast %get3A_51 : vector<1x64xf32> to vector<1024x64xf32>
    %add3A_53 = arith.addf %dot_general3A_48, %add3A_52 : vector<1024x64xf32>
    %reduce_max3A = arith.constant dense<0xFF800000> : vector<1024xf32>
    %reduce_max3A_54 = vector.multi_reduction <maximumf>, %add3A_53, %reduce_max3A [1] : vector<1024x64xf32> to vector<1024xf32>
    %broadcast_in_dim3A = vector.shape_cast %reduce_max3A_54 : vector<1024xf32> to vector<1024x1xf32>
    %sub3A = vector.broadcast %broadcast_in_dim3A : vector<1024x1xf32> to vector<1024x64xf32>
    %sub3A_55 = arith.subf %add3A_53, %sub3A : vector<1024x64xf32>
    %exp3A = math.exp %sub3A_55 : vector<1024x64xf32>
    %reduce_sum3A = arith.constant dense<0.000000e+00> : vector<1024xf32>
    %reduce_sum3A_56 = vector.multi_reduction <add>, %exp3A, %reduce_sum3A [1] : vector<1024x64xf32> to vector<1024xf32>
    %broadcast_in_dim3A_57 = vector.shape_cast %reduce_sum3A_56 : vector<1024xf32> to vector<1024x1xf32>
    %div3A = vector.broadcast %broadcast_in_dim3A_57 : vector<1024x1xf32> to vector<1024x64xf32>
    %div3A_58 = arith.divf %exp3A, %div3A : vector<1024x64xf32>
    %swap3A = arith.constant 0 : index
    %swap3A_59 = arith.constant 0 : index
    %swap3A_60 = vector.load %arg8[%swap3A, %swap3A_59] : memref<1024x64xf32, #tpu.memory_space<vmem>>, vector<1024x64xf32>
    tpu.vector_store %arg8[%swap3A, %swap3A_59], %div3A_58 {strides = array<i32>} : memref<1024x64xf32, #tpu.memory_space<vmem>>, vector<1024x64xf32>,
    return
  }
}

</mosaic_0001>

<sc_bundles>
// kernel: kernel.12.cloned.1.call-start
scs
__scs_entry_jumppad:
0x0: {  	(pc) =	sbr.rel $0x88, $3  }
0x1: {  	(tag) =	ssettag $0x0;
	lr =	simm.s32 $0x1  }
0x2: {  	[smem:$0x3F96] =	sst lr;
	_ =	strace $0xD0000000  }
0x3: {  	_ = 	snop  }
0x4: {  	_ = 	snop  }
0x5: {  	_ = 	snop  }
0x6: {  	_ = 	snop  }
0x7: {  	_ = 	snop  }
__scs_overlays_trampoline_lowered:
0x8: {  	[smem:$0x3FA5] =	sst s0  }
0x9: {  	[smem:$0x3FA6] =	sst s1  }
0xa: {  	[smem:$0x3FA7] =	sst s2  }
0xb: {  	[smem:$0x3FA8] =	sst s3  }
0xc: {  	[smem:$0x3FA9] =	sst s4  }
0xd: {  	[smem:$0x3FAA] =	sst s5  }
0xe: {  	[smem:$0x3FAB] =	sst s6  }
0xf: {  	[smem:$0x3FAC] =	sst s7  }
0x10: {  	[smem:$0x3FAD] =	sst s8  }
0x11: {  	[smem:$0x3FAE] =	sst s9;
	s0 =	simm.s32 @!p0 $0x0  }
0x12: {  	s1 =	sld [smem:$0x3F94];
	s0 =	simm.s32 @p0 $0x1  }
0x13: {  	[smem:$0x3FAF] =	sst s0;
	s0 =	simm.s32 @!p1 $0x0  }
0x14: {  	s2 =	sld [smem:$0x3F93];
	s0 =	simm.s32 @p1 $0x1  }
0x15: {  	[smem:$0x3FB0] =	sst s0;
	s0 =	simm.s32 @!p2 $0x0  }
0x16: {  	s3 =	sld [smem:$0x3FDB];
	s0 =	simm.s32 @p2 $0x1  }
0x17: {  	s4 =	simm.s32 $0x1BF5;
	[smem:$0x3FB2] =	sst s0  }
0x18: {  	s0 =	sld [smem:$0x3F95];
	_ =	swait.ge [sflag:s4], $0x0  }
0x19: {  	s7 =	sld [smem:$0x3F96]  }
0x1a: {  	s8 =	sadd.s32 $0xFFFFE003, lr  }
0x1b: {  	s9 =	sadd.s32 $0xFFFFFEF7, lr;
	s5 =	simm.s32 $0xFFFFFFFF;
	p2 =	slt.u32 s8, $0xFFFFF086  }
0x1c: {  	p1 =	slt.u32 s9, $0xF7A;
	s5 =	simm.s32 @!p2 $0x0  }
0x1d: {  	s5 =	simm.s32 @p1 $0x1;
	p0 =	seq.s32 s7, s2  }
0x1e: {  	s7 =	smul.u32 @!p0 $0xF7A, s2;
	p2 =	seq.s32 @!p0 s5, $0x0  }
0x1f: {  	s9 =	smul.u32 $0xF7A, s1;
	s8 =	simm.s32 @!p0 $0x1BF5;
	p2 =	por !p2, p0  }
0x20: {  	[sflag:s8] =	ssyncset.s32 @!p0 $0xFFFFF086;
	s6 =	sadd.s32 @!p0 s3, s7;
	s7 =	simm.s32 @!p0 $0x108  }
0x21: {  	s3 =	sadd.s32 s3, s9;
	s6 =	sadd.s32 @!p0 $0x88, s6;
	s7 =	simm.s32 @p2 $0x1082  }
0x22: {  	[simem:s7], [sflag:s8] =	dma.local @!p0 [hbm:s6], $0xF7A  }
0x23: {  	s9 =	sor.u32 $0xD0000000, s2;
	s6 =	simm.s32 $0x108;
	_ =	swait.ge @!p0 [sflag:s8], $0x0  }
0x24: {  	s3 =	sadd.s32 $0x88, s3;
	s6 =	simm.s32 @!p1 $0x1082;
	[sflag:s4] =	ssyncset.s32 $0xFFFFF086  }
0x25: {  	[simem:s6], [sflag:s4] =	dma.local [hbm:s3], $0xF7A  }
0x26: {  	[smem:$0x3F96] =	sst s1;
	(tag) =	ssettag s2;
	_ =	strace s9  }
0x27: {  	s1 =	sld [smem:$0x3FA6]  }
0x28: {  	s2 =	sld [smem:$0x3FA7]  }
0x29: {  	s4 =	sld [smem:$0x3FA9]  }
0x2a: {  	p0 =	seq.s32 s5, $0x0;
	s5 =	sld [smem:$0x3FAA]  }
0x2b: {  	s6 =	sld [smem:$0x3FAB]  }
0x2c: {  	s7 =	sld [smem:$0x3FAC]  }
0x2d: {  	s3 =	simm.s32 $0x108;
	s8 =	sld [smem:$0x3FAD]  }
0x2e: {  	s3 =	simm.s32 @!p0 $0x1082;
	s9 =	sld [smem:$0x3FAE]  }
0x2f: {  	lr =	sadd.s32 s0, s3;
	s0 =	sld [smem:$0x3FA5]  }
0x30: {  	s3 =	sld [smem:$0x3FA8]  }
0x31: {  	[smem:$0x3FB1] =	sst s10  }
0x32: {  	s10 =	sld [smem:$0x3FAF];
	_ =	sdelay $0x3  }
0x33: {  	p0 =	seq.s32 s10, $0x1;
	s10 =	sld [smem:$0x3FB1];
	_ =	sdelay $0x3  }
0x34: {  	[smem:$0x3FB1] =	sst s10  }
0x35: {  	s10 =	sld [smem:$0x3FB0];
	_ =	sdelay $0x3  }
0x36: {  	p1 =	seq.s32 s10, $0x1;
	s10 =	sld [smem:$0x3FB1];
	_ =	sdelay $0x3  }
0x37: {  	[smem:$0x3FB1] =	sst s10  }
0x38: {  	s10 =	sld [smem:$0x3FB2]  }
0x39: {  	_ = 	snop;
	(pc) =	sbr.ind lr, $3  }
0x3a: {  	_ = 	snop  }
0x3b: {  	_ = 	snop  }
0x3c: {  	p2 =	seq.s32 s10, $0x1;
	s10 =	sld [smem:$0x3FB1]  }
0x3d: {  	_ =	shalt  }
0x3e: {  	_ =	shalt  }
0x3f: {  	_ =	shalt  }
0x40: {  	_ =	shalt  }
0x41: {  	_ =	shalt  }
0x42: {  	_ =	shalt  }
0x43: {  	_ =	shalt  }
0x44: {  	_ =	shalt  }
0x45: {  	_ =	shalt  }
0x46: {  	_ =	shalt  }
0x47: {  	_ =	shalt  }
0x48: {  	_ =	shalt  }
0x49: {  	_ =	shalt  }
0x4a: {  	_ =	shalt  }
0x4b: {  	_ =	shalt  }
0x4c: {  	_ =	shalt  }
0x4d: {  	_ =	shalt  }
0x4e: {  	_ =	shalt  }
0x4f: {  	_ =	shalt  }
0x50: {  	_ =	shalt  }
0x51: {  	_ =	shalt  }
0x52: {  	_ =	shalt  }
0x53: {  	_ =	shalt  }
0x54: {  	_ =	shalt  }
0x55: {  	_ =	shalt  }
0x56: {  	_ =	shalt  }
0x57: {  	_ =	shalt  }
0x58: {  	_ =	shalt  }
0x59: {  	_ =	shalt  }
0x5a: {  	_ =	shalt  }
0x5b: {  	_ =	shalt  }
0x5c: {  	_ =	shalt  }
0x5d: {  	_ =	shalt  }
0x5e: {  	_ =	shalt  }
0x5f: {  	_ =	shalt  }
0x60: {  	_ =	shalt  }
0x61: {  	_ =	shalt  }
0x62: {  	_ =	shalt  }
0x63: {  	_ =	shalt  }
0x64: {  	_ =	shalt  }
0x65: {  	_ =	shalt  }
0x66: {  	_ =	shalt  }
0x67: {  	_ =	shalt  }
0x68: {  	_ =	shalt  }
0x69: {  	_ =	shalt  }
0x6a: {  	_ =	shalt  }
0x6b: {  	_ =	shalt  }
0x6c: {  	_ =	shalt  }
0x6d: {  	_ =	shalt  }
0x6e: {  	_ =	shalt  }
0x6f: {  	_ =	shalt  }
0x70: {  	_ =	shalt  }
0x71: {  	_ =	shalt  }
0x72: {  	_ =	shalt  }
0x73: {  	_ =	shalt  }
0x74: {  	_ =	shalt  }
0x75: {  	_ =	shalt  }
0x76: {  	_ =	shalt  }
0x77: {  	_ =	shalt  }
0x78: {  	_ =	shalt  }
0x79: {  	_ =	shalt  }
0x7a: {  	_ =	shalt  }
0x7b: {  	_ =	shalt  }
0x7c: {  	_ =	shalt  }
0x7d: {  	_ =	shalt  }
0x7e: {  	_ =	shalt  }
0x7f: {  	_ =	shalt  }
0x80: {  	_ =	shalt  }
0x81: {  	_ =	shalt  }
0x82: {  	_ =	shalt  }
0x83: {  	_ =	shalt  }
0x84: {  	_ =	shalt  }
0x85: {  	_ =	shalt  }
0x86: {  	_ =	shalt  }
0x87: {  	_ =	shalt  }
.Lfunc_end0:
.L_simem_size_0:
called_computation.1_lowered:
.L_overlay_start_0:
0x88: {  	s2 =	sld [smem:$0x3FD9]  }
0x89: {  	s3 =	sld [smem:$0x3FFE];
	_ =	sdelay $0x1  }
0x8a: {  	s1 =	srdreg.scid  }
0x8b: {  	s0 =	sand.u32 $0x1, s1  }
0x8c: {  	s16 =	sshll.u32 s0, $0xA;
	s2 =	sadd.s32 s3, s2  }
0x8d: {  	s2 =	sadd.s32 s2, s16  }
0x8e: {  	[smem:$0x3FBD] =	sst s2  }
0x8f: {  	_ = 	snop  }
0x90: {  	(tm) =	ssettm $0x1  }
0x91: {  	s17 =	sld [smem:$0x3FFB];
	_ =	sdelay $0x3  }
0x92: {  	_ =	strace s17  }
0x93: {  	s2 =	sld [smem:$0x3FFC];
	_ =	sdelay $0x3  }
0x94: {  	_ =	strace s2  }
0x95: {  	s2 =	sld [smem:$0x3FFD];
	_ =	sdelay $0x3  }
0x96: {  	_ =	strace s2  }
0x97: {  	_ =	strace $0x8FFFFFFF  }
0x98: {  	s18 =	sld [smem:$0x3FDB];
	_ =	sdelay $0x1  }
0x99: {  	s19 =	simm.s32 $_scs_section_size  }
0x9a: {  	s4 =	simm.s32 $_size__tile_overlayer_lowered;
	s5 =	simm.s32 $_tile_overlayer_lowered  }
0x9b: {  	s22 =	simm.s32 $0x1BFF;
	s21 =	sshll.u32 s5, $0x1;
	s2 =	sadd.s32 s19, s18  }
0x9c: {  	s6 =	simm.s32 $0x0;
	s20 =	sshll.u32 s4, $0x1;
	s4 =	sadd.s32 s21, s2  }
0x9d: {  	[timem:s6], [sflag:s22] =	dma.local [hbm:s4], s20  }
0x9e: {  	_ =	swait.ge [sflag:s22], s20  }
0x9f: {  	s3 =	ssub.s32 $0x0, s20;
	[sflag:s22] =	ssyncset.done $0x0  }
0xa0: {  	[sflag:s22] =	ssyncadd.s32 s3;
	_ =	sdelay $0x1  }
0xa1: {  	s23 =	simm.s32 $0x1B8B  }
0xa2: {  	_ =	swait.ge [sflag:s23], $0x1  }
0xa3: {  	[sflag:s23] =	ssyncset.done $0x0  }
0xa4: {  	s25 =	simm.s32 $0x1B8E;
	s24 =	sld [smem:$0x3FFE];
	[sflag:s23] =	ssyncadd.s32 $0xFFFFFFFF  }
0xa5: {  	s26 =	simm.s32 $execute0_lowered;
	[smem:$0x3FD2] =	sst s25  }
0xa6: {  	s4 =	sshll.u32 s26, $0x1;
	_ =	strace $0x80000049;
	[dreg:$0x1] =	wrdreg $0xFFFFFFFF  }
0xa7: {  	s28 =	simm.s32 $_size_execute0_lowered;
	s2 =	sadd.s32 s2, s4;
	[dreg:$0x0] =	wrdreg $0x0  }
0xa8: {  	s4 =	sshll.u32 s28, $0x1;
	[dreg:$0x2] =	wrdreg s2  }
0xa9: {  	[dreg:$0x3] =	wrdreg s4  }
0xaa: {  	[dreg:$0x4] =	wrdreg $0xC0  }
0xab: {  	_ =	task [dreg:s6], $0x5FFFF  }
0xac: {  	[dreg:$0x1] =	wrdreg $0xFFFFFFFF  }
0xad: {  	[dreg:$0x0] =	wrdreg $0x60  }
0xae: {  	[dreg:$0x2] =	wrdreg s24  }
0xaf: {  	[dreg:$0x3] =	wrdreg $0x9F000  }
0xb0: {  	[dreg:$0x4] =	wrdreg $0x9  }
0xb1: {  	_ =	task.clear_ibuf [dreg:s6], $0x5FFFF;
	_ =	strace $0x90000049  }
0xb2: {  	s29 =	simm.s32 $0x9;
	_ =	strace $0x8000004B  }
0xb3: {  	_ =	swait.ge [sflag:s29], $0x1  }
0xb4: {  	[sflag:s29] =	ssyncadd.s32 $0xFFFFFFFF  }
0xb5: {  	_ =	strace $0x9000004B  }
0xb6: {  	_ =	sfence  }
0xb7: {  	s30 =	sld [smem:$0x0];
	_ =	sdelay $0x2  }
0xb8: {  	s31 =	sshll.u32 s1, $0xD;
	s1 =	sshrl.u32 s1, $0x2  }
0xb9: {  	s3 =	sand.u32 $0x4000, s31;
	s1 =	sadd.s32 s1, s30  }
0xba: {  	s0 =	sor.u32 s3, s0;
	s1 =	sshll.u32 s1, $0x11  }
0xbb: {  	s0 =	sor.u32 s1, s0  }
0xbc: {  	s0 =	sadd.s32 $0x8F2B, s0  }
0xbd: {  	[sflag:s0] =	ssyncadd.remote.s32 $0x1  }
0xbe: {  	_ =	sfence.sel $0xFFFF  }
0xbf: {  	[dreg:$0x0] =	wrdreg $0xFFFFFFFF;
	(pc) =	sbr.abs _section_cstart, $3  }
0xc0: {  	[dreg:$0x1] =	wrdreg $0xFFFFFFFF  }
0xc1: {  	_ =	task.clear_ibuf [dreg:s6], $0x2FFFF;
	_ =	strace $0x9FFFFFFF  }
0xc2: {  	(tm) =	ssettm $0x7FFFFFFF  }
0xc3: {  	_ =	shalt  }
tec
execute0_lowered:
.L_overlay_start_1:
0x0: {  	(tag) =	ssettag $0x1  }
0x1: {  	s6 =	rddreg [dreg:$0x0]  }
0x2: {  	s0 =	srdreg.scid;
	s2 =	rddreg [dreg:$0x1]  }
0x3: {  	s3 =	simm.s32 $0x0;
	s14 =	simm.s32 $0x50;
	s15 =	simm.s32 $0x4F00  }
0x4: {  	s16 =	simm.s32 $0x7700;
	s17 =	simm.s32 $0x4;
	s18 =	simm.s32 $0x1  }
0x5: {  	s19 =	simm.s32 $0x4E40;
	s20 =	simm.s32 $0x3;
	s5 =	sand.u32 $0x1, s0  }
0x6: {  	s21 =	simm.s32 $0x0;
	s0 =	stileid.u32;
	s7 =	smul.u32 $0x13C000, s5  }
0x7: {  	[smem:$0x7FF] =	sst s3;
	s1 =	sshll.u32 s5, $0x4;
	s8 =	smul.u32 $0x13C00, s0  }
0x8: {  	_ =	strace $0x8000004A;
	s29 =	ssub.s32 $0x2, s5;
	s10 =	smul.u32 $0x4F000, s0  }
0x9: {  	s5 =	sadd.s32 $0x51E00, s6;
	s31 =	sshll.u32 s0, $0x6;
	s1 =	sor.u32 s0, s1  }
0xa: {  	s11 =	sshrl.u32 s29, $0x1;
	s4 =	smul.u32 $0x4E2, s1;
	s7 =	sadd.s32 s8, s7  }
0xb: {  	s11 =	ssub.s32 s29, s11;
	s30 =	sshrl.u32 s10, $0x2;
	s10 =	simm.s32 $0x5  }
0xc: {  	s7 =	sshrl.u32 s7, $0x3;
	s13 =	sadd.s32 s30, s2;
	s9 =	sadd.s32 s4, s6  }
0xd: {  	s4 =	sadd.s32 $0x2AC00, s6;
	s12 =	sadd.s32 s7, s6;
	s13 =	sshrl.u32 s13, $0x3  }
0xe: {  	s6 =	sadd.s32 $0xCA00, s9;
	s7 =	sadd.s32 $0x2C00, s9;
	s8 =	sadd.s32 $0x54600, s12  }
0xf: {  	s9 =	smax.u32 s11, $0x1;
	s11 =	simm.s32 $0x2780;
	s12 =	sor.u32 $0x1C05, s31  }
.LBB2_1:
0x10: {  	[tilespmem:s3], [sflag:$0x5] =	stream.linear.gather [hbm4b:s6+s3], $0x2710, $0x38;
	[tilespmem:$0x1DB00] =	vst v63  }
0x11: {  	_ =	swait.ge [sflag:s10], $0x2710  }
0x12: {  	[sflag:s10] =	ssyncset.done $0x0  }
0x13: {  	[sflag:s10] =	ssyncadd.s32 $0xFFFFD8F0  }
0x14: {  	[tilespmem:s11], [sflag:$0x5] =	stream.linear.gather [hbm4b:s7+s3], $0x2710, $0x38;
	[tilespmem:$0x1DB00] =	vst v63  }
0x15: {  	_ =	swait.ge [sflag:s10], $0x2710  }
0x16: {  	[sflag:s10] =	ssyncset.done $0x0  }
0x17: {  	[sflag:s10] =	ssyncadd.s32 $0xFFFFD8F0  }
0x18: {  	[spmem:s13], [sflag:s12] =	dma.local [hbm:s5], $0x2780  }
0x19: {  	_ =	swait.ge [sflag:s10], $0x2780  }
0x1a: {  	[sflag:s10] =	ssyncset.done $0x0  }
0x1b: {  	[sflag:s10] =	ssyncadd.s32 $0xFFFFD880  }
0x1c: {  	[bflag:$0x0] =	sbarrier.arrive $0xFFFF  }
0x1d: {  	[tilespmem:s15], [sflag:$0x1] =	stream.indirect.gather [hbm4b:s4+s14], $0x80, s3, s14, $0xb8;
	[tilespmem:$0x1DB00] =	vst v63  }
0x1e: {  	_ = 	snop  }
0x1f: {  	[tilespmem:s16], [sflag:$0x2] =	stream.indirect.gather [hbm4b:s4+s14], $0x80, s14, s14, $0xb8;
	[tilespmem:$0x1DB00] =	vst v63  }
0x20: {  	s22 =	sand.u32 $0x1, s18;
	_ =	swait.ge [sflag:s18], $0x2800  }
0x21: {  	p0 =	seq.s32 s22, $0x1;
	[sflag:s18] =	ssyncset.done $0x0  }
0x22: {  	s22 =	simm.s32 @p0 $0x3;
	[sflag:s18] =	ssyncadd.s32 $0xFFFFD800  }
0x23: {  	[spmem:s2] =	stream.indirect.scatter.add.f32 [tilespmem:s15], [sflag:$0x3], $0x80, s11, s14, $0xb8;
	[tilespmem:$0x1DB00] =	vst v63  }
0x24: {  	s23 =	simm.s32 $0xA0;
	_ =	swait.ge @p0 [sflag:s22], $0x2800  }
0x25: {  	s25 =	simm.s32 @p0 $0x2;
	[sflag:s22] =	ssyncset.done @p0 $0x0;
	p0 =	por p0, p0  }
0x26: {  	[sflag:s22] =	ssyncadd.s32 @p0 $0xFFFFD800;
	s22 =	simm.s32 @p0 $0x50;
	s24 =	simm.s32 @p0 $0x4F00  }
0x27: {  	[tilespmem:s24], [sflag:$0x1] =	stream.indirect.gather @p0 [hbm4b:s4+s22], $0x80, s23, s22, $0xb8;
	[tilespmem:$0x1DB00] =	vst v63  }
0x28: {  	_ =	swait.ge @p0 [sflag:s25], $0x2800  }
0x29: {  	s29 =	simm.s32 $0x2;
	s26 =	simm.s32 @!p0 $0x4;
	[sflag:s25] =	ssyncset.done @p0 $0x0  }
0x2a: {  	s24 =	simm.s32 $0x27D0;
	[sflag:s25] =	ssyncadd.s32 @p0 $0xFFFFD800;
	s25 =	simm.s32 @p0 $0x7700  }
0x2b: {  	[spmem:s2] =	stream.indirect.scatter.add.f32 @p0 [tilespmem:s25], [sflag:$0x4], $0x80, s24, s22, $0xb8;
	[tilespmem:$0x1DB00] =	vst v63  }
0x2c: {  	s29 =	sand.u32 $0x1, s29;
	_ =	swait.ge @!p0 [sflag:s26], $0x2800  }
0x2d: {  	p2 =	seq.s32 s29, $0x1;
	s28 =	simm.s32 @!p0 $0x1;
	[sflag:s26] =	ssyncset.done @!p0 $0x0  }
0x2e: {  	s30 =	simm.s32 @!p0 $0x7700;
	[sflag:s26] =	ssyncadd.s32 @!p0 $0xFFFFD800;
	s26 =	simm.s32 @!p0 $0x50  }
0x2f: {  	[tilespmem:s30], [sflag:$0x2] =	stream.indirect.gather @!p0 [hbm4b:s4+s26], $0x80, s23, s26, $0xb8;
	[tilespmem:$0x1DB00] =	vst v63  }
0x30: {  	s29 =	simm.s32 @!p0 $0x4F00;
	s25 =	simm.s32 $0x3;
	_ =	swait.ge @!p0 [sflag:s28], $0x2800  }
0x31: {  	s22 =	simm.s32 $0xF0;
	s23 =	simm.s32 $0x2820;
	[sflag:s28] =	ssyncset.done @!p0 $0x0  }
.LBB2_2:
0x32: {  	s30 =	simm.s32 @p2 $0x3;
	[sflag:s28] =	ssyncadd.s32 @!p0 $0xFFFFD800  }
0x33: {  	s31 =	smov.u32 s25;
	s25 =	sadd.s32 $0x1, s25;
	s1 =	smov.u32 s22  }
0x34: {  	[spmem:s2] =	stream.indirect.scatter.add.f32 @!p0 [tilespmem:s29], [sflag:$0x3], $0x80, s24, s26, $0xb8;
	[tilespmem:$0x1DB00] =	vst v63  }
0x35: {  	p1 =	sne.s32 s25, $0x7C;
	s24 =	smov.u32 s23;
	_ =	swait.ge @p2 [sflag:s30], $0x2800  }
0x36: {  	s26 =	simm.s32 @p2 $0x2;
	p0 =	por p2, p2;
	[sflag:s30] =	ssyncset.done @p2 $0x0  }
0x37: {  	s28 =	simm.s32 @p0 $0x50;
	s29 =	simm.s32 @p0 $0x4F00;
	[sflag:s30] =	ssyncadd.s32 @p0 $0xFFFFD800  }
0x38: {  	[tilespmem:s29], [sflag:$0x1] =	stream.indirect.gather @p0 [hbm4b:s4+s28], $0x80, s22, s28, $0xb8;
	[tilespmem:$0x1DB00] =	vst v63  }
0x39: {  	_ =	swait.ge @p0 [sflag:s26], $0x2800  }
0x3a: {  	[sflag:s26] =	ssyncset.done @p0 $0x0  }
0x3b: {  	s29 =	simm.s32 @!p0 $0x4;
	[sflag:s26] =	ssyncadd.s32 @p0 $0xFFFFD800;
	s26 =	simm.s32 @p0 $0x7700  }
0x3c: {  	[spmem:s2] =	stream.indirect.scatter.add.f32 @p0 [tilespmem:s26], [sflag:$0x4], $0x80, s23, s28, $0xb8;
	[tilespmem:$0x1DB00] =	vst v63  }
0x3d: {  	s22 =	sadd.s32 $0x50, s22;
	_ =	swait.ge @!p0 [sflag:s29], $0x2800  }
.Ltmp0:
0x3e: {  	s28 =	simm.s32 @!p0 $0x1;
	[sflag:s29] =	ssyncset.done @!p0 $0x0;
	(pc) =	sbr.rel @p1 .LBB2_2-.Ltmp0, $4  }
0x3f: {  	s26 =	simm.s32 @!p0 $0x50;
	[sflag:s29] =	ssyncadd.s32 @!p0 $0xFFFFD800;
	s29 =	simm.s32 @!p0 $0x7700  }
0x40: {  	[tilespmem:s29], [sflag:$0x2] =	stream.indirect.gather @!p0 [hbm4b:s4+s26], $0x80, s1, s26, $0xb8;
	[tilespmem:$0x1DB00] =	vst v63  }
0x41: {  	s23 =	sadd.s32 $0x50, s23;
	s1 =	sand.u32 $0x1, s31;
	_ =	swait.ge @!p0 [sflag:s28], $0x2800  }
0x42: {  	s29 =	simm.s32 @!p0 $0x4F00;
	p2 =	seq.s32 s1, $0x1;
	[sflag:s28] =	ssyncset.done @!p0 $0x0  }
0x43: {  	s1 =	simm.s32 @p2 $0x3;
	[sflag:s28] =	ssyncadd.s32 @!p0 $0xFFFFD800  }
0x44: {  	[spmem:s2] =	stream.indirect.scatter.add.f32 @!p0 [tilespmem:s29], [sflag:$0x3], $0x80, s24, s26, $0xb8;
	[tilespmem:$0x1DB00] =	vst v63  }
0x45: {  	_ =	swait.ge @p2 [sflag:s1], $0x2800  }
0x46: {  	s24 =	simm.s32 @p2 $0x2;
	p0 =	por p2, p2;
	[sflag:s1] =	ssyncset.done @p2 $0x0  }
0x47: {  	s25 =	simm.s32 @p0 $0x4F00;
	[sflag:s1] =	ssyncadd.s32 @p0 $0xFFFFD800;
	s1 =	simm.s32 @p0 $0x50  }
0x48: {  	[tilespmem:s25], [sflag:$0x1] =	stream.indirect.gather @p0 [hbm4b:s4+s1], $0x80, s22, s1, $0xb8;
	[tilespmem:$0x1DB00] =	vst v63  }
0x49: {  	_ =	swait.ge @p0 [sflag:s24], $0x2800  }
0x4a: {  	[sflag:s24] =	ssyncset.done @p0 $0x0  }
0x4b: {  	s25 =	simm.s32 @!p0 $0x4;
	[sflag:s24] =	ssyncadd.s32 @p0 $0xFFFFD800;
	s24 =	simm.s32 @p0 $0x7700  }
0x4c: {  	[spmem:s2] =	stream.indirect.scatter.add.f32 @p0 [tilespmem:s24], [sflag:$0x4], $0x80, s23, s1, $0xb8;
	[tilespmem:$0x1DB00] =	vst v63  }
0x4d: {  	_ =	swait.ge @!p0 [sflag:s25], $0x2800  }
0x4e: {  	s1 =	simm.s32 @!p0 $0x1;
	[sflag:s25] =	ssyncset.done @!p0 $0x0  }
0x4f: {  	s24 =	simm.s32 @!p0 $0x50;
	[sflag:s25] =	ssyncadd.s32 @!p0 $0xFFFFD800;
	s25 =	simm.s32 @!p0 $0x7700  }
0x50: {  	[tilespmem:s25], [sflag:$0x2] =	stream.indirect.gather @!p0 [hbm4b:s4+s24], $0x80, s22, s24, $0xb8;
	[tilespmem:$0x1DB00] =	vst v63  }
0x51: {  	_ =	swait.ge @!p0 [sflag:s1], $0x2800  }
0x52: {  	[sflag:s1] =	ssyncset.done @!p0 $0x0  }
0x53: {  	s22 =	simm.s32 @!p0 $0x4F00;
	[sflag:s1] =	ssyncadd.s32 @!p0 $0xFFFFD800  }
0x54: {  	[spmem:s2] =	stream.indirect.scatter.add.f32 @!p0 [tilespmem:s22], [sflag:$0x3], $0x80, s23, s24, $0xb8;
	[tilespmem:$0x1DB00] =	vst v63  }
0x55: {  	_ =	swait.ge [sflag:s17], $0x2800  }
0x56: {  	[sflag:s17] =	ssyncset.done $0x0  }
0x57: {  	[sflag:s17] =	ssyncadd.s32 $0xFFFFD800  }
0x58: {  	_ =	swait.ge [sflag:s18], $0x2800  }
0x59: {  	[sflag:s18] =	ssyncset.done $0x0  }
0x5a: {  	[sflag:s18] =	ssyncadd.s32 $0xFFFFD800  }
0x5b: {  	[spmem:s2] =	stream.indirect.scatter.add.f32 [tilespmem:s15], [sflag:$0x3], $0x80, s19, s14, $0xb8;
	[tilespmem:$0x1DB00] =	vst v63  }
0x5c: {  	_ =	swait.ge [sflag:s20], $0x2800  }
0x5d: {  	s21 =	sadd.s32 $0x1, s21;
	[sflag:s20] =	ssyncset.done $0x0  }
0x5e: {  	p0 =	sne.s32 s21, s9;
	[sflag:s20] =	ssyncadd.s32 $0xFFFFD800  }
.Ltmp1:
0x5f: {  	[bflag:$0x0] =	sbarrier.arrive $0xFFFF;
	(pc) =	sbr.rel @p0 .LBB2_1-.Ltmp1, $4  }
0x60: {  	[hbm:s8], [sflag:s12] =	dma.local [spmem:s13], $0x2780  }
0x61: {  	_ =	swait.ge [sflag:s10], $0x2780  }
0x62: {  	[sflag:s10] =	ssyncset.done $0x0  }
0x63: {  	[sflag:s10] =	ssyncadd.s32 $0xFFFFD880  }
0x64: {  	_ =	sfence.sel $0x180000  }
0x65: {  	[bflag:$0x0] =	sbarrier.arrive $0xFFFF  }
0x66: {  	_ =	strace $0x9000004A  }
0x67: {  	[bflag:$0x2] =	sbarrier.arrive $0xFFFF  }
0x68: {  	p0 =	sne.s32 s0, $0x0;
	s0 =	rddreg [dreg:$0x2]  }
0x69: {  	s0 =	sadd.s32 @!p0 $0x100000, s0  }
0x6a: {  	[sflag:s0] =	ssyncadd.tile.s32 @!p0 $0x1;
	_ =	shalt  }
.Lfunc_end2:
_tile_overlayer_lowered:
.L_overlay_start_2:
0x6b: {  	(tag) =	ssettag $0x2  }
0x6c: {  	s0 =	rddreg [dreg:$0x0];
	s2 =	stileid.u32  }
0x6d: {  	s1 =	rddreg [dreg:$0x1];
	p0 =	sne.s32 s2, $0x0  }
0x6e: {  	s3 =	rddreg [dreg:$0x2];
	[bflag:$0x3] =	sbarrier.arrive $0xFFFF;
	s2 =	simm.s32 @!p0 $0x1C05  }
0x6f: {  	[timem:s3], [sflag:s2] =	dma.local @!p0 [hbm:s0], s1  }
0x70: {  	s0 =	simm.s32 @!p0 $0x5  }
0x71: {  	_ =	swait.ge @!p0 [sflag:s0], s1  }
0x72: {  	s1 =	ssub.s32 @!p0 $0x0, s1;
	[sflag:s0] =	ssyncset.done @!p0 $0x0  }
0x73: {  	[sflag:s0] =	ssyncadd.s32 @!p0 s1  }
0x74: {  	[bflag:$0x3] =	sbarrier.arrive $0xFFFF  }
0x75: {  	_ =	shalt  }

// kernel: kernel.15.cloned.1.call-start
scs
__scs_entry_jumppad:
0x0: {  	(pc) =	sbr.rel $0x88, $3  }
0x1: {  	(tag) =	ssettag $0x0;
	lr =	simm.s32 $0x1  }
0x2: {  	[smem:$0x3F96] =	sst lr;
	_ =	strace $0xD0000000  }
0x3: {  	_ = 	snop  }
0x4: {  	_ = 	snop  }
0x5: {  	_ = 	snop  }
0x6: {  	_ = 	snop  }
0x7: {  	_ = 	snop  }
__scs_overlays_trampoline_lowered:
0x8: {  	[smem:$0x3FA5] =	sst s0  }
0x9: {  	[smem:$0x3FA6] =	sst s1  }
0xa: {  	[smem:$0x3FA7] =	sst s2  }
0xb: {  	[smem:$0x3FA8] =	sst s3  }
0xc: {  	[smem:$0x3FA9] =	sst s4  }
0xd: {  	[smem:$0x3FAA] =	sst s5  }
0xe: {  	[smem:$0x3FAB] =	sst s6  }
0xf: {  	[smem:$0x3FAC] =	sst s7  }
0x10: {  	[smem:$0x3FAD] =	sst s8  }
0x11: {  	[smem:$0x3FAE] =	sst s9;
	s0 =	simm.s32 @!p0 $0x0  }
0x12: {  	s1 =	sld [smem:$0x3F94];
	s0 =	simm.s32 @p0 $0x1  }
0x13: {  	[smem:$0x3FAF] =	sst s0;
	s0 =	simm.s32 @!p1 $0x0  }
0x14: {  	s2 =	sld [smem:$0x3F93];
	s0 =	simm.s32 @p1 $0x1  }
0x15: {  	[smem:$0x3FB0] =	sst s0;
	s0 =	simm.s32 @!p2 $0x0  }
0x16: {  	s3 =	sld [smem:$0x3FDB];
	s0 =	simm.s32 @p2 $0x1  }
0x17: {  	s4 =	simm.s32 $0x1BF5;
	[smem:$0x3FB2] =	sst s0  }
0x18: {  	s0 =	sld [smem:$0x3F95];
	_ =	swait.ge [sflag:s4], $0x0  }
0x19: {  	s7 =	sld [smem:$0x3F96]  }
0x1a: {  	s8 =	sadd.s32 $0xFFFFE003, lr  }
0x1b: {  	s9 =	sadd.s32 $0xFFFFFEF7, lr;
	s5 =	simm.s32 $0xFFFFFFFF;
	p2 =	slt.u32 s8, $0xFFFFF086  }
0x1c: {  	p1 =	slt.u32 s9, $0xF7A;
	s5 =	simm.s32 @!p2 $0x0  }
0x1d: {  	s5 =	simm.s32 @p1 $0x1;
	p0 =	seq.s32 s7, s2  }
0x1e: {  	s7 =	smul.u32 @!p0 $0xF7A, s2;
	p2 =	seq.s32 @!p0 s5, $0x0  }
0x1f: {  	s9 =	smul.u32 $0xF7A, s1;
	s8 =	simm.s32 @!p0 $0x1BF5;
	p2 =	por !p2, p0  }
0x20: {  	[sflag:s8] =	ssyncset.s32 @!p0 $0xFFFFF086;
	s6 =	sadd.s32 @!p0 s3, s7;
	s7 =	simm.s32 @!p0 $0x108  }
0x21: {  	s3 =	sadd.s32 s3, s9;
	s6 =	sadd.s32 @!p0 $0x88, s6;
	s7 =	simm.s32 @p2 $0x1082  }
0x22: {  	[simem:s7], [sflag:s8] =	dma.local @!p0 [hbm:s6], $0xF7A  }
0x23: {  	s9 =	sor.u32 $0xD0000000, s2;
	s6 =	simm.s32 $0x108;
	_ =	swait.ge @!p0 [sflag:s8], $0x0  }
0x24: {  	s3 =	sadd.s32 $0x88, s3;
	s6 =	simm.s32 @!p1 $0x1082;
	[sflag:s4] =	ssyncset.s32 $0xFFFFF086  }
0x25: {  	[simem:s6], [sflag:s4] =	dma.local [hbm:s3], $0xF7A  }
0x26: {  	[smem:$0x3F96] =	sst s1;
	(tag) =	ssettag s2;
	_ =	strace s9  }
0x27: {  	s1 =	sld [smem:$0x3FA6]  }
0x28: {  	s2 =	sld [smem:$0x3FA7]  }
0x29: {  	s4 =	sld [smem:$0x3FA9]  }
0x2a: {  	p0 =	seq.s32 s5, $0x0;
	s5 =	sld [smem:$0x3FAA]  }
0x2b: {  	s6 =	sld [smem:$0x3FAB]  }
0x2c: {  	s7 =	sld [smem:$0x3FAC]  }
0x2d: {  	s3 =	simm.s32 $0x108;
	s8 =	sld [smem:$0x3FAD]  }
0x2e: {  	s3 =	simm.s32 @!p0 $0x1082;
	s9 =	sld [smem:$0x3FAE]  }
0x2f: {  	lr =	sadd.s32 s0, s3;
	s0 =	sld [smem:$0x3FA5]  }
0x30: {  	s3 =	sld [smem:$0x3FA8]  }
0x31: {  	[smem:$0x3FB1] =	sst s10  }
0x32: {  	s10 =	sld [smem:$0x3FAF];
	_ =	sdelay $0x3  }
0x33: {  	p0 =	seq.s32 s10, $0x1;
	s10 =	sld [smem:$0x3FB1];
	_ =	sdelay $0x3  }
0x34: {  	[smem:$0x3FB1] =	sst s10  }
0x35: {  	s10 =	sld [smem:$0x3FB0];
	_ =	sdelay $0x3  }
0x36: {  	p1 =	seq.s32 s10, $0x1;
	s10 =	sld [smem:$0x3FB1];
	_ =	sdelay $0x3  }
0x37: {  	[smem:$0x3FB1] =	sst s10  }
0x38: {  	s10 =	sld [smem:$0x3FB2]  }
0x39: {  	_ = 	snop;
	(pc) =	sbr.ind lr, $3  }
0x3a: {  	_ = 	snop  }
0x3b: {  	_ = 	snop  }
0x3c: {  	p2 =	seq.s32 s10, $0x1;
	s10 =	sld [smem:$0x3FB1]  }
0x3d: {  	_ =	shalt  }
0x3e: {  	_ =	shalt  }
0x3f: {  	_ =	shalt  }
0x40: {  	_ =	shalt  }
0x41: {  	_ =	shalt  }
0x42: {  	_ =	shalt  }
0x43: {  	_ =	shalt  }
0x44: {  	_ =	shalt  }
0x45: {  	_ =	shalt  }
0x46: {  	_ =	shalt  }
0x47: {  	_ =	shalt  }
0x48: {  	_ =	shalt  }
0x49: {  	_ =	shalt  }
0x4a: {  	_ =	shalt  }
0x4b: {  	_ =	shalt  }
0x4c: {  	_ =	shalt  }
0x4d: {  	_ =	shalt  }
0x4e: {  	_ =	shalt  }
0x4f: {  	_ =	shalt  }
0x50: {  	_ =	shalt  }
0x51: {  	_ =	shalt  }
0x52: {  	_ =	shalt  }
0x53: {  	_ =	shalt  }
0x54: {  	_ =	shalt  }
0x55: {  	_ =	shalt  }
0x56: {  	_ =	shalt  }
0x57: {  	_ =	shalt  }
0x58: {  	_ =	shalt  }
0x59: {  	_ =	shalt  }
0x5a: {  	_ =	shalt  }
0x5b: {  	_ =	shalt  }
0x5c: {  	_ =	shalt  }
0x5d: {  	_ =	shalt  }
0x5e: {  	_ =	shalt  }
0x5f: {  	_ =	shalt  }
0x60: {  	_ =	shalt  }
0x61: {  	_ =	shalt  }
0x62: {  	_ =	shalt  }
0x63: {  	_ =	shalt  }
0x64: {  	_ =	shalt  }
0x65: {  	_ =	shalt  }
0x66: {  	_ =	shalt  }
0x67: {  	_ =	shalt  }
0x68: {  	_ =	shalt  }
0x69: {  	_ =	shalt  }
0x6a: {  	_ =	shalt  }
0x6b: {  	_ =	shalt  }
0x6c: {  	_ =	shalt  }
0x6d: {  	_ =	shalt  }
0x6e: {  	_ =	shalt  }
0x6f: {  	_ =	shalt  }
0x70: {  	_ =	shalt  }
0x71: {  	_ =	shalt  }
0x72: {  	_ =	shalt  }
0x73: {  	_ =	shalt  }
0x74: {  	_ =	shalt  }
0x75: {  	_ =	shalt  }
0x76: {  	_ =	shalt  }
0x77: {  	_ =	shalt  }
0x78: {  	_ =	shalt  }
0x79: {  	_ =	shalt  }
0x7a: {  	_ =	shalt  }
0x7b: {  	_ =	shalt  }
0x7c: {  	_ =	shalt  }
0x7d: {  	_ =	shalt  }
0x7e: {  	_ =	shalt  }
0x7f: {  	_ =	shalt  }
0x80: {  	_ =	shalt  }
0x81: {  	_ =	shalt  }
0x82: {  	_ =	shalt  }
0x83: {  	_ =	shalt  }
0x84: {  	_ =	shalt  }
0x85: {  	_ =	shalt  }
0x86: {  	_ =	shalt  }
0x87: {  	_ =	shalt  }
.Lfunc_end0:
.L_simem_size_0:
called_computation.2_lowered:
.L_overlay_start_0:
0x88: {  	s2 =	sld [smem:$0x3FD9]  }
0x89: {  	s3 =	sld [smem:$0x3FFE];
	_ =	sdelay $0x1  }
0x8a: {  	s1 =	srdreg.scid  }
0x8b: {  	s0 =	sand.u32 $0x1, s1  }
0x8c: {  	s16 =	sshll.u32 s0, $0xA;
	s2 =	sadd.s32 s3, s2  }
0x8d: {  	s2 =	sadd.s32 s2, s16  }
0x8e: {  	[smem:$0x3FBD] =	sst s2  }
0x8f: {  	_ = 	snop  }
0x90: {  	(tm) =	ssettm $0x1  }
0x91: {  	s17 =	sld [smem:$0x3FFB];
	_ =	sdelay $0x3  }
0x92: {  	_ =	strace s17  }
0x93: {  	s2 =	sld [smem:$0x3FFC];
	_ =	sdelay $0x3  }
0x94: {  	_ =	strace s2  }
0x95: {  	s2 =	sld [smem:$0x3FFD];
	_ =	sdelay $0x3  }
0x96: {  	_ =	strace s2  }
0x97: {  	_ =	strace $0x8FFFFFFF  }
0x98: {  	s18 =	sld [smem:$0x3FDB];
	_ =	sdelay $0x1  }
0x99: {  	s19 =	simm.s32 $_scs_section_size  }
0x9a: {  	s4 =	simm.s32 $_size__tile_overlayer_lowered;
	s5 =	simm.s32 $_tile_overlayer_lowered  }
0x9b: {  	s22 =	simm.s32 $0x1BFF;
	s21 =	sshll.u32 s5, $0x1;
	s2 =	sadd.s32 s19, s18  }
0x9c: {  	s6 =	simm.s32 $0x0;
	s20 =	sshll.u32 s4, $0x1;
	s4 =	sadd.s32 s21, s2  }
0x9d: {  	[timem:s6], [sflag:s22] =	dma.local [hbm:s4], s20  }
0x9e: {  	_ =	swait.ge [sflag:s22], s20  }
0x9f: {  	s3 =	ssub.s32 $0x0, s20;
	[sflag:s22] =	ssyncset.done $0x0  }
0xa0: {  	[sflag:s22] =	ssyncadd.s32 s3;
	_ =	sdelay $0x1  }
0xa1: {  	s23 =	simm.s32 $0x1B8B  }
0xa2: {  	_ =	swait.ge [sflag:s23], $0x1  }
0xa3: {  	[sflag:s23] =	ssyncset.done $0x0  }
0xa4: {  	s25 =	simm.s32 $0x1B8E;
	s24 =	sld [smem:$0x3FFE];
	[sflag:s23] =	ssyncadd.s32 $0xFFFFFFFF  }
0xa5: {  	s26 =	simm.s32 $execute0_lowered;
	[smem:$0x3FD2] =	sst s25  }
0xa6: {  	s4 =	sshll.u32 s26, $0x1;
	_ =	strace $0x8000004C;
	[dreg:$0x1] =	wrdreg $0xFFFFFFFF  }
0xa7: {  	s28 =	simm.s32 $_size_execute0_lowered;
	s2 =	sadd.s32 s2, s4;
	[dreg:$0x0] =	wrdreg $0x0  }
0xa8: {  	s4 =	sshll.u32 s28, $0x1;
	[dreg:$0x2] =	wrdreg s2  }
0xa9: {  	[dreg:$0x3] =	wrdreg s4  }
0xaa: {  	[dreg:$0x4] =	wrdreg $0xC0  }
0xab: {  	_ =	task [dreg:s6], $0x5FFFF  }
0xac: {  	[dreg:$0x1] =	wrdreg $0xFFFFFFFF  }
0xad: {  	[dreg:$0x0] =	wrdreg $0x60  }
0xae: {  	[dreg:$0x2] =	wrdreg s24  }
0xaf: {  	[dreg:$0x3] =	wrdreg $0xA0800  }
0xb0: {  	[dreg:$0x4] =	wrdreg $0x9  }
0xb1: {  	_ =	task.clear_ibuf [dreg:s6], $0x5FFFF;
	_ =	strace $0x9000004C  }
0xb2: {  	s29 =	simm.s32 $0x9;
	_ =	strace $0x8000004E  }
0xb3: {  	_ =	swait.ge [sflag:s29], $0x1  }
0xb4: {  	[sflag:s29] =	ssyncadd.s32 $0xFFFFFFFF  }
0xb5: {  	_ =	strace $0x9000004E  }
0xb6: {  	_ =	sfence  }
0xb7: {  	s30 =	sld [smem:$0x0];
	_ =	sdelay $0x2  }
0xb8: {  	s31 =	sshll.u32 s1, $0xD;
	s1 =	sshrl.u32 s1, $0x2  }
0xb9: {  	s3 =	sand.u32 $0x4000, s31;
	s1 =	sadd.s32 s1, s30  }
0xba: {  	s0 =	sor.u32 s3, s0;
	s1 =	sshll.u32 s1, $0x11  }
0xbb: {  	s0 =	sor.u32 s1, s0  }
0xbc: {  	s0 =	sadd.s32 $0x8F2B, s0  }
0xbd: {  	[sflag:s0] =	ssyncadd.remote.s32 $0x1  }
0xbe: {  	_ =	sfence.sel $0xFFFF  }
0xbf: {  	[dreg:$0x0] =	wrdreg $0xFFFFFFFF;
	(pc) =	sbr.abs _section_cstart, $3  }
0xc0: {  	[dreg:$0x1] =	wrdreg $0xFFFFFFFF  }
0xc1: {  	_ =	task.clear_ibuf [dreg:s6], $0x2FFFF;
	_ =	strace $0x9FFFFFFF  }
0xc2: {  	(tm) =	ssettm $0x7FFFFFFF  }
0xc3: {  	_ =	shalt  }
tec
execute0_lowered:
.L_overlay_start_1:
0x0: {  	(tag) =	ssettag $0x1  }
0x1: {  	s0 =	srdreg.scid;
	s6 =	rddreg [dreg:$0x0]  }
0x2: {  	s12 =	stileid.u32;
	s2 =	rddreg [dreg:$0x1]  }
0x3: {  	s3 =	simm.s32 $0x0;
	s19 =	simm.s32 $0x5000;
	s16 =	simm.s32 $0x1  }
0x4: {  	s17 =	simm.s32 $0x50;
	s18 =	simm.s32 $0x5080;
	s20 =	simm.s32 $0x7880  }
0x5: {  	s21 =	simm.s32 $0x3;
	s22 =	simm.s32 $0x2;
	s23 =	simm.s32 $0x0  }
0x6: {  	s0 =	sand.u32 $0x1, s0;
	[smem:$0x7FF] =	sst s3;
	s7 =	smul.u32 $0x2800, s12  }
0x7: {  	s10 =	smul.u32 $0xA000, s12;
	s31 =	sshll.u32 s12, $0x6;
	s1 =	sshll.u32 s0, $0x4  }
0x8: {  	s5 =	smul.u32 $0x28000, s0;
	_ =	strace $0x8000004D;
	s0 =	ssub.s32 $0x2, s0  }
0x9: {  	s14 =	sor.u32 $0x1C05, s31;
	s1 =	sor.u32 s12, s1;
	s9 =	sshrl.u32 s0, $0x1  }
0xa: {  	s29 =	sshrl.u32 s10, $0x2;
	s12 =	simm.s32 $0x2800;
	s4 =	smul.u32 $0x4F8, s1  }
0xb: {  	s1 =	sshll.u32 s1, $0x1;
	s5 =	sadd.s32 s7, s5;
	s0 =	ssub.s32 s0, s9  }
.Ltmp0:
0xc: {  	s30 =	sadd.s32 s29, s2;
	s1 =	sadd.s32 s1, s6;
	(pc) =	sbr.rel .LBB2_1-.Ltmp0, $4  }
0xd: {  	s7 =	sshrl.u32 s5, $0x3;
	s5 =	sadd.s32 $0x51E00, s6;
	s10 =	smax.u32 s0, $0x1  }
0xe: {  	s15 =	sshrl.u32 s30, $0x3;
	s8 =	sadd.s32 s4, s6;
	s4 =	sadd.s32 $0x2AC00, s6  }
0xf: {  	s11 =	sadd.s32 s7, s6;
	s6 =	sadd.s32 $0x16A00, s8;
	s7 =	sadd.s32 $0x20A00, s8  }
0x10: {  	s8 =	sadd.s32 $0x2AA00, s1;
	s9 =	sadd.s32 $0x2C00, s11;
	s11 =	simm.s32 $0x5  }
.LBB2_13:
0x11: {  	_ =	swait.ge [sflag:s21], $0x2800  }
0x12: {  	[sflag:s21] =	ssyncset.done $0x0  }
0x13: {  	s0 =	smul.u32 $0x140, s24;
	[sflag:s21] =	ssyncadd.s32 $0xFFFFD800  }
0x14: {  	_ =	swait.ge [sflag:s22], $0x2800  }
0x15: {  	s0 =	sshra.s32 s0, $0x2;
	[sflag:s22] =	ssyncset.done $0x0  }
0x16: {  	s0 =	sadd.s32 $0x2800, s0;
	[sflag:s22] =	ssyncadd.s32 $0xFFFFD800  }
0x17: {  	[spmem:s2] =	stream.indirect.scatter.add.f32 [tilespmem:s20], [sflag:$0x4], $0x80, s0, s17, $0xb8;
	[tilespmem:$0xC880] =	vst v63  }
0x18: {  	s0 =	simm.s32 $0x4  }
.LBB2_14:
0x19: {  	_ =	swait.ge [sflag:s0], $0x2800  }
0x1a: {  	s23 =	sadd.s32 $0x1, s23;
	[sflag:s0] =	ssyncset.done $0x0  }
0x1b: {  	p0 =	sne.s32 s23, s10;
	[sflag:s0] =	ssyncadd.s32 $0xFFFFD800  }
.Ltmp1:
0x1c: {  	[bflag:$0x0] =	sbarrier.arrive $0xFFFF;
	(pc) =	sbr.rel @!p0 .LBB2_15-.Ltmp1, $4  }
0x1d: {  	[hbm:s9], [sflag:s14] =	dma.local [spmem:s15], $0x500  }
0x1e: {  	_ =	swait.ge [sflag:s11], $0x500  }
0x1f: {  	[sflag:s11] =	ssyncset.done $0x0  }
0x20: {  	[sflag:s11] =	ssyncadd.s32 $0xFFFFFB00  }
.LBB2_1:
0x21: {  	[tilespmem:s3], [sflag:$0x5] =	stream.linear.gather [hbm4b:s6+s3], $0x27C0, $0x38;
	[tilespmem:$0xC880] =	vst v63  }
0x22: {  	_ =	swait.ge [sflag:s11], $0x27C0  }
0x23: {  	[sflag:s11] =	ssyncset.done $0x0  }
0x24: {  	[sflag:s11] =	ssyncadd.s32 $0xFFFFD840  }
0x25: {  	[tilespmem:s12], [sflag:$0x5] =	stream.linear.gather [hbm4b:s7+s3], $0x27C0, $0x38;
	[tilespmem:$0xC880] =	vst v63  }
0x26: {  	_ =	swait.ge [sflag:s11], $0x27C0  }
0x27: {  	[sflag:s11] =	ssyncset.done $0x0  }
0x28: {  	[sflag:s11] =	ssyncadd.s32 $0xFFFFD840  }
0x29: {  	[tilespmem:s19], [sflag:$0x5] =	stream.linear.gather [hbm4b:s8+s3], $0x10, $0x38;
	[tilespmem:$0xC880] =	vst v63  }
0x2a: {  	_ =	swait.ge [sflag:s11], $0x10  }
0x2b: {  	[sflag:s11] =	ssyncset.done $0x0  }
0x2c: {  	[sflag:s11] =	ssyncadd.s32 $0xFFFFFFF0  }
0x2d: {  	[spmem:s15], [sflag:s14] =	dma.local [hbm:s5], $0x500  }
0x2e: {  	_ =	swait.ge [sflag:s11], $0x500  }
0x2f: {  	[sflag:s11] =	ssyncset.done $0x0  }
0x30: {  	[sflag:s11] =	ssyncadd.s32 $0xFFFFFB00  }
0x31: {  	[bflag:$0x0] =	sbarrier.arrive $0xFFFF  }
0x32: {  	v0 =	vld [tilespmem:$0x5000];
	_ =	sdelay $0x4  }
0x33: {  	v0 =	vxor.u32 $0x80000000, v0  }
0x34: {  	(xrf0) =	vmax.scan.msk.u32 $0xffff, v0;
	_ =	sdelay $0x5  }
0x35: {  	v0, _, _ =	vpop (xrf0)  }
0x36: {  	(v2sf) =	vpush v0, $0xF;
	_ =	sdelay $0xe  }
0x37: {  	s0 =	spop (v2sf)  }
0x38: {  	s1 =	sadd.s32 $0x8000004F, s0  }
0x39: {  	s24 =	smulhi.u32 $0x66666667, s1;
	s25 =	sshra.s32 s1, $0x1F  }
0x3a: {  	s25 =	smul.u32 $0x66666667, s25;
	_ =	sdelay $0x1  }
0x3b: {  	s24 =	sadd.s32 s25, s24  }
0x3c: {  	s25 =	sshrl.u32 s24, $0x1F;
	s24 =	sshra.s32 s24, $0x5  }
0x3d: {  	s24 =	sadd.s32 s25, s24  }
0x3e: {  	s25 =	smul.u32 $0xFFFFFFB0, s24  }
0x3f: {  	s0 =	ssub.s32 $0x7FFFFFB1, s0  }
0x40: {  	p0 =	slt.s32 s1, $0x1;
	p1 =	sne.s32 s25, s0  }
0x41: {  	p0 =	por !p0, !p1  }
0x42: {  	s0 =	simm.s32 $0x1;
	p0 =	por !p0, !p0  }
0x43: {  	s0 =	simm.s32 @!p0 $0x0  }
0x44: {  	s1 =	ssub.s32 s24, s0  }
0x45: {  	p0 =	sgt.s32 s1, $0x1;
	s0 =	smov.u32 s1  }
0x46: {  	s0 =	simm.s32 @!p0 $0x1;
	p0 =	slt.s32 s1, $0x2  }
.Ltmp2:
0x47: {  	_ = 	snop;
	(pc) =	sbr.rel @p0 .LBB2_12-.Ltmp2, $3  }
0x48: {  	_ =	sdelay $0x1  }
0x49: {  	[tilespmem:s18], [sflag:$0x1] =	stream.indirect.gather [hbm4b:s4+s17], $0x80, s3, s17, $0xb8;
	[tilespmem:$0xC880] =	vst v63  }
0x4a: {  	s24 =	sadd.s32 $0xFFFFFFFF, s0  }
0x4b: {  	[tilespmem:s20], [sflag:$0x2] =	stream.indirect.gather [hbm4b:s4+s17], $0x80, s17, s17, $0xb8;
	[tilespmem:$0xC880] =	vst v63  }
0x4c: {  	p0 =	seq.s32 s1, $0x2  }
.Ltmp3:
0x4d: {  	_ = 	snop;
	(pc) =	sbr.rel @p0 .LBB2_13-.Ltmp3, $4  }
0x4e: {  	_ =	swait.ge [sflag:s16], $0x2800  }
0x4f: {  	[sflag:s16] =	ssyncset.done $0x0  }
0x50: {  	[sflag:s16] =	ssyncadd.s32 $0xFFFFD800  }
0x51: {  	[spmem:s2] =	stream.indirect.scatter.add.f32 [tilespmem:s18], [sflag:$0x3], $0x80, s12, s17, $0xb8;
	[tilespmem:$0xC880] =	vst v63  }
0x52: {  	s26 =	sadd.s32 $0xFFFFFFFE, s0  }
0x53: {  	p0 =	sne.s32 s26, $0x1  }
.Ltmp4:
0x54: {  	_ = 	snop;
	(pc) =	sbr.rel @!p0 .LBB2_4-.Ltmp4, $4  }
0x55: {  	_ = 	snop  }
0x56: {  	s31 =	simm.s32 $0x0  }
0x57: {  	s25 =	simm.s32 $0x2850;
	s29 =	simm.s32 $0xA0;
	s0 =	sand.u32 $0x1, s31  }
0x58: {  	s30 =	simm.s32 $0x1;
	p1 =	por $0x0, $0x0;
	p2 =	seq.s32 s0, $0x0  }
0x59: {  	s0 =	simm.s32 @p2 $0x3  }
0x5a: {  	_ =	swait.ge @p2 [sflag:s0], $0x2800  }
0x5b: {  	s1 =	simm.s32 @p2 $0x2;
	p0 =	por p2, p2;
	[sflag:s0] =	ssyncset.done @p2 $0x0  }
0x5c: {  	s28 =	simm.s32 @p0 $0x5080;
	[sflag:s0] =	ssyncadd.s32 @p0 $0xFFFFD800;
	s0 =	simm.s32 @p0 $0x50  }
0x5d: {  	[tilespmem:s28], [sflag:$0x1] =	stream.indirect.gather @p0 [hbm4b:s4+s0], $0x80, s29, s0, $0xb8;
	[tilespmem:$0xC880] =	vst v63  }
0x5e: {  	_ =	swait.ge @p0 [sflag:s1], $0x2800  }
0x5f: {  	p3 =	sne.s32 s26, $0x2;
	s20 =	sand.u32 $0x1, s30;
	[sflag:s1] =	ssyncset.done @p0 $0x0  }
0x60: {  	s31 =	simm.s32 @!p0 $0x4;
	[sflag:s1] =	ssyncadd.s32 @p0 $0xFFFFD800;
	s1 =	simm.s32 @p0 $0x7880  }
0x61: {  	[spmem:s2] =	stream.indirect.scatter.add.f32 @p0 [tilespmem:s1], [sflag:$0x4], $0x80, s25, s0, $0xb8;
	[tilespmem:$0xC880] =	vst v63  }
0x62: {  	s30 =	simm.s32 $0x28A0;
	p1 =	por $0x1, $0x1;
	_ =	swait.ge @!p0 [sflag:s31], $0x2800  }
.Ltmp5:
0x63: {  	s0 =	simm.s32 @!p0 $0x7880;
	[sflag:s31] =	ssyncset.done @!p0 $0x0;
	(pc) =	sbr.rel @!p3 .LBB2_6-.Ltmp5, $4  }
0x64: {  	s1 =	simm.s32 @!p0 $0x1;
	[sflag:s31] =	ssyncadd.s32 @!p0 $0xFFFFD800;
	s31 =	simm.s32 @!p0 $0x50  }
0x65: {  	[tilespmem:s0], [sflag:$0x2] =	stream.indirect.gather @!p0 [hbm4b:s4+s31], $0x80, s29, s31, $0xb8;
	[tilespmem:$0xC880] =	vst v63  }
0x66: {  	p2 =	seq.s32 s20, $0x0;
	s28 =	simm.s32 $0x2;
	_ =	swait.ge @!p0 [sflag:s1], $0x2800  }
0x67: {  	s29 =	simm.s32 $0xF0;
	s0 =	simm.s32 @!p0 $0x5080;
	[sflag:s1] =	ssyncset.done @!p0 $0x0  }
.LBB2_7:
0x68: {  	s20 =	simm.s32 @p2 $0x3;
	[sflag:s1] =	ssyncadd.s32 @!p0 $0xFFFFD800  }
0x69: {  	s13 =	smov.u32 s28;
	s28 =	sadd.s32 $0x1, s28;
	s19 =	smov.u32 s29  }
0x6a: {  	[spmem:s2] =	stream.indirect.scatter.add.f32 @!p0 [tilespmem:s0], [sflag:$0x3], $0x80, s25, s31, $0xb8;
	[tilespmem:$0xC880] =	vst v63  }
0x6b: {  	p3 =	sne.s32 s26, s28;
	s25 =	smov.u32 s30;
	_ =	swait.ge @p2 [sflag:s20], $0x2800  }
0x6c: {  	s0 =	simm.s32 @p2 $0x2;
	p0 =	por p2, p2;
	[sflag:s20] =	ssyncset.done @p2 $0x0  }
0x6d: {  	s1 =	simm.s32 @p0 $0x50;
	[sflag:s20] =	ssyncadd.s32 @p0 $0xFFFFD800;
	s20 =	simm.s32 @p0 $0x5080  }
0x6e: {  	[tilespmem:s20], [sflag:$0x1] =	stream.indirect.gather @p0 [hbm4b:s4+s1], $0x80, s29, s1, $0xb8;
	[tilespmem:$0xC880] =	vst v63  }
0x6f: {  	_ =	swait.ge @p0 [sflag:s0], $0x2800  }
0x70: {  	[sflag:s0] =	ssyncset.done @p0 $0x0  }
0x71: {  	s20 =	simm.s32 @!p0 $0x4;
	[sflag:s0] =	ssyncadd.s32 @p0 $0xFFFFD800;
	s0 =	simm.s32 @p0 $0x7880  }
0x72: {  	[spmem:s2] =	stream.indirect.scatter.add.f32 @p0 [tilespmem:s0], [sflag:$0x4], $0x80, s30, s1, $0xb8;
	[tilespmem:$0xC880] =	vst v63  }
0x73: {  	s29 =	sadd.s32 $0x50, s29;
	_ =	swait.ge @!p0 [sflag:s20], $0x2800  }
.Ltmp6:
0x74: {  	s1 =	simm.s32 @!p0 $0x1;
	[sflag:s20] =	ssyncset.done @!p0 $0x0;
	(pc) =	sbr.rel @p3 .LBB2_7-.Ltmp6, $4  }
0x75: {  	s31 =	simm.s32 @!p0 $0x50;
	s0 =	simm.s32 @!p0 $0x7880;
	[sflag:s20] =	ssyncadd.s32 @!p0 $0xFFFFD800  }
0x76: {  	[tilespmem:s0], [sflag:$0x2] =	stream.indirect.gather @!p0 [hbm4b:s4+s31], $0x80, s19, s31, $0xb8;
	[tilespmem:$0xC880] =	vst v63  }
0x77: {  	s30 =	sadd.s32 $0x50, s30;
	s0 =	sand.u32 $0x1, s13;
	_ =	swait.ge @!p0 [sflag:s1], $0x2800  }
0x78: {  	p2 =	seq.s32 s0, $0x0;
	s0 =	simm.s32 @!p0 $0x5080;
	[sflag:s1] =	ssyncset.done @!p0 $0x0  }
0x79: {  	s26 =	smov.u32 s25  }
0x7a: {  	s25 =	smov.u32 s30;
	s19 =	simm.s32 $0x5000;
	s20 =	simm.s32 $0x7880  }
.LBB2_9:
0x7b: {  	p0 =	por p0, !p1  }
0x7c: {  	s13 =	simm.s32 @p2 $0x3;
	[sflag:s1] =	ssyncadd.s32 @!p0 $0xFFFFD800  }
0x7d: {  	[spmem:s2] =	stream.indirect.scatter.add.f32 @!p0 [tilespmem:s0], [sflag:$0x3], $0x80, s26, s31, $0xb8;
	[tilespmem:$0xC880] =	vst v63  }
0x7e: {  	_ =	swait.ge @p2 [sflag:s13], $0x2800  }
0x7f: {  	s0 =	simm.s32 @p2 $0x2;
	p0 =	por p2, p2;
	[sflag:s13] =	ssyncset.done @p2 $0x0  }
0x80: {  	s1 =	simm.s32 @p0 $0x50;
	[sflag:s13] =	ssyncadd.s32 @p0 $0xFFFFD800;
	s13 =	simm.s32 @p0 $0x5080  }
0x81: {  	[tilespmem:s13], [sflag:$0x1] =	stream.indirect.gather @p0 [hbm4b:s4+s1], $0x80, s29, s1, $0xb8;
	[tilespmem:$0xC880] =	vst v63  }
0x82: {  	_ =	swait.ge @p0 [sflag:s0], $0x2800  }
0x83: {  	[sflag:s0] =	ssyncset.done @p0 $0x0  }
0x84: {  	s13 =	simm.s32 @!p0 $0x4;
	[sflag:s0] =	ssyncadd.s32 @p0 $0xFFFFD800;
	s0 =	simm.s32 @p0 $0x7880  }
0x85: {  	[spmem:s2] =	stream.indirect.scatter.add.f32 @p0 [tilespmem:s0], [sflag:$0x4], $0x80, s25, s1, $0xb8;
	[tilespmem:$0xC880] =	vst v63  }
0x86: {  	_ =	swait.ge @!p0 [sflag:s13], $0x2800  }
0x87: {  	s0 =	simm.s32 @!p0 $0x1;
	[sflag:s13] =	ssyncset.done @!p0 $0x0  }
0x88: {  	s1 =	simm.s32 @!p0 $0x50;
	[sflag:s13] =	ssyncadd.s32 @!p0 $0xFFFFD800;
	s13 =	simm.s32 @!p0 $0x7880  }
0x89: {  	[tilespmem:s13], [sflag:$0x2] =	stream.indirect.gather @!p0 [hbm4b:s4+s1], $0x80, s29, s1, $0xb8;
	[tilespmem:$0xC880] =	vst v63  }
0x8a: {  	_ =	swait.ge @!p0 [sflag:s0], $0x2800  }
0x8b: {  	[sflag:s0] =	ssyncset.done @!p0 $0x0  }
0x8c: {  	s31 =	sand.u32 $0x1, s24;
	s13 =	simm.s32 @!p0 $0x5080;
	[sflag:s0] =	ssyncadd.s32 @!p0 $0xFFFFD800  }
0x8d: {  	[spmem:s2] =	stream.indirect.scatter.add.f32 @!p0 [tilespmem:s13], [sflag:$0x3], $0x80, s25, s1, $0xb8;
	[tilespmem:$0xC880] =	vst v63  }
0x8e: {  	p0 =	seq.s32 s31, $0x0  }
.Ltmp7:
0x8f: {  	_ = 	snop;
	(pc) =	sbr.rel @!p0 .LBB2_13-.Ltmp7, $1  }
0x90: {  	_ =	sdelay $0x3  }
.Ltmp8:
0x91: {  	(pc) =	sbr.rel .LBB2_11-.Ltmp8, $4  }
0x92: {  	s0 =	simm.s32 $0x4  }
0x93: {  	_ =	swait.ge [sflag:s0], $0x2800  }
0x94: {  	[sflag:s0] =	ssyncset.done $0x0  }
0x95: {  	[sflag:s0] =	ssyncadd.s32 $0xFFFFD800  }
.LBB2_12:
0x96: {  	s0 =	sand.u32 $0x1, s24  }
0x97: {  	p0 =	seq.s32 s0, $0x0  }
.Ltmp9:
0x98: {  	_ = 	snop;
	(pc) =	sbr.rel @!p0 .LBB2_13-.Ltmp9, $1  }
0x99: {  	_ =	sdelay $0x3  }
.LBB2_11:
0x9a: {  	s0 =	smul.u32 $0x140, s24  }
.Ltmp10:
0x9b: {  	_ =	swait.ge [sflag:s16], $0x2800;
	(pc) =	sbr.rel .LBB2_14-.Ltmp10, $4  }
0x9c: {  	[sflag:s16] =	ssyncset.done $0x0;
	s0 =	sshra.s32 s0, $0x2  }
0x9d: {  	[sflag:s16] =	ssyncadd.s32 $0xFFFFD800;
	s0 =	sadd.s32 $0x2800, s0  }
0x9e: {  	[spmem:s2] =	stream.indirect.scatter.add.f32 [tilespmem:s18], [sflag:$0x3], $0x80, s0, s17, $0xb8;
	[tilespmem:$0xC880] =	vst v63  }
0x9f: {  	s0 =	simm.s32 $0x3  }
.LBB2_4:
.Ltmp11:
0xa0: {  	(pc) =	sbr.rel .LBB2_9-.Ltmp11, $2  }
0xa1: {  	_ =	sdelay $0x2  }
0xa2: {  	_ = 	snop  }
.LBB2_6:
.Ltmp12:
0xa3: {  	(pc) =	sbr.rel .LBB2_9-.Ltmp12, $3  }
0xa4: {  	_ =	sdelay $0x1  }
0xa5: {  	s29 =	simm.s32 $0xF0;
	s26 =	simm.s32 $0x2850  }
0xa6: {  	s25 =	simm.s32 $0x28A0;
	s19 =	simm.s32 $0x5000;
	s20 =	simm.s32 $0x7880  }
.LBB2_15:
0xa7: {  	_ =	sfence.sel $0x180000  }
0xa8: {  	[bflag:$0x0] =	sbarrier.arrive $0xFFFF  }
0xa9: {  	_ =	strace $0x9000004D  }
0xaa: {  	s0 =	stileid.u32;
	[bflag:$0x2] =	sbarrier.arrive $0xFFFF  }
0xab: {  	p0 =	sne.s32 s0, $0x0;
	s0 =	rddreg [dreg:$0x2]  }
0xac: {  	s0 =	sadd.s32 @!p0 $0x100000, s0  }
0xad: {  	[sflag:s0] =	ssyncadd.tile.s32 @!p0 $0x1;
	_ =	shalt  }
.Lfunc_end2:
_tile_overlayer_lowered:
.L_overlay_start_2:
0xae: {  	(tag) =	ssettag $0x2  }
0xaf: {  	s0 =	rddreg [dreg:$0x0];
	s2 =	stileid.u32  }
0xb0: {  	s1 =	rddreg [dreg:$0x1];
	p0 =	sne.s32 s2, $0x0  }
0xb1: {  	s3 =	rddreg [dreg:$0x2];
	[bflag:$0x3] =	sbarrier.arrive $0xFFFF;
	s2 =	simm.s32 @!p0 $0x1C05  }
0xb2: {  	[timem:s3], [sflag:s2] =	dma.local @!p0 [hbm:s0], s1  }
0xb3: {  	s0 =	simm.s32 @!p0 $0x5  }
0xb4: {  	_ =	swait.ge @!p0 [sflag:s0], s1  }
0xb5: {  	s1 =	ssub.s32 @!p0 $0x0, s1;
	[sflag:s0] =	ssyncset.done @!p0 $0x0  }
0xb6: {  	[sflag:s0] =	ssyncadd.s32 @!p0 s1  }
0xb7: {  	[bflag:$0x3] =	sbarrier.arrive $0xFFFF  }
0xb8: {  	_ =	shalt  }

// kernel: kernel.9.cloned.1.call-start
scs
__scs_entry_jumppad:
0x0: {  	(pc) =	sbr.rel $0x88, $3  }
0x1: {  	(tag) =	ssettag $0x0;
	lr =	simm.s32 $0x1  }
0x2: {  	[smem:$0x3F96] =	sst lr;
	_ =	strace $0xD0000000  }
0x3: {  	_ = 	snop  }
0x4: {  	_ = 	snop  }
0x5: {  	_ = 	snop  }
0x6: {  	_ = 	snop  }
0x7: {  	_ = 	snop  }
__scs_overlays_trampoline_lowered:
0x8: {  	[smem:$0x3FA5] =	sst s0  }
0x9: {  	[smem:$0x3FA6] =	sst s1  }
0xa: {  	[smem:$0x3FA7] =	sst s2  }
0xb: {  	[smem:$0x3FA8] =	sst s3  }
0xc: {  	[smem:$0x3FA9] =	sst s4  }
0xd: {  	[smem:$0x3FAA] =	sst s5  }
0xe: {  	[smem:$0x3FAB] =	sst s6  }
0xf: {  	[smem:$0x3FAC] =	sst s7  }
0x10: {  	[smem:$0x3FAD] =	sst s8  }
0x11: {  	[smem:$0x3FAE] =	sst s9;
	s0 =	simm.s32 @!p0 $0x0  }
0x12: {  	s1 =	sld [smem:$0x3F94];
	s0 =	simm.s32 @p0 $0x1  }
0x13: {  	[smem:$0x3FAF] =	sst s0;
	s0 =	simm.s32 @!p1 $0x0  }
0x14: {  	s2 =	sld [smem:$0x3F93];
	s0 =	simm.s32 @p1 $0x1  }
0x15: {  	[smem:$0x3FB0] =	sst s0;
	s0 =	simm.s32 @!p2 $0x0  }
0x16: {  	s3 =	sld [smem:$0x3FDB];
	s0 =	simm.s32 @p2 $0x1  }
0x17: {  	s4 =	simm.s32 $0x1BF5;
	[smem:$0x3FB2] =	sst s0  }
0x18: {  	s0 =	sld [smem:$0x3F95];
	_ =	swait.ge [sflag:s4], $0x0  }
0x19: {  	s7 =	sld [smem:$0x3F96]  }
0x1a: {  	s8 =	sadd.s32 $0xFFFFE003, lr  }
0x1b: {  	s9 =	sadd.s32 $0xFFFFFEF7, lr;
	s5 =	simm.s32 $0xFFFFFFFF;
	p2 =	slt.u32 s8, $0xFFFFF086  }
0x1c: {  	p1 =	slt.u32 s9, $0xF7A;
	s5 =	simm.s32 @!p2 $0x0  }
0x1d: {  	s5 =	simm.s32 @p1 $0x1;
	p0 =	seq.s32 s7, s2  }
0x1e: {  	s7 =	smul.u32 @!p0 $0xF7A, s2;
	p2 =	seq.s32 @!p0 s5, $0x0  }
0x1f: {  	s9 =	smul.u32 $0xF7A, s1;
	s8 =	simm.s32 @!p0 $0x1BF5;
	p2 =	por !p2, p0  }
0x20: {  	[sflag:s8] =	ssyncset.s32 @!p0 $0xFFFFF086;
	s6 =	sadd.s32 @!p0 s3, s7;
	s7 =	simm.s32 @!p0 $0x108  }
0x21: {  	s3 =	sadd.s32 s3, s9;
	s6 =	sadd.s32 @!p0 $0x88, s6;
	s7 =	simm.s32 @p2 $0x1082  }
0x22: {  	[simem:s7], [sflag:s8] =	dma.local @!p0 [hbm:s6], $0xF7A  }
0x23: {  	s9 =	sor.u32 $0xD0000000, s2;
	s6 =	simm.s32 $0x108;
	_ =	swait.ge @!p0 [sflag:s8], $0x0  }
0x24: {  	s3 =	sadd.s32 $0x88, s3;
	s6 =	simm.s32 @!p1 $0x1082;
	[sflag:s4] =	ssyncset.s32 $0xFFFFF086  }
0x25: {  	[simem:s6], [sflag:s4] =	dma.local [hbm:s3], $0xF7A  }
0x26: {  	[smem:$0x3F96] =	sst s1;
	(tag) =	ssettag s2;
	_ =	strace s9  }
0x27: {  	s1 =	sld [smem:$0x3FA6]  }
0x28: {  	s2 =	sld [smem:$0x3FA7]  }
0x29: {  	s4 =	sld [smem:$0x3FA9]  }
0x2a: {  	p0 =	seq.s32 s5, $0x0;
	s5 =	sld [smem:$0x3FAA]  }
0x2b: {  	s6 =	sld [smem:$0x3FAB]  }
0x2c: {  	s7 =	sld [smem:$0x3FAC]  }
0x2d: {  	s3 =	simm.s32 $0x108;
	s8 =	sld [smem:$0x3FAD]  }
0x2e: {  	s3 =	simm.s32 @!p0 $0x1082;
	s9 =	sld [smem:$0x3FAE]  }
0x2f: {  	lr =	sadd.s32 s0, s3;
	s0 =	sld [smem:$0x3FA5]  }
0x30: {  	s3 =	sld [smem:$0x3FA8]  }
0x31: {  	[smem:$0x3FB1] =	sst s10  }
0x32: {  	s10 =	sld [smem:$0x3FAF];
	_ =	sdelay $0x3  }
0x33: {  	p0 =	seq.s32 s10, $0x1;
	s10 =	sld [smem:$0x3FB1];
	_ =	sdelay $0x3  }
0x34: {  	[smem:$0x3FB1] =	sst s10  }
0x35: {  	s10 =	sld [smem:$0x3FB0];
	_ =	sdelay $0x3  }
0x36: {  	p1 =	seq.s32 s10, $0x1;
	s10 =	sld [smem:$0x3FB1];
	_ =	sdelay $0x3  }
0x37: {  	[smem:$0x3FB1] =	sst s10  }
0x38: {  	s10 =	sld [smem:$0x3FB2]  }
0x39: {  	_ = 	snop;
	(pc) =	sbr.ind lr, $3  }
0x3a: {  	_ = 	snop  }
0x3b: {  	_ = 	snop  }
0x3c: {  	p2 =	seq.s32 s10, $0x1;
	s10 =	sld [smem:$0x3FB1]  }
0x3d: {  	_ =	shalt  }
0x3e: {  	_ =	shalt  }
0x3f: {  	_ =	shalt  }
0x40: {  	_ =	shalt  }
0x41: {  	_ =	shalt  }
0x42: {  	_ =	shalt  }
0x43: {  	_ =	shalt  }
0x44: {  	_ =	shalt  }
0x45: {  	_ =	shalt  }
0x46: {  	_ =	shalt  }
0x47: {  	_ =	shalt  }
0x48: {  	_ =	shalt  }
0x49: {  	_ =	shalt  }
0x4a: {  	_ =	shalt  }
0x4b: {  	_ =	shalt  }
0x4c: {  	_ =	shalt  }
0x4d: {  	_ =	shalt  }
0x4e: {  	_ =	shalt  }
0x4f: {  	_ =	shalt  }
0x50: {  	_ =	shalt  }
0x51: {  	_ =	shalt  }
0x52: {  	_ =	shalt  }
0x53: {  	_ =	shalt  }
0x54: {  	_ =	shalt  }
0x55: {  	_ =	shalt  }
0x56: {  	_ =	shalt  }
0x57: {  	_ =	shalt  }
0x58: {  	_ =	shalt  }
0x59: {  	_ =	shalt  }
0x5a: {  	_ =	shalt  }
0x5b: {  	_ =	shalt  }
0x5c: {  	_ =	shalt  }
0x5d: {  	_ =	shalt  }
0x5e: {  	_ =	shalt  }
0x5f: {  	_ =	shalt  }
0x60: {  	_ =	shalt  }
0x61: {  	_ =	shalt  }
0x62: {  	_ =	shalt  }
0x63: {  	_ =	shalt  }
0x64: {  	_ =	shalt  }
0x65: {  	_ =	shalt  }
0x66: {  	_ =	shalt  }
0x67: {  	_ =	shalt  }
0x68: {  	_ =	shalt  }
0x69: {  	_ =	shalt  }
0x6a: {  	_ =	shalt  }
0x6b: {  	_ =	shalt  }
0x6c: {  	_ =	shalt  }
0x6d: {  	_ =	shalt  }
0x6e: {  	_ =	shalt  }
0x6f: {  	_ =	shalt  }
0x70: {  	_ =	shalt  }
0x71: {  	_ =	shalt  }
0x72: {  	_ =	shalt  }
0x73: {  	_ =	shalt  }
0x74: {  	_ =	shalt  }
0x75: {  	_ =	shalt  }
0x76: {  	_ =	shalt  }
0x77: {  	_ =	shalt  }
0x78: {  	_ =	shalt  }
0x79: {  	_ =	shalt  }
0x7a: {  	_ =	shalt  }
0x7b: {  	_ =	shalt  }
0x7c: {  	_ =	shalt  }
0x7d: {  	_ =	shalt  }
0x7e: {  	_ =	shalt  }
0x7f: {  	_ =	shalt  }
0x80: {  	_ =	shalt  }
0x81: {  	_ =	shalt  }
0x82: {  	_ =	shalt  }
0x83: {  	_ =	shalt  }
0x84: {  	_ =	shalt  }
0x85: {  	_ =	shalt  }
0x86: {  	_ =	shalt  }
0x87: {  	_ =	shalt  }
.Lfunc_end0:
.L_simem_size_0:
called_computation_lowered:
.L_overlay_start_0:
0x88: {  	s2 =	sld [smem:$0x3FD9]  }
0x89: {  	s3 =	sld [smem:$0x3FFE];
	_ =	sdelay $0x1  }
0x8a: {  	s1 =	srdreg.scid  }
0x8b: {  	s0 =	sand.u32 $0x1, s1  }
0x8c: {  	s17 =	sshll.u32 s0, $0xA;
	s2 =	sadd.s32 s3, s2  }
0x8d: {  	s2 =	sadd.s32 s2, s17  }
0x8e: {  	[smem:$0x3FBD] =	sst s2  }
0x8f: {  	_ = 	snop  }
0x90: {  	s2 =	sld [smem:$0x3FD0];
	(tm) =	ssettm $0x1  }
0x91: {  	s18 =	sld [smem:$0x3FFB];
	_ =	sdelay $0x3  }
0x92: {  	_ =	strace s18  }
0x93: {  	s3 =	sld [smem:$0x3FFC];
	_ =	sdelay $0x3  }
0x94: {  	_ =	strace s3  }
0x95: {  	s3 =	sld [smem:$0x3FFD];
	_ =	sdelay $0x3  }
0x96: {  	_ =	strace s3  }
0x97: {  	_ =	strace $0x8FFFFFFF  }
0x98: {  	s19 =	sld [smem:$0x3FDB];
	_ =	sdelay $0x1  }
0x99: {  	s4 =	simm.s32 $_scs_section_size  }
0x9a: {  	s5 =	simm.s32 $_size__tile_overlayer_lowered;
	s6 =	simm.s32 $_tile_overlayer_lowered  }
0x9b: {  	s22 =	simm.s32 $0x1BFF;
	s21 =	sshll.u32 s6, $0x1;
	s3 =	sadd.s32 s4, s19  }
0x9c: {  	s7 =	simm.s32 $0x0;
	s20 =	sshll.u32 s5, $0x1;
	s5 =	sadd.s32 s21, s3  }
0x9d: {  	[timem:s7], [sflag:s22] =	dma.local [hbm:s5], s20  }
0x9e: {  	_ =	swait.ge [sflag:s22], s20  }
0x9f: {  	s4 =	ssub.s32 $0x0, s20;
	[sflag:s22] =	ssyncset.done $0x0  }
0xa0: {  	[sflag:s22] =	ssyncadd.s32 s4;
	_ =	sdelay $0x1  }
0xa1: {  	s23 =	simm.s32 $0x1B8B  }
0xa2: {  	_ =	swait.ge [sflag:s23], $0x1  }
0xa3: {  	[sflag:s23] =	ssyncset.done $0x0  }
0xa4: {  	s25 =	simm.s32 $0x1B8E;
	s24 =	sld [smem:$0x3FFE];
	[sflag:s23] =	ssyncadd.s32 $0xFFFFFFFF  }
0xa5: {  	s26 =	simm.s32 $execute0_lowered;
	[smem:$0x3FD2] =	sst s25  }
0xa6: {  	s5 =	sshll.u32 s26, $0x1;
	_ =	strace $0x80000046;
	[dreg:$0x1] =	wrdreg $0xFFFFFFFF  }
0xa7: {  	s28 =	simm.s32 $_size_execute0_lowered;
	s3 =	sadd.s32 s3, s5;
	[dreg:$0x0] =	wrdreg $0x0  }
0xa8: {  	s5 =	sshll.u32 s28, $0x1;
	[dreg:$0x2] =	wrdreg s3  }
0xa9: {  	[dreg:$0x3] =	wrdreg s5  }
0xaa: {  	[dreg:$0x4] =	wrdreg $0xC0  }
0xab: {  	_ =	task [dreg:s7], $0x5FFFF  }
0xac: {  	[dreg:$0x1] =	wrdreg $0xFFFFFFFF  }
0xad: {  	[dreg:$0x0] =	wrdreg $0x60  }
0xae: {  	[dreg:$0x2] =	wrdreg s24  }
0xaf: {  	[dreg:$0x3] =	wrdreg s2  }
0xb0: {  	[dreg:$0x4] =	wrdreg $0xA3000  }
0xb1: {  	[dreg:$0x5] =	wrdreg $0x9  }
0xb2: {  	_ =	task.clear_ibuf [dreg:s7], $0x6FFFF;
	_ =	strace $0x90000046  }
0xb3: {  	s29 =	simm.s32 $0x9;
	_ =	strace $0x80000048  }
0xb4: {  	_ =	swait.ge [sflag:s29], $0x1  }
0xb5: {  	[sflag:s29] =	ssyncadd.s32 $0xFFFFFFFF  }
0xb6: {  	_ =	strace $0x90000048  }
0xb7: {  	_ =	sfence  }
0xb8: {  	s30 =	sld [smem:$0x0];
	_ =	sdelay $0x2  }
0xb9: {  	s31 =	sshll.u32 s1, $0xD;
	s1 =	sshrl.u32 s1, $0x2  }
0xba: {  	s3 =	sand.u32 $0x4000, s31;
	s1 =	sadd.s32 s1, s30  }
0xbb: {  	s0 =	sor.u32 s3, s0;
	s1 =	sshll.u32 s1, $0x11  }
0xbc: {  	s0 =	sor.u32 s1, s0  }
0xbd: {  	s0 =	sadd.s32 $0x8F2B, s0  }
0xbe: {  	[sflag:s0] =	ssyncadd.remote.s32 $0x1  }
0xbf: {  	_ =	sfence.sel $0xFFFF  }
0xc0: {  	[dreg:$0x0] =	wrdreg $0xFFFFFFFF;
	(pc) =	sbr.abs _section_cstart, $3  }
0xc1: {  	[dreg:$0x1] =	wrdreg $0xFFFFFFFF  }
0xc2: {  	_ =	task.clear_ibuf [dreg:s7], $0x2FFFF;
	_ =	strace $0x9FFFFFFF  }
0xc3: {  	(tm) =	ssettm $0x7FFFFFFF  }
tec
execute0_lowered:
.L_overlay_start_1:
0x0: {  	(tag) =	ssettag $0x1  }
0x1: {  	s1 =	rddreg [dreg:$0x0]  }
0x2: {  	s0 =	srdreg.scid;
	s11 =	rddreg [dreg:$0x1]  }
0x3: {  	s8 =	stileid.u32;
	s2 =	rddreg [dreg:$0x2]  }
0x4: {  	s13 =	simm.s32 $0x6;
	s14 =	simm.s32 $0x2780;
	s16 =	simm.s32 $0xA080  }
0x5: {  	s17 =	simm.s32 $0x50;
	s18 =	simm.s32 $0xA000;
	s20 =	simm.s32 $0x2820  }
0x6: {  	s21 =	simm.s32 $0x2870;
	s22 =	simm.s32 $0x28C0;
	s23 =	simm.s32 $0x1  }
0x7: {  	s24 =	simm.s32 $0x2;
	s28 =	simm.s32 $0x5;
	s29 =	simm.s32 $0x7780  }
0x8: {  	s30 =	simm.s32 $0x4F80;
	s31 =	simm.s32 $0x9F80;
	s0 =	sand.u32 $0x1, s0  }
0x9: {  	s10 =	smul.u32 $0x278, s8;
	s3 =	sshll.u32 s0, $0x4;
	s25 =	ssub.s32 $0x2, s0  }
0xa: {  	s0 =	smul.u32 $0x2780, s0;
	s5 =	sor.u32 s8, s3;
	s3 =	simm.s32 $0x0  }
0xb: {  	s26 =	sshrl.u32 s25, $0x1;
	s4 =	smul.u32 $0x4E2, s5;
	[smem:$0x7FF] =	sst s3  }
0xc: {  	s6 =	smul.u32 $0x4F8, s5;
	s5 =	sshll.u32 s5, $0x1;
	s12 =	ssub.s32 s25, s26  }
0xd: {  	s0 =	sadd.s32 s10, s0;
	s25 =	simm.s32 $0x3;
	s26 =	simm.s32 $0x4  }
0xe: {  	_ =	strace $0x80000047;
	s0 =	sshrl.u32 s0, $0x3;
	s12 =	smax.u32 s12, $0x1  }
0xf: {  	s7 =	sadd.s32 s4, s1;
	s4 =	sadd.s32 $0x16800, s1;
	s9 =	sadd.s32 s6, s1  }
0x10: {  	s1 =	sadd.s32 s5, s1;
	s11 =	sadd.s32 s11, s0;
	s5 =	sadd.s32 $0xCA00, s7  }
0x11: {  	v0 =	vimm.f32 $1.000000000e+00;
	v1 =	vimm.f32 $0.0e+00;
	v4 =	vlaneseq.u32;
	s6 =	sadd.s32 $0x2C00, s7;
	s7 =	sadd.s32 s10, s2;
	s8 =	sadd.s32 $0x16A00, s9  }
0x12: {  	v2 =	vimm.s32 $0x400;
	v3 =	vimm.s32 $0x0;
	v4 =	vor.u32 $0x27B0, v4;
	s9 =	sadd.s32 $0x20A00, s9;
	s10 =	sadd.s32 $0x2AA00, s1;
	s1 =	simm.s32 $0x0  }
.LBB2_1:
0x13: {  	[tilespmem:$0xA000] =	vst v0  }
0x14: {  	[tilespmem:$0xA010] =	vst v0  }
0x15: {  	[tilespmem:$0xA020] =	vst v0  }
0x16: {  	[tilespmem:$0xA030] =	vst v0  }
0x17: {  	[tilespmem:$0xA040] =	vst v0  }
0x18: {  	[tilespmem:$0xA080] =	vst v1  }
0x19: {  	[tilespmem:$0xA090] =	vst v1  }
0x1a: {  	[tilespmem:$0xA0A0] =	vst v1  }
0x1b: {  	[tilespmem:$0xA0B0] =	vst v1  }
0x1c: {  	[tilespmem:$0xA0C0] =	vst v1  }
0x1d: {  	[tilespmem:$0xA0D0] =	vst v1  }
0x1e: {  	[tilespmem:$0xA0E0] =	vst v1  }
0x1f: {  	[tilespmem:$0xA0F0] =	vst v1  }
0x20: {  	[tilespmem:$0xA100] =	vst v1  }
0x21: {  	[tilespmem:$0xA110] =	vst v1  }
0x22: {  	[tilespmem:$0xA120] =	vst v1  }
0x23: {  	[tilespmem:$0xA130] =	vst v1  }
0x24: {  	[tilespmem:$0xA140] =	vst v1  }
0x25: {  	[tilespmem:$0xA150] =	vst v1  }
0x26: {  	[tilespmem:$0xA160] =	vst v1  }
0x27: {  	[tilespmem:$0xA170] =	vst v1  }
0x28: {  	[tilespmem:$0xA180] =	vst v1  }
0x29: {  	[tilespmem:$0xA190] =	vst v1  }
0x2a: {  	[tilespmem:$0xA1A0] =	vst v1  }
0x2b: {  	[tilespmem:$0xA1B0] =	vst v1  }
0x2c: {  	[tilespmem:$0xA1C0] =	vst v1  }
0x2d: {  	[tilespmem:$0xA1D0] =	vst v1  }
0x2e: {  	[tilespmem:$0xA1E0] =	vst v1  }
0x2f: {  	[tilespmem:$0xA1F0] =	vst v1  }
0x30: {  	[tilespmem:$0xA200] =	vst v1  }
0x31: {  	[tilespmem:$0xA210] =	vst v1  }
0x32: {  	[tilespmem:$0xA220] =	vst v1  }
0x33: {  	[tilespmem:$0xA230] =	vst v1  }
0x34: {  	[tilespmem:$0xA240] =	vst v1  }
0x35: {  	[tilespmem:$0xA250] =	vst v1  }
0x36: {  	[tilespmem:$0xA260] =	vst v1  }
0x37: {  	[tilespmem:$0xA270] =	vst v1  }
0x38: {  	[tilespmem:$0xA280] =	vst v1  }
0x39: {  	[tilespmem:$0xA290] =	vst v1  }
0x3a: {  	[tilespmem:$0xA2A0] =	vst v1  }
0x3b: {  	[tilespmem:$0xA2B0] =	vst v1  }
0x3c: {  	[tilespmem:$0xA2C0] =	vst v1  }
0x3d: {  	[tilespmem:$0xA2D0] =	vst v1  }
0x3e: {  	[tilespmem:$0xA2E0] =	vst v1  }
0x3f: {  	[tilespmem:$0xA2E8] =	vst v1  }
0x40: {  	[tilespmem:s3], [sflag:$0x6] =	stream.linear.gather [hbm4b:s5+s3], $0x2710, $0x38;
	[tilespmem:$0xA578] =	vst v63  }
0x41: {  	_ =	swait.ge [sflag:s13], $0x2710  }
0x42: {  	[sflag:s13] =	ssyncset.done $0x0  }
0x43: {  	[sflag:s13] =	ssyncadd.s32 $0xFFFFD8F0  }
0x44: {  	[tilespmem:s14], [sflag:$0x6] =	stream.linear.gather [hbm4b:s6+s3], $0x2710, $0x38;
	[tilespmem:$0xA578] =	vst v63  }
0x45: {  	_ =	swait.ge [sflag:s13], $0x2710  }
0x46: {  	[sflag:s13] =	ssyncset.done $0x0  }
0x47: {  	s0 =	simm.s32 $0x4F00;
	[sflag:s13] =	ssyncadd.s32 $0xFFFFD8F0  }
0x48: {  	[tilespmem:s0], [sflag:$0x6] =	stream.linear.gather [hbm4b:s4+s3], $0x80, $0x38;
	[tilespmem:$0xA578] =	vst v63  }
0x49: {  	_ =	swait.ge [sflag:s13], $0x80  }
0x4a: {  	[sflag:s13] =	ssyncset.done $0x0  }
0x4b: {  	[sflag:s13] =	ssyncadd.s32 $0xFFFFFF80  }
0x4c: {  	[spmem:s7] =	stream.linear.scatter [tilespmem:s16], [sflag:$0x6], $0x278, $0x38;
	[tilespmem:$0xA578] =	vst v63  }
0x4d: {  	_ =	swait.ge [sflag:s13], $0x278  }
0x4e: {  	[sflag:s13] =	ssyncset.done $0x0  }
0x4f: {  	[sflag:s13] =	ssyncadd.s32 $0xFFFFFD88  }
0x50: {  	[bflag:$0x0] =	sbarrier.arrive $0xFFFF  }
0x51: {  	[spmem:s2] =	stream.indirect.scatter.add.f32 [tilespmem:s18], [sflag:$0x1], $0x1, s14, s17, $0xb8;
	[tilespmem:$0xA578] =	vst v63  }
0x52: {  	s19 =	simm.s32 $0x27D0  }
0x53: {  	[spmem:s2] =	stream.indirect.scatter.add.f32 [tilespmem:s18], [sflag:$0x2], $0x1, s19, s17, $0xb8;
	[tilespmem:$0xA578] =	vst v63  }
0x54: {  	_ = 	snop  }
0x55: {  	[spmem:s2] =	stream.indirect.scatter.add.f32 [tilespmem:s18], [sflag:$0x3], $0x1, s20, s17, $0xb8;
	[tilespmem:$0xA578] =	vst v63  }
0x56: {  	_ = 	snop  }
0x57: {  	[spmem:s2] =	stream.indirect.scatter.add.f32 [tilespmem:s18], [sflag:$0x4], $0x1, s21, s17, $0xb8;
	[tilespmem:$0xA578] =	vst v63  }
0x58: {  	_ = 	snop  }
0x59: {  	[spmem:s2] =	stream.indirect.scatter.add.f32 [tilespmem:s18], [sflag:$0x5], $0x1, s22, s17, $0xb8;
	[tilespmem:$0xA578] =	vst v63  }
0x5a: {  	_ =	swait.ge [sflag:s23], $0x50  }
0x5b: {  	[sflag:s23] =	ssyncset.done $0x0  }
0x5c: {  	s15 =	simm.s32 $0x2910;
	[sflag:s23] =	ssyncadd.s32 $0xFFFFFFB0  }
0x5d: {  	[spmem:s2] =	stream.indirect.scatter.add.f32 [tilespmem:s18], [sflag:$0x1], $0x1, s15, s17, $0xb8;
	[tilespmem:$0xA578] =	vst v63  }
0x5e: {  	_ =	swait.ge [sflag:s24], $0x50  }
0x5f: {  	[sflag:s24] =	ssyncset.done $0x0  }
0x60: {  	s19 =	simm.s32 $0x2960;
	[sflag:s24] =	ssyncadd.s32 $0xFFFFFFB0  }
0x61: {  	[spmem:s2] =	stream.indirect.scatter.add.f32 [tilespmem:s18], [sflag:$0x2], $0x1, s19, s17, $0xb8;
	[tilespmem:$0xA578] =	vst v63  }
0x62: {  	_ =	swait.ge [sflag:s25], $0x50  }
0x63: {  	[sflag:s25] =	ssyncset.done $0x0  }
0x64: {  	s15 =	simm.s32 $0x29B0;
	[sflag:s25] =	ssyncadd.s32 $0xFFFFFFB0  }
0x65: {  	[spmem:s2] =	stream.indirect.scatter.add.f32 [tilespmem:s18], [sflag:$0x3], $0x1, s15, s17, $0xb8;
	[tilespmem:$0xA578] =	vst v63  }
0x66: {  	_ =	swait.ge [sflag:s26], $0x50  }
0x67: {  	[sflag:s26] =	ssyncset.done $0x0  }
0x68: {  	s19 =	simm.s32 $0x2A00;
	[sflag:s26] =	ssyncadd.s32 $0xFFFFFFB0  }
0x69: {  	[spmem:s2] =	stream.indirect.scatter.add.f32 [tilespmem:s18], [sflag:$0x4], $0x1, s19, s17, $0xb8;
	[tilespmem:$0xA578] =	vst v63  }
0x6a: {  	_ =	swait.ge [sflag:s28], $0x50  }
0x6b: {  	[sflag:s28] =	ssyncset.done $0x0  }
0x6c: {  	s0 =	simm.s32 $0xFFFF7040;
	s15 =	simm.s32 $0x2A50;
	[sflag:s28] =	ssyncadd.s32 $0xFFFFFFB0  }
.LBB2_2:
0x6d: {  	[spmem:s2] =	stream.indirect.scatter.add.f32 [tilespmem:s18], [sflag:$0x5], $0x1, s15, s17, $0xb8;
	[tilespmem:$0xA578] =	vst v63  }
0x6e: {  	s15 =	smov.u32 s0  }
0x6f: {  	p0 =	sne.s32 s0, $0xFFFFF9C0;
	s0 =	sadd.s32 $0x640, s0;
	_ =	swait.ge [sflag:s23], $0x50  }
0x70: {  	s15 =	sshra.s32 s15, $0x2;
	[sflag:s23] =	ssyncset.done $0x0  }
0x71: {  	s19 =	sadd.s32 $0x4E90, s15;
	[sflag:s23] =	ssyncadd.s32 $0xFFFFFFB0  }
0x72: {  	[spmem:s2] =	stream.indirect.scatter.add.f32 [tilespmem:s18], [sflag:$0x1], $0x1, s19, s17, $0xb8;
	[tilespmem:$0xA578] =	vst v63  }
0x73: {  	_ =	swait.ge [sflag:s24], $0x50  }
0x74: {  	[sflag:s24] =	ssyncset.done $0x0  }
0x75: {  	s19 =	sadd.s32 $0x4EE0, s15;
	[sflag:s24] =	ssyncadd.s32 $0xFFFFFFB0  }
0x76: {  	[spmem:s2] =	stream.indirect.scatter.add.f32 [tilespmem:s18], [sflag:$0x2], $0x1, s19, s17, $0xb8;
	[tilespmem:$0xA578] =	vst v63  }
0x77: {  	_ =	swait.ge [sflag:s25], $0x50  }
0x78: {  	[sflag:s25] =	ssyncset.done $0x0  }
0x79: {  	s19 =	sadd.s32 $0x4F30, s15;
	[sflag:s25] =	ssyncadd.s32 $0xFFFFFFB0  }
0x7a: {  	[spmem:s2] =	stream.indirect.scatter.add.f32 [tilespmem:s18], [sflag:$0x3], $0x1, s19, s17, $0xb8;
	[tilespmem:$0xA578] =	vst v63  }
0x7b: {  	_ =	swait.ge [sflag:s26], $0x50  }
0x7c: {  	[sflag:s26] =	ssyncset.done $0x0  }
.Ltmp0:
0x7d: {  	s19 =	sadd.s32 $0x4F80, s15;
	[sflag:s26] =	ssyncadd.s32 $0xFFFFFFB0;
	(pc) =	sbr.rel @p0 .LBB2_2-.Ltmp0, $4  }
0x7e: {  	[spmem:s2] =	stream.indirect.scatter.add.f32 [tilespmem:s18], [sflag:$0x4], $0x1, s19, s17, $0xb8;
	[tilespmem:$0xA578] =	vst v63  }
0x7f: {  	_ =	swait.ge [sflag:s28], $0x50  }
0x80: {  	[sflag:s28] =	ssyncset.done $0x0  }
0x81: {  	s15 =	sadd.s32 $0x4FD0, s15;
	[sflag:s28] =	ssyncadd.s32 $0xFFFFFFB0  }
0x82: {  	[spmem:s2] =	stream.indirect.scatter.add.f32 [tilespmem:s18], [sflag:$0x5], $0x1, s15, s17, $0xb8;
	[tilespmem:$0xA578] =	vst v63  }
0x83: {  	s0 =	simm.s32 $0x40;
	s15 =	simm.s32 $0x0;
	v5 =	vimm.s32 $0x0;
	v6 =	vld [tilespmem:$0x4F00]  }
.LBB2_4:
0x84: {  	p0 =	sne.s32 s0, $0x9EC0;
	[tilespmem:s15+$0x7780] =	vst v2;
	s19 =	smov.u32 s0;
	s0 =	sadd.s32 $0x40, s0  }
.Ltmp1:
0x85: {  	[tilespmem:s15+$0x4F80] =	vst v5;
	(pc) =	sbr.rel @p0 .LBB2_4-.Ltmp1, $2  }
0x86: {  	_ =	sdelay $0x2  }
0x87: {  	s15 =	sshra.s32 s19, $0x2  }
0x88: {  	[tilespmem:s15+$0x7780] =	vst v2  }
0x89: {  	[tilespmem:s15+$0x4F80] =	vst v5;
	s0 =	simm.s32 $0x0  }
0x8a: {  	s15 =	simm.s32 $0x40;
	v7 =	vmov v5;
	v8 =	vld [tilespmem:s0+$0x2780]  }
.LBB2_6:
0x8b: {  	p0 =	sne.s32 s15, $0x9C00;
	_ =	sdelay $0x3  }
0x8c: {  	v8 =	vsub.s32 v8, v6  }
0x8d: {  	vm0 =	vlt.u32 v8, $0x400  }
0x8e: {  	v9 =	vsel vm0, $0x1, v3;
	v10 =	vmpcnt.ones.xlane vm0  }
0x8f: {  	(xrf0) =	vadd.scan.msk.s32 $0xffff, v9  }
0x90: {  	v5 =	vadd.s32 v5, v10;
	_ =	sdelay $0x4  }
0x91: {  	v9, _, _ =	vpop (xrf0)  }
0x92: {  	v9 =	vadd.s32 v9, v7;
	v7 =	vmov v5  }
0x93: {  	v9 =	vadd.s32 $0xFFFFFFFF, v9  }
0x94: {  	v9 =	vsel vm0, v9, v4  }
0x95: {  	v10 =	vld [tilespmem:s0+$0x0];
	_ =	sdelay $0x1  }
.Ltmp2:
0x96: {  	(pc) =	sbr.rel @p0 .LBB2_6-.Ltmp2, $4  }
0x97: {  	_ = 	snop  }
0x98: {  	[tilespmem:v9+s29+$0x0] =	vst.idx.msk $0xffff, v8  }
0x99: {  	s0 =	sshra.s32 s15, $0x2;
	[tilespmem:v9+s30+$0x0] =	vst.idx.msk $0xffff, v10  }
0x9a: {  	s15 =	sadd.s32 $0x40, s15;
	v8 =	vld [tilespmem:s0+$0x2780]  }
0x9b: {  	_ =	sdelay $0x3  }
0x9c: {  	v6 =	vsub.s32 v8, v6  }
0x9d: {  	vm0 =	vlt.u32 v6, $0x400  }
0x9e: {  	v62 =	vsel vm0, $0x1, v3  }
0x9f: {  	(xrf0) =	vadd.scan.msk.s32 $0xffff, v62;
	_ =	sdelay $0x5  }
0xa0: {  	v8, _, _ =	vpop (xrf0)  }
0xa1: {  	v7 =	vadd.s32 v8, v7  }
0xa2: {  	v7 =	vadd.s32 $0xFFFFFFFF, v7  }
0xa3: {  	v7 =	vsel vm0, v7, v4  }
0xa4: {  	v63 =	vld [tilespmem:s0+$0x0];
	_ =	sdelay $0x2  }
0xa5: {  	v9 =	vmpcnt.ones.xlane vm0  }
0xa6: {  	[tilespmem:v7+s29+$0x0] =	vst.idx.msk $0xffff, v6  }
0xa7: {  	v5 =	vadd.s32 v5, v9;
	[tilespmem:v7+s30+$0x0] =	vst.idx.msk $0xffff, v63  }
0xa8: {  	[tilespmem:$0x9F80] =	vst v5  }
0xa9: {  	[hbm4b:s8+s3] =	stream.linear.scatter [tilespmem:s30], [sflag:$0x6], $0x27C0, $0x38;
	[tilespmem:$0xA578] =	vst v63  }
0xaa: {  	_ =	swait.ge [sflag:s13], $0x27C0  }
0xab: {  	[sflag:s13] =	ssyncset.done $0x0  }
0xac: {  	[sflag:s13] =	ssyncadd.s32 $0xFFFFD840  }
0xad: {  	[hbm4b:s9+s3] =	stream.linear.scatter [tilespmem:s29], [sflag:$0x6], $0x27C0, $0x38;
	[tilespmem:$0xA578] =	vst v63  }
0xae: {  	_ =	swait.ge [sflag:s13], $0x27C0  }
0xaf: {  	[sflag:s13] =	ssyncset.done $0x0  }
0xb0: {  	[sflag:s13] =	ssyncadd.s32 $0xFFFFD840  }
0xb1: {  	[hbm4b:s10+s3] =	stream.linear.scatter [tilespmem:s31], [sflag:$0x6], $0x10, $0x38;
	[tilespmem:$0xA578] =	vst v63  }
0xb2: {  	_ =	swait.ge [sflag:s13], $0x10  }
0xb3: {  	[sflag:s13] =	ssyncset.done $0x0  }
0xb4: {  	[sflag:s13] =	ssyncadd.s32 $0xFFFFFFF0  }
0xb5: {  	_ =	swait.ge [sflag:s23], $0x50  }
0xb6: {  	[sflag:s23] =	ssyncset.done $0x0  }
0xb7: {  	[sflag:s23] =	ssyncadd.s32 $0xFFFFFFB0  }
0xb8: {  	_ =	swait.ge [sflag:s24], $0x50  }
0xb9: {  	[sflag:s24] =	ssyncset.done $0x0  }
0xba: {  	[sflag:s24] =	ssyncadd.s32 $0xFFFFFFB0  }
0xbb: {  	_ =	swait.ge [sflag:s25], $0x50  }
0xbc: {  	[sflag:s25] =	ssyncset.done $0x0  }
0xbd: {  	[sflag:s25] =	ssyncadd.s32 $0xFFFFFFB0  }
0xbe: {  	_ =	swait.ge [sflag:s26], $0x50  }
0xbf: {  	[sflag:s26] =	ssyncset.done $0x0  }
0xc0: {  	[sflag:s26] =	ssyncadd.s32 $0xFFFFFFB0  }
0xc1: {  	_ =	swait.ge [sflag:s28], $0x50  }
0xc2: {  	[sflag:s28] =	ssyncset.done $0x0  }
0xc3: {  	[sflag:s28] =	ssyncadd.s32 $0xFFFFFFB0  }
0xc4: {  	[bflag:$0x0] =	sbarrier.arrive $0xFFFF  }
0xc5: {  	[tilespmem:s16], [sflag:$0x6] =	stream.linear.gather [spmem:s7], $0x278, $0x38;
	[tilespmem:$0xA578] =	vst v63  }
0xc6: {  	s1 =	sadd.s32 $0x1, s1;
	_ =	swait.ge [sflag:s13], $0x278  }
0xc7: {  	p0 =	sne.s32 s1, s12;
	[sflag:s13] =	ssyncset.done $0x0  }
.Ltmp3:
0xc8: {  	[sflag:s13] =	ssyncadd.s32 $0xFFFFFD88;
	(pc) =	sbr.rel @p0 .LBB2_1-.Ltmp3, $4  }
0xc9: {  	[hbm4b:s11+s3] =	stream.linear.scatter [tilespmem:s16], [sflag:$0x6], $0x278, $0x38;
	[tilespmem:$0xA578] =	vst v63  }
0xca: {  	_ =	swait.ge [sflag:s13], $0x278  }
0xcb: {  	[sflag:s13] =	ssyncset.done $0x0  }
0xcc: {  	[sflag:s13] =	ssyncadd.s32 $0xFFFFFD88  }
0xcd: {  	_ =	sfence.sel $0x180000  }
0xce: {  	[bflag:$0x0] =	sbarrier.arrive $0xFFFF  }
0xcf: {  	_ =	strace $0x90000047  }
0xd0: {  	s0 =	stileid.u32;
	[bflag:$0x2] =	sbarrier.arrive $0xFFFF  }
0xd1: {  	p0 =	sne.s32 s0, $0x0;
	s0 =	rddreg [dreg:$0x3]  }
0xd2: {  	s0 =	sadd.s32 @!p0 $0x100000, s0  }
0xd3: {  	[sflag:s0] =	ssyncadd.tile.s32 @!p0 $0x1;
	_ =	shalt  }
.Lfunc_end2:
_tile_overlayer_lowered:
.L_overlay_start_2:
0xd4: {  	(tag) =	ssettag $0x2  }
0xd5: {  	s0 =	rddreg [dreg:$0x0];
	s2 =	stileid.u32  }
0xd6: {  	s1 =	rddreg [dreg:$0x1];
	p0 =	sne.s32 s2, $0x0  }
0xd7: {  	s3 =	rddreg [dreg:$0x2];
	[bflag:$0x3] =	sbarrier.arrive $0xFFFF;
	s2 =	simm.s32 @!p0 $0x1C06  }
0xd8: {  	[timem:s3], [sflag:s2] =	dma.local @!p0 [hbm:s0], s1  }
0xd9: {  	s0 =	simm.s32 @!p0 $0x6  }
0xda: {  	_ =	swait.ge @!p0 [sflag:s0], s1  }
0xdb: {  	s1 =	ssub.s32 @!p0 $0x0, s1;
	[sflag:s0] =	ssyncset.done @!p0 $0x0  }
0xdc: {  	[sflag:s0] =	ssyncadd.s32 @!p0 s1  }
0xdd: {  	[bflag:$0x3] =	sbarrier.arrive $0xFFFF  }
0xde: {  	_ =	shalt  }

</sc_bundles>
